<compile_context>
chip_gen: v7x
topology: tpu7x:2x2x1
jax: 0.10.2.dev20260603
libtpu: 0.0.44.dev20260713+nightly
codegen_flags: <defaults>
</compile_context>

<pallas_src>
import numpy as np

import jax
import jax.numpy as jnp
from jax import lax
from jax.experimental import pallas as pl
from jax.experimental.pallas import tpu as pltpu
from jax.experimental.pallas import tpu_sc as plsc

N = 10000
NP = 10240
E = 320000
D = 128

NC = 2
NS = 16
NW = NC * NS
EPW = E // NW
C = 80
NCHUNK = -(-EPW // C)
EPWP = NCHUNK * C
PAD = EPWP - EPW
KB = 2
DNB = 5
RPT = NP // NS
DW = 128

_mesh = plsc.VectorSubcoreMesh(core_axis_name="c", subcore_axis_name="s",
                               num_cores=NC, num_subcores=NS)


def _build_deg():
    return pl.kernel(
        _deg_body,
        out_type=(
            jax.ShapeDtypeStruct((NC, NP, DW), jnp.float32),
            jax.ShapeDtypeStruct((NC, NP, DW), jnp.float32),
        ),
        mesh=_mesh,
        scratch_types=[
            pltpu.VMEM((NCHUNK, C), jnp.int32),
            pltpu.VMEM((C, DW), jnp.float32),
            pltpu.VMEM_SHARED((NP, DW), jnp.float32),
            [pltpu.SemaphoreType.DMA] * DNB,
        ],
    )


def _deg_body(srcr_hbm, dstr_hbm, zcnt_hbm, ones_hbm, scnt_out, dcnt_out,
              idx_v, ones_v, cnt_sh, sems):
    c = lax.axis_index("c")
    s = lax.axis_index("s")
    wid = c * jnp.int32(NS) + s

    pltpu.sync_copy(ones_hbm, ones_v)
    row0 = s * jnp.int32(RPT)

    for e_hbm, out in ((srcr_hbm, scnt_out), (dstr_hbm, dcnt_out)):
        pltpu.sync_copy(e_hbm.at[wid], idx_v)
        pltpu.sync_copy(zcnt_hbm, cnt_sh.at[pl.ds(row0, RPT)])
        plsc.subcore_barrier()

        def group(_, j0):
            for b in range(DNB):
                pltpu.async_copy(ones_v, cnt_sh.at[idx_v.at[j0 + jnp.int32(b)]],
                                 sems[b], add=True)
            for b in range(DNB):
                pltpu.make_async_copy(ones_v, cnt_sh.at[idx_v.at[j0 + jnp.int32(b)]],
                                      sems[b]).wait()
            return j0 + jnp.int32(DNB)

        lax.fori_loop(0, NCHUNK // DNB, group, jnp.int32(0))
        plsc.subcore_barrier()

        pltpu.sync_copy(cnt_sh.at[pl.ds(row0, RPT)],
                        out.at[c, pl.ds(row0, RPT)])
        plsc.subcore_barrier()


def _build_agg():
    return pl.kernel(
        _agg_body,
        out_type=jax.ShapeDtypeStruct((NC, NP, D), jnp.float32),
        mesh=_mesh,
        scratch_types=[
            pltpu.VMEM((EPWP,), jnp.int32),
            pltpu.VMEM((NCHUNK, C), jnp.int32),
            pltpu.VMEM((KB, C, D), jnp.float32),
            pltpu.VMEM_SHARED((NP, D), jnp.float32),
            [pltpu.SemaphoreType.DMA] * KB,
        ],
    )


def _agg_body(h_hbm, srcf_hbm, dstr_hbm, zrow_hbm, out_hbm,
              sidx, didx, rows, agg_sh, sems):
    c = lax.axis_index("c")
    s = lax.axis_index("s")
    wid = c * jnp.int32(NS) + s

    row0 = s * jnp.int32(RPT)
    pltpu.sync_copy(zrow_hbm, agg_sh.at[pl.ds(row0, RPT)])
    pltpu.sync_copy(srcf_hbm.at[wid], sidx)
    pltpu.sync_copy(dstr_hbm.at[wid], didx)
    plsc.subcore_barrier()

    pltpu.async_copy(h_hbm.at[sidx.at[pl.ds(np.int32(0), C)]],
                     rows.at[np.int32(0)], sems[0]).wait()

    def group(_, carry):
        j0, off = carry
        o1 = pl.multiple_of(off + jnp.int32(C), 8)
        pltpu.async_copy(h_hbm.at[sidx.at[pl.ds(o1, C)]],
                         rows.at[np.int32(1)], sems[1])
        pltpu.sync_copy(rows.at[np.int32(0)], agg_sh.at[didx.at[j0]],
                        add=True)
        pltpu.make_async_copy(h_hbm.at[sidx.at[pl.ds(o1, C)]],
                              rows.at[np.int32(1)], sems[1]).wait()
        o2 = pl.multiple_of(off + jnp.int32(2 * C), 8)
        pltpu.async_copy(h_hbm.at[sidx.at[pl.ds(o2, C)]],
                         rows.at[np.int32(0)], sems[0])
        pltpu.sync_copy(rows.at[np.int32(1)],
                        agg_sh.at[didx.at[j0 + jnp.int32(1)]], add=True)
        pltpu.make_async_copy(h_hbm.at[sidx.at[pl.ds(o2, C)]],
                              rows.at[np.int32(0)], sems[0]).wait()
        return (j0 + jnp.int32(2), off + jnp.int32(2 * C))

    lax.fori_loop(0, (NCHUNK - 1) // 2, group,
                  (jnp.int32(0), jnp.int32(0)))
    pltpu.sync_copy(rows.at[np.int32(0)],
                    agg_sh.at[didx.at[np.int32(NCHUNK - 1)]], add=True)
    plsc.subcore_barrier()

    pltpu.sync_copy(agg_sh.at[pl.ds(row0, RPT)],
                    out_hbm.at[c, pl.ds(row0, RPT)])


_RB = 1000
_I0 = np.int32(0)


def _norm_prep_body(scnt_ref, dcnt_ref, feat_ref, ns_ref, nd_ref, out_ref):
    sdeg = scnt_ref[0, :, 0:1] + scnt_ref[1, :, 0:1]
    ddeg = dcnt_ref[0, :, 0:1] + dcnt_ref[1, :, 0:1]
    ns = lax.rsqrt(jnp.maximum(sdeg, 1.0))
    ns_ref[...] = ns
    nd_ref[...] = lax.rsqrt(jnp.maximum(ddeg, 1.0))
    out_ref[...] = feat_ref[...] * ns


def _norm_prep(scnt, dcnt, feat):
    return pl.pallas_call(
        _norm_prep_body,
        grid=(N // _RB,),
        in_specs=[
            pl.BlockSpec((NC, _RB, DW), lambda i: (_I0, i, _I0)),
            pl.BlockSpec((NC, _RB, DW), lambda i: (_I0, i, _I0)),
            pl.BlockSpec((_RB, D), lambda i: (i, _I0)),
        ],
        out_specs=[
            pl.BlockSpec((_RB, 1), lambda i: (i, _I0)),
            pl.BlockSpec((_RB, 1), lambda i: (i, _I0)),
            pl.BlockSpec((_RB, D), lambda i: (i, _I0)),
        ],
        out_shape=[
            jax.ShapeDtypeStruct((N, 1), jnp.float32),
            jax.ShapeDtypeStruct((N, 1), jnp.float32),
            jax.ShapeDtypeStruct((N, D), jnp.float32),
        ],
    )(scnt, dcnt, feat)


def _post_body(agg_ref, nd_ref, ns_ref, w_ref, b_ref,
               pre_ref, act_ref, nxt_ref):
    t = (agg_ref[0] + agg_ref[1]) * nd_ref[...]
    pre = jnp.dot(t, w_ref[...], preferred_element_type=jnp.float32) + b_ref[...]
    act = jnp.maximum(pre, 0.0)
    pre_ref[...] = pre
    act_ref[...] = act
    nxt_ref[...] = act * ns_ref[...]


def _post(aggp, nd, ns, W, b2d):
    return pl.pallas_call(
        _post_body,
        grid=(N // _RB,),
        in_specs=[
            pl.BlockSpec((NC, _RB, D), lambda i: (_I0, i, _I0)),
            pl.BlockSpec((_RB, 1), lambda i: (i, _I0)),
            pl.BlockSpec((_RB, 1), lambda i: (i, _I0)),
            pl.BlockSpec((D, D), lambda i: (_I0, _I0)),
            pl.BlockSpec((1, D), lambda i: (_I0, _I0)),
        ],
        out_specs=[
            pl.BlockSpec((_RB, D), lambda i: (i, _I0)),
            pl.BlockSpec((_RB, D), lambda i: (i, _I0)),
            pl.BlockSpec((_RB, D), lambda i: (i, _I0)),
        ],
        out_shape=[
            jax.ShapeDtypeStruct((N, D), jnp.float32),
            jax.ShapeDtypeStruct((N, D), jnp.float32),
            jax.ShapeDtypeStruct((N, D), jnp.float32),
        ],
    )(aggp, nd, ns, W, b2d)


_DEG = _build_deg()
_AGG = _build_agg()


def kernel(feat, edge_index, W1, b1, W2, b2, W3, b3):
    src_w = edge_index[0].astype(jnp.int32).reshape(NW, EPW)
    dst_w = edge_index[1].astype(jnp.int32).reshape(NW, EPW)
    dump = jnp.full((NW, PAD), NP - 1, jnp.int32)
    srcf = jnp.pad(src_w, ((0, 0), (0, PAD)))
    srcr = jnp.concatenate([src_w, dump], axis=1).reshape(NW, NCHUNK, C)
    dstr = jnp.concatenate([dst_w, dump], axis=1).reshape(NW, NCHUNK, C)
    feat = feat.astype(jnp.float32)
    zrow = jnp.zeros((RPT, D), jnp.float32)
    zcnt = jnp.zeros((RPT, DW), jnp.float32)
    ones = jnp.ones((C, DW), jnp.float32)

    scnt, dcnt = _DEG(srcr, dstr, zcnt, ones)
    ns, nd, h = _norm_prep(scnt, dcnt, feat)
    pres, acts = [], []
    for W, b in ((W1, b1), (W2, b2), (W3, b3)):
        aggp = _AGG(h, srcf, dstr, zrow)
        pre, act, h = _post(aggp, nd, ns, W.astype(jnp.float32),
                            b.astype(jnp.float32).reshape(1, D))
        pres.append(pre)
        acts.append(act)

    return (acts[2], feat, pres[0], pres[1], pres[2],
            feat, acts[0], acts[1], acts[2])

# --- scband reference (transcript-rebuilt; emitter-appended) ---
"""Pipeline reference for scband-gcn-80977313399685 (READ-ONLY COPY).

The authoritative reference and input builder live on the scoring server;
editing this copy changes nothing except your own understanding.
"""

import jax, jax.numpy as jnp
import numpy as np
jax.config.update("jax_enable_x64", True)

N_NODES = 10000
N_EDGES = 320000
D = 128


def setup_inputs(seed: int = 0) -> dict:
    key = jax.random.key(seed)
    ks = jax.random.split(key, 10)
    feat = jax.random.normal(ks[0], (N_NODES, D), dtype=jnp.float32)
    edge_index = jax.random.randint(ks[1], (2, N_EDGES), 0, N_NODES, dtype=jnp.int64)
    scale = 1.0 / np.sqrt(D)
    W1 = jax.random.uniform(ks[2], (D, D), dtype=jnp.float32, minval=-scale, maxval=scale)
    b1 = jnp.zeros((D,), dtype=jnp.float32)
    W2 = jax.random.uniform(ks[3], (D, D), dtype=jnp.float32, minval=-scale, maxval=scale)
    b2 = jnp.zeros((D,), dtype=jnp.float32)
    W3 = jax.random.uniform(ks[4], (D, D), dtype=jnp.float32, minval=-scale, maxval=scale)
    b3 = jnp.zeros((D,), dtype=jnp.float32)
    return {"feat": feat, "edge_index": edge_index, "W1": W1, "b1": b1,
            "W2": W2, "b2": b2, "W3": W3, "b3": b3}


def _graph_conv(feat, src, dst, W, b, n):
    # DGL GraphConv with norm='both': D_out^{-1/2} applied to src feats,
    # scatter-add aggregation over edges, D_in^{-1/2} applied to dst,
    # then linear transform + bias. Degrees clamped to min 1.
    ones = jnp.ones(src.shape[0], dtype=feat.dtype)
    deg_out = jax.ops.segment_sum(ones, src, num_segments=n)
    deg_in = jax.ops.segment_sum(ones, dst, num_segments=n)
    norm_src = jnp.clip(deg_out, 1.0, None) ** -0.5
    norm_dst = jnp.clip(deg_in, 1.0, None) ** -0.5
    h = feat * norm_src[:, None]
    msg = jnp.take(h, src, axis=0)
    agg = jax.ops.segment_sum(msg, dst, num_segments=n)
    agg = agg * norm_dst[:, None]
    return agg @ W + b


def reference(feat, edge_index, W1, b1, W2, b2, W3, b3):
    n = feat.shape[0]
    src = edge_index[0]
    dst = edge_index[1]
    params = [(W1, b1), (W2, b2), (W3, b3)]
    h = feat
    h_list = [h]
    h_act_list = [h]
    for W, b in params:
        h = _graph_conv(h, src, dst, W, b, n)
        h_list.append(h)
        h = jax.nn.relu(h)
        h_act_list.append(h)
    return (h, *h_list, *h_act_list)

if __name__ == "__main__":
    import jax
    _d = setup_inputs()
    print(jax.jit(kernel)(*tuple(_d.values())))

</pallas_src>

<mosaic_0001>
#map = affine_map<(d0, d1) -> (0, 0)>
#map1 = affine_map<(d0, d1) -> (0, 0, 0)>
module attributes {stable_mosaic.version = 14 : i64} {
  func.func @_agg_body(%arg0: i32, %arg1: i32, %arg2: memref<10000x128xf32, #tpu.memory_space<hbm>>, %arg3: memref<32x10000xi32, #tpu.memory_space<hbm>>, %arg4: memref<32x125x80xi32, #tpu.memory_space<hbm>>, %arg5: memref<640x128xf32, #tpu.memory_space<hbm>>, %arg6: memref<2x10240x128xf32, #tpu.memory_space<hbm>>, %arg7: memref<10000xi32, #tpu.memory_space<vmem>>, %arg8: memref<125x80xi32, #tpu.memory_space<vmem>>, %arg9: memref<2x80x128xf32, #tpu.memory_space<vmem>>, %arg10: memref<10240x128xf32, #tpu.memory_space<vmem_shared>>, %arg11: memref<!tpu.dma_semaphore, #tpu.memory_space<semaphore_mem>>, %arg12: memref<!tpu.dma_semaphore, #tpu.memory_space<semaphore_mem>>) attributes {dimension_semantics = [#tpu.dimension_semantics<core_parallel>, #tpu.dimension_semantics<subcore_parallel>], iteration_bounds = array<i64: 2, 16>, scalar_prefetch = 0 : i64, scratch_operands = 6 : i64, tpu.core_type = #tpu.core_type<sc_vector_subcore>, window_params = [{transform_indices = #map}, {transform_indices = #map}, {transform_indices = #map1}, {transform_indices = #map}, {transform_indices = #map1}]} {
    %mul3A = arith.constant 16 : i32
    %mul3A_0 = arith.muli %arg0, %mul3A : i32
    %add3A = arith.addi %mul3A_0, %arg1 : i32
    %mul3A_1 = arith.constant 640 : i32
    %mul3A_2 = arith.muli %arg1, %mul3A_1 : i32
    "tpu.region"() ({
      %run_scoped3A_30 = tpu.sem_alloc : memref<!tpu.dma_semaphore, #tpu.memory_space<semaphore_mem>>
      %dma_start3A_31 = arith.constant 0 : i32
      %dma_start3A_32 = tpu.memref_slice %arg10[%mul3A_2, %dma_start3A_31] : memref<10240x128xf32, #tpu.memory_space<vmem_shared>> -> memref<640x128xf32, #tpu.memory_space<vmem_shared>>
      tpu.enqueue_dma source(%arg5 : memref<640x128xf32, #tpu.memory_space<hbm>>) target(%dma_start3A_32 : memref<640x128xf32, #tpu.memory_space<vmem_shared>>) target_semaphore(%run_scoped3A_30 : memref<!tpu.dma_semaphore, #tpu.memory_space<semaphore_mem>>)
      %dma_wait3A_33 = arith.constant 0 : i32
      %dma_wait3A_34 = tpu.memref_slice %arg10[%mul3A_2, %dma_wait3A_33] : memref<10240x128xf32, #tpu.memory_space<vmem_shared>> -> memref<640x128xf32, #tpu.memory_space<vmem_shared>>
      tpu.wait_dma2 semaphore(%run_scoped3A_30 : memref<!tpu.dma_semaphore, #tpu.memory_space<semaphore_mem>>) src(%arg5 : memref<640x128xf32, #tpu.memory_space<hbm>>) dst(%dma_wait3A_34 : memref<640x128xf32, #tpu.memory_space<vmem_shared>>)
      tpu.yield
    }) : () -> ()
    "tpu.region"() ({
      %run_scoped3A_30 = tpu.sem_alloc : memref<!tpu.dma_semaphore, #tpu.memory_space<semaphore_mem>>
      %dma_start3A_31 = arith.constant 0 : i32
      %dma_start3A_32 = tpu.memref_slice %arg3[%add3A, %dma_start3A_31] : memref<32x10000xi32, #tpu.memory_space<hbm>> -> memref<1x10000xi32, #tpu.memory_space<hbm>>
      %dma_start3A_33 = tpu.memref_squeeze %dma_start3A_32 : memref<1x10000xi32, #tpu.memory_space<hbm>> -> memref<10000xi32, #tpu.memory_space<hbm>>
      %dma_start3A_34 = arith.constant 0 : i32
      %dma_start3A_35 = tpu.memref_slice %arg3[%add3A, %dma_start3A_34] : memref<32x10000xi32, #tpu.memory_space<hbm>> -> memref<1x10000xi32, #tpu.memory_space<hbm>>
      %dma_start3A_36 = tpu.memref_squeeze %dma_start3A_35 : memref<1x10000xi32, #tpu.memory_space<hbm>> -> memref<10000xi32, #tpu.memory_space<hbm>>
      tpu.enqueue_dma source(%dma_start3A_36 : memref<10000xi32, #tpu.memory_space<hbm>>) target(%arg7 : memref<10000xi32, #tpu.memory_space<vmem>>) target_semaphore(%run_scoped3A_30 : memref<!tpu.dma_semaphore, #tpu.memory_space<semaphore_mem>>)
      %dma_wait3A_37 = arith.constant 0 : i32
      %dma_wait3A_38 = tpu.memref_slice %arg3[%add3A, %dma_wait3A_37] : memref<32x10000xi32, #tpu.memory_space<hbm>> -> memref<1x10000xi32, #tpu.memory_space<hbm>>
      %dma_wait3A_39 = tpu.memref_squeeze %dma_wait3A_38 : memref<1x10000xi32, #tpu.memory_space<hbm>> -> memref<10000xi32, #tpu.memory_space<hbm>>
      %dma_wait3A_40 = arith.constant 0 : i32
      %dma_wait3A_41 = tpu.memref_slice %arg3[%add3A, %dma_wait3A_40] : memref<32x10000xi32, #tpu.memory_space<hbm>> -> memref<1x10000xi32, #tpu.memory_space<hbm>>
      %dma_wait3A_42 = tpu.memref_squeeze %dma_wait3A_41 : memref<1x10000xi32, #tpu.memory_space<hbm>> -> memref<10000xi32, #tpu.memory_space<hbm>>
      tpu.wait_dma2 semaphore(%run_scoped3A_30 : memref<!tpu.dma_semaphore, #tpu.memory_space<semaphore_mem>>) src(%dma_wait3A_42 : memref<10000xi32, #tpu.memory_space<hbm>>) dst(%arg7 : memref<10000xi32, #tpu.memory_space<vmem>>)
      tpu.yield
    }) : () -> ()
    "tpu.region"() ({
      %run_scoped3A_30 = tpu.sem_alloc : memref<!tpu.dma_semaphore, #tpu.memory_space<semaphore_mem>>
      %dma_start3A_31 = arith.constant 0 : i32
      %dma_start3A_32 = arith.constant 0 : i32
      %dma_start3A_33 = tpu.memref_slice %arg4[%add3A, %dma_start3A_31, %dma_start3A_32] : memref<32x125x80xi32, #tpu.memory_space<hbm>> -> memref<1x125x80xi32, #tpu.memory_space<hbm>>
      %dma_start3A_34 = tpu.memref_squeeze %dma_start3A_33 : memref<1x125x80xi32, #tpu.memory_space<hbm>> -> memref<125x80xi32, #tpu.memory_space<hbm>>
      %dma_start3A_35 = arith.constant 0 : i32
      %dma_start3A_36 = arith.constant 0 : i32
      %dma_start3A_37 = tpu.memref_slice %arg4[%add3A, %dma_start3A_35, %dma_start3A_36] : memref<32x125x80xi32, #tpu.memory_space<hbm>> -> memref<1x125x80xi32, #tpu.memory_space<hbm>>
      %dma_start3A_38 = tpu.memref_squeeze %dma_start3A_37 : memref<1x125x80xi32, #tpu.memory_space<hbm>> -> memref<125x80xi32, #tpu.memory_space<hbm>>
      tpu.enqueue_dma source(%dma_start3A_38 : memref<125x80xi32, #tpu.memory_space<hbm>>) target(%arg8 : memref<125x80xi32, #tpu.memory_space<vmem>>) target_semaphore(%run_scoped3A_30 : memref<!tpu.dma_semaphore, #tpu.memory_space<semaphore_mem>>)
      %dma_wait3A_39 = arith.constant 0 : i32
      %dma_wait3A_40 = arith.constant 0 : i32
      %dma_wait3A_41 = tpu.memref_slice %arg4[%add3A, %dma_wait3A_39, %dma_wait3A_40] : memref<32x125x80xi32, #tpu.memory_space<hbm>> -> memref<1x125x80xi32, #tpu.memory_space<hbm>>
      %dma_wait3A_42 = tpu.memref_squeeze %dma_wait3A_41 : memref<1x125x80xi32, #tpu.memory_space<hbm>> -> memref<125x80xi32, #tpu.memory_space<hbm>>
      %dma_wait3A_43 = arith.constant 0 : i32
      %dma_wait3A_44 = arith.constant 0 : i32
      %dma_wait3A_45 = tpu.memref_slice %arg4[%add3A, %dma_wait3A_43, %dma_wait3A_44] : memref<32x125x80xi32, #tpu.memory_space<hbm>> -> memref<1x125x80xi32, #tpu.memory_space<hbm>>
      %dma_wait3A_46 = tpu.memref_squeeze %dma_wait3A_45 : memref<1x125x80xi32, #tpu.memory_space<hbm>> -> memref<125x80xi32, #tpu.memory_space<hbm>>
      tpu.wait_dma2 semaphore(%run_scoped3A_30 : memref<!tpu.dma_semaphore, #tpu.memory_space<semaphore_mem>>) src(%dma_wait3A_46 : memref<125x80xi32, #tpu.memory_space<hbm>>) dst(%arg8 : memref<125x80xi32, #tpu.memory_space<vmem>>)
      tpu.yield
    }) : () -> ()
    %barrier3A = arith.constant 0 : index
    tpu.barrier barrier_id(%barrier3A)
    %dma_start3A = arith.constant 0 : i32
    %dma_start3A_3 = arith.constant 0 : i32
    %dma_start3A_4 = arith.constant 0 : i32
    %dma_start3A_5 = tpu.memref_slice %arg9[%dma_start3A, %dma_start3A_3, %dma_start3A_4] : memref<2x80x128xf32, #tpu.memory_space<vmem>> -> memref<1x80x128xf32, #tpu.memory_space<vmem>>
    %dma_start3A_6 = tpu.memref_squeeze %dma_start3A_5 : memref<1x80x128xf32, #tpu.memory_space<vmem>> -> memref<80x128xf32, #tpu.memory_space<vmem>>
    %dma_start3A_7 = arith.constant 0 : i32
    %dma_start3A_8 = tpu.memref_slice %arg7[%dma_start3A_7] : memref<10000xi32, #tpu.memory_space<vmem>> -> memref<80xi32, #tpu.memory_space<vmem>>
    %dma_start3A_9 = arith.constant 0 : i32
    %dma_start3A_10 = arith.constant 0 : i32
    %dma_start3A_11 = tpu.memref_slice %arg2[%dma_start3A_9, %dma_start3A_10] : memref<10000x128xf32, #tpu.memory_space<hbm>> -> memref<10000x128xf32, #tpu.memory_space<hbm>>
    tpu.enqueue_indirect_dma source(%dma_start3A_11 : memref<10000x128xf32, #tpu.memory_space<hbm>>) target(%dma_start3A_6 : memref<80x128xf32, #tpu.memory_space<vmem>>) offsets(%dma_start3A_8 : memref<80xi32, #tpu.memory_space<vmem>>) semaphore(%arg11 : memref<!tpu.dma_semaphore, #tpu.memory_space<semaphore_mem>>)
    %dma_wait3A = arith.constant 0 : i32
    %dma_wait3A_12 = arith.constant 0 : i32
    %dma_wait3A_13 = arith.constant 0 : i32
    %dma_wait3A_14 = tpu.memref_slice %arg9[%dma_wait3A, %dma_wait3A_12, %dma_wait3A_13] : memref<2x80x128xf32, #tpu.memory_space<vmem>> -> memref<1x80x128xf32, #tpu.memory_space<vmem>>
    %dma_wait3A_15 = tpu.memref_squeeze %dma_wait3A_14 : memref<1x80x128xf32, #tpu.memory_space<vmem>> -> memref<80x128xf32, #tpu.memory_space<vmem>>
    %dma_wait3A_16 = arith.constant 0 : i32
    %dma_wait3A_17 = tpu.memref_slice %arg7[%dma_wait3A_16] : memref<10000xi32, #tpu.memory_space<vmem>> -> memref<80xi32, #tpu.memory_space<vmem>>
    %dma_wait3A_18 = arith.constant 0 : i32
    %dma_wait3A_19 = arith.constant 0 : i32
    %dma_wait3A_20 = tpu.memref_slice %arg2[%dma_wait3A_18, %dma_wait3A_19] : memref<10000x128xf32, #tpu.memory_space<hbm>> -> memref<10000x128xf32, #tpu.memory_space<hbm>>
    tpu.wait_indirect_dma semaphore(%arg11 : memref<!tpu.dma_semaphore, #tpu.memory_space<semaphore_mem>>) src(%dma_wait3A_20 : memref<10000x128xf32, #tpu.memory_space<hbm>>) dst(%dma_wait3A_15 : memref<80x128xf32, #tpu.memory_space<vmem>>)
    %scan3A = arith.constant 0 : i32
    %scan3A_21 = arith.constant 0 : i32
    %scan3A_22 = arith.constant 0 : i32
    %scan3A_23 = arith.constant 62 : i32
    %scan3A_24 = arith.addi %scan3A_22, %scan3A_23 : i32
    %scan3A_25 = arith.constant 1 : i32
    %scan3A_26:2 = scf.for %scan3A_30 = %scan3A_22 to %scan3A_24 step %scan3A_25 iter_args(%scan3A_31 = %scan3A, %scan3A_32 = %scan3A_21) -> (i32, i32)  : i32 {
      %add3A_33 = arith.constant 80 : i32
      %add3A_34 = arith.addi %scan3A_32, %add3A_33 : i32
      %multiple_of3A = tpu.assume_multiple %add3A_34, 8 : i32
      %dma_start3A_35 = arith.constant 1 : i32
      %dma_start3A_36 = arith.constant 0 : i32
      %dma_start3A_37 = arith.constant 0 : i32
      %dma_start3A_38 = tpu.memref_slice %arg9[%dma_start3A_35, %dma_start3A_36, %dma_start3A_37] : memref<2x80x128xf32, #tpu.memory_space<vmem>> -> memref<1x80x128xf32, #tpu.memory_space<vmem>>
      %dma_start3A_39 = tpu.memref_squeeze %dma_start3A_38 : memref<1x80x128xf32, #tpu.memory_space<vmem>> -> memref<80x128xf32, #tpu.memory_space<vmem>>
      %dma_start3A_40 = tpu.memref_slice %arg7[%multiple_of3A] : memref<10000xi32, #tpu.memory_space<vmem>> -> memref<80xi32, #tpu.memory_space<vmem>>
      %dma_start3A_41 = arith.constant 0 : i32
      %dma_start3A_42 = arith.constant 0 : i32
      %dma_start3A_43 = tpu.memref_slice %arg2[%dma_start3A_41, %dma_start3A_42] : memref<10000x128xf32, #tpu.memory_space<hbm>> -> memref<10000x128xf32, #tpu.memory_space<hbm>>
      tpu.enqueue_indirect_dma source(%dma_start3A_43 : memref<10000x128xf32, #tpu.memory_space<hbm>>) target(%dma_start3A_39 : memref<80x128xf32, #tpu.memory_space<vmem>>) offsets(%dma_start3A_40 : memref<80xi32, #tpu.memory_space<vmem>>) semaphore(%arg12 : memref<!tpu.dma_semaphore, #tpu.memory_space<semaphore_mem>>)
      %run_scoped3A_44 = arith.constant 0 : i32
      "tpu.region"() ({
        %run_scoped3A_82 = tpu.sem_alloc : memref<!tpu.dma_semaphore, #tpu.memory_space<semaphore_mem>>
        %dma_start3A_83 = arith.constant 0 : i32
        %dma_start3A_84 = arith.constant 0 : i32
        %dma_start3A_85 = tpu.memref_slice %arg9[%run_scoped3A_44, %dma_start3A_83, %dma_start3A_84] : memref<2x80x128xf32, #tpu.memory_space<vmem>> -> memref<1x80x128xf32, #tpu.memory_space<vmem>>
        %dma_start3A_86 = tpu.memref_squeeze %dma_start3A_85 : memref<1x80x128xf32, #tpu.memory_space<vmem>> -> memref<80x128xf32, #tpu.memory_space<vmem>>
        %dma_start3A_87 = arith.constant 0 : i32
        %dma_start3A_88 = tpu.memref_slice %arg8[%scan3A_31, %dma_start3A_87] : memref<125x80xi32, #tpu.memory_space<vmem>> -> memref<1x80xi32, #tpu.memory_space<vmem>>
        %dma_start3A_89 = tpu.memref_squeeze %dma_start3A_88 : memref<1x80xi32, #tpu.memory_space<vmem>> -> memref<80xi32, #tpu.memory_space<vmem>>
        %dma_start3A_90 = arith.constant 0 : i32
        %dma_start3A_91 = arith.constant 0 : i32
        %dma_start3A_92 = tpu.memref_slice %arg10[%dma_start3A_90, %dma_start3A_91] : memref<10240x128xf32, #tpu.memory_space<vmem_shared>> -> memref<10240x128xf32, #tpu.memory_space<vmem_shared>>
        tpu.enqueue_indirect_dma source(%dma_start3A_86 : memref<80x128xf32, #tpu.memory_space<vmem>>) target(%dma_start3A_92 : memref<10240x128xf32, #tpu.memory_space<vmem_shared>>) offsets(%dma_start3A_89 : memref<80xi32, #tpu.memory_space<vmem>>) semaphore(%run_scoped3A_82 : memref<!tpu.dma_semaphore, #tpu.memory_space<semaphore_mem>>) {add = true}
        %dma_wait3A_93 = arith.constant 0 : i32
        %dma_wait3A_94 = arith.constant 0 : i32
        %dma_wait3A_95 = tpu.memref_slice %arg9[%run_scoped3A_44, %dma_wait3A_93, %dma_wait3A_94] : memref<2x80x128xf32, #tpu.memory_space<vmem>> -> memref<1x80x128xf32, #tpu.memory_space<vmem>>
        %dma_wait3A_96 = tpu.memref_squeeze %dma_wait3A_95 : memref<1x80x128xf32, #tpu.memory_space<vmem>> -> memref<80x128xf32, #tpu.memory_space<vmem>>
        %dma_wait3A_97 = arith.constant 0 : i32
        %dma_wait3A_98 = tpu.memref_slice %arg8[%scan3A_31, %dma_wait3A_97] : memref<125x80xi32, #tpu.memory_space<vmem>> -> memref<1x80xi32, #tpu.memory_space<vmem>>
        %dma_wait3A_99 = tpu.memref_squeeze %dma_wait3A_98 : memref<1x80xi32, #tpu.memory_space<vmem>> -> memref<80xi32, #tpu.memory_space<vmem>>
        %dma_wait3A_100 = arith.constant 0 : i32
        %dma_wait3A_101 = arith.constant 0 : i32
        %dma_wait3A_102 = tpu.memref_slice %arg10[%dma_wait3A_100, %dma_wait3A_101] : memref<10240x128xf32, #tpu.memory_space<vmem_shared>> -> memref<10240x128xf32, #tpu.memory_space<vmem_shared>>
        tpu.wait_indirect_dma semaphore(%run_scoped3A_82 : memref<!tpu.dma_semaphore, #tpu.memory_space<semaphore_mem>>) src(%dma_wait3A_96 : memref<80x128xf32, #tpu.memory_space<vmem>>) dst(%dma_wait3A_102 : memref<10240x128xf32, #tpu.memory_space<vmem_shared>>)
        tpu.yield
      }) : () -> ()
      %dma_wait3A_45 = arith.constant 1 : i32
      %dma_wait3A_46 = arith.constant 0 : i32
      %dma_wait3A_47 = arith.constant 0 : i32
      %dma_wait3A_48 = tpu.memref_slice %arg9[%dma_wait3A_45, %dma_wait3A_46, %dma_wait3A_47] : memref<2x80x128xf32, #tpu.memory_space<vmem>> -> memref<1x80x128xf32, #tpu.memory_space<vmem>>
      %dma_wait3A_49 = tpu.memref_squeeze %dma_wait3A_48 : memref<1x80x128xf32, #tpu.memory_space<vmem>> -> memref<80x128xf32, #tpu.memory_space<vmem>>
      %dma_wait3A_50 = tpu.memref_slice %arg7[%multiple_of3A] : memref<10000xi32, #tpu.memory_space<vmem>> -> memref<80xi32, #tpu.memory_space<vmem>>
      %dma_wait3A_51 = arith.constant 0 : i32
      %dma_wait3A_52 = arith.constant 0 : i32
      %dma_wait3A_53 = tpu.memref_slice %arg2[%dma_wait3A_51, %dma_wait3A_52] : memref<10000x128xf32, #tpu.memory_space<hbm>> -> memref<10000x128xf32, #tpu.memory_space<hbm>>
      tpu.wait_indirect_dma semaphore(%arg12 : memref<!tpu.dma_semaphore, #tpu.memory_space<semaphore_mem>>) src(%dma_wait3A_53 : memref<10000x128xf32, #tpu.memory_space<hbm>>) dst(%dma_wait3A_49 : memref<80x128xf32, #tpu.memory_space<vmem>>)
      %add3A_54 = arith.constant 160 : i32
      %add3A_55 = arith.addi %scan3A_32, %add3A_54 : i32
      %multiple_of3A_56 = tpu.assume_multiple %add3A_55, 8 : i32
      %dma_start3A_57 = arith.constant 0 : i32
      %dma_start3A_58 = arith.constant 0 : i32
      %dma_start3A_59 = arith.constant 0 : i32
      %dma_start3A_60 = tpu.memref_slice %arg9[%dma_start3A_57, %dma_start3A_58, %dma_start3A_59] : memref<2x80x128xf32, #tpu.memory_space<vmem>> -> memref<1x80x128xf32, #tpu.memory_space<vmem>>
      %dma_start3A_61 = tpu.memref_squeeze %dma_start3A_60 : memref<1x80x128xf32, #tpu.memory_space<vmem>> -> memref<80x128xf32, #tpu.memory_space<vmem>>
      %dma_start3A_62 = tpu.memref_slice %arg7[%multiple_of3A_56] : memref<10000xi32, #tpu.memory_space<vmem>> -> memref<80xi32, #tpu.memory_space<vmem>>
      %dma_start3A_63 = arith.constant 0 : i32
      %dma_start3A_64 = arith.constant 0 : i32
      %dma_start3A_65 = tpu.memref_slice %arg2[%dma_start3A_63, %dma_start3A_64] : memref<10000x128xf32, #tpu.memory_space<hbm>> -> memref<10000x128xf32, #tpu.memory_space<hbm>>
      tpu.enqueue_indirect_dma source(%dma_start3A_65 : memref<10000x128xf32, #tpu.memory_space<hbm>>) target(%dma_start3A_61 : memref<80x128xf32, #tpu.memory_space<vmem>>) offsets(%dma_start3A_62 : memref<80xi32, #tpu.memory_space<vmem>>) semaphore(%arg11 : memref<!tpu.dma_semaphore, #tpu.memory_space<semaphore_mem>>)
      %add3A_66 = arith.constant 1 : i32
      %add3A_67 = arith.addi %scan3A_31, %add3A_66 : i32
      %run_scoped3A_68 = arith.constant 1 : i32
      "tpu.region"() ({
        %run_scoped3A_82 = tpu.sem_alloc : memref<!tpu.dma_semaphore, #tpu.memory_space<semaphore_mem>>
        %dma_start3A_83 = arith.constant 0 : i32
        %dma_start3A_84 = arith.constant 0 : i32
        %dma_start3A_85 = tpu.memref_slice %arg9[%run_scoped3A_68, %dma_start3A_83, %dma_start3A_84] : memref<2x80x128xf32, #tpu.memory_space<vmem>> -> memref<1x80x128xf32, #tpu.memory_space<vmem>>
        %dma_start3A_86 = tpu.memref_squeeze %dma_start3A_85 : memref<1x80x128xf32, #tpu.memory_space<vmem>> -> memref<80x128xf32, #tpu.memory_space<vmem>>
        %dma_start3A_87 = arith.constant 0 : i32
        %dma_start3A_88 = tpu.memref_slice %arg8[%add3A_67, %dma_start3A_87] : memref<125x80xi32, #tpu.memory_space<vmem>> -> memref<1x80xi32, #tpu.memory_space<vmem>>
        %dma_start3A_89 = tpu.memref_squeeze %dma_start3A_88 : memref<1x80xi32, #tpu.memory_space<vmem>> -> memref<80xi32, #tpu.memory_space<vmem>>
        %dma_start3A_90 = arith.constant 0 : i32
        %dma_start3A_91 = arith.constant 0 : i32
        %dma_start3A_92 = tpu.memref_slice %arg10[%dma_start3A_90, %dma_start3A_91] : memref<10240x128xf32, #tpu.memory_space<vmem_shared>> -> memref<10240x128xf32, #tpu.memory_space<vmem_shared>>
        tpu.enqueue_indirect_dma source(%dma_start3A_86 : memref<80x128xf32, #tpu.memory_space<vmem>>) target(%dma_start3A_92 : memref<10240x128xf32, #tpu.memory_space<vmem_shared>>) offsets(%dma_start3A_89 : memref<80xi32, #tpu.memory_space<vmem>>) semaphore(%run_scoped3A_82 : memref<!tpu.dma_semaphore, #tpu.memory_space<semaphore_mem>>) {add = true}
        %dma_wait3A_93 = arith.constant 0 : i32
        %dma_wait3A_94 = arith.constant 0 : i32
        %dma_wait3A_95 = tpu.memref_slice %arg9[%run_scoped3A_68, %dma_wait3A_93, %dma_wait3A_94] : memref<2x80x128xf32, #tpu.memory_space<vmem>> -> memref<1x80x128xf32, #tpu.memory_space<vmem>>
        %dma_wait3A_96 = tpu.memref_squeeze %dma_wait3A_95 : memref<1x80x128xf32, #tpu.memory_space<vmem>> -> memref<80x128xf32, #tpu.memory_space<vmem>>
        %dma_wait3A_97 = arith.constant 0 : i32
        %dma_wait3A_98 = tpu.memref_slice %arg8[%add3A_67, %dma_wait3A_97] : memref<125x80xi32, #tpu.memory_space<vmem>> -> memref<1x80xi32, #tpu.memory_space<vmem>>
        %dma_wait3A_99 = tpu.memref_squeeze %dma_wait3A_98 : memref<1x80xi32, #tpu.memory_space<vmem>> -> memref<80xi32, #tpu.memory_space<vmem>>
        %dma_wait3A_100 = arith.constant 0 : i32
        %dma_wait3A_101 = arith.constant 0 : i32
        %dma_wait3A_102 = tpu.memref_slice %arg10[%dma_wait3A_100, %dma_wait3A_101] : memref<10240x128xf32, #tpu.memory_space<vmem_shared>> -> memref<10240x128xf32, #tpu.memory_space<vmem_shared>>
        tpu.wait_indirect_dma semaphore(%run_scoped3A_82 : memref<!tpu.dma_semaphore, #tpu.memory_space<semaphore_mem>>) src(%dma_wait3A_96 : memref<80x128xf32, #tpu.memory_space<vmem>>) dst(%dma_wait3A_102 : memref<10240x128xf32, #tpu.memory_space<vmem_shared>>)
        tpu.yield
      }) : () -> ()
      %dma_wait3A_69 = arith.constant 0 : i32
      %dma_wait3A_70 = arith.constant 0 : i32
      %dma_wait3A_71 = arith.constant 0 : i32
      %dma_wait3A_72 = tpu.memref_slice %arg9[%dma_wait3A_69, %dma_wait3A_70, %dma_wait3A_71] : memref<2x80x128xf32, #tpu.memory_space<vmem>> -> memref<1x80x128xf32, #tpu.memory_space<vmem>>
      %dma_wait3A_73 = tpu.memref_squeeze %dma_wait3A_72 : memref<1x80x128xf32, #tpu.memory_space<vmem>> -> memref<80x128xf32, #tpu.memory_space<vmem>>
      %dma_wait3A_74 = tpu.memref_slice %arg7[%multiple_of3A_56] : memref<10000xi32, #tpu.memory_space<vmem>> -> memref<80xi32, #tpu.memory_space<vmem>>
      %dma_wait3A_75 = arith.constant 0 : i32
      %dma_wait3A_76 = arith.constant 0 : i32
      %dma_wait3A_77 = tpu.memref_slice %arg2[%dma_wait3A_75, %dma_wait3A_76] : memref<10000x128xf32, #tpu.memory_space<hbm>> -> memref<10000x128xf32, #tpu.memory_space<hbm>>
      tpu.wait_indirect_dma semaphore(%arg11 : memref<!tpu.dma_semaphore, #tpu.memory_space<semaphore_mem>>) src(%dma_wait3A_77 : memref<10000x128xf32, #tpu.memory_space<hbm>>) dst(%dma_wait3A_73 : memref<80x128xf32, #tpu.memory_space<vmem>>)
      %add3A_78 = arith.constant 2 : i32
      %add3A_79 = arith.addi %scan3A_31, %add3A_78 : i32
      %add3A_80 = arith.constant 160 : i32
      %add3A_81 = arith.addi %scan3A_32, %add3A_80 : i32
      scf.yield %add3A_79, %add3A_81 : i32, i32
    }
    %scan3A_27 = arith.constant 62 : i32
    %run_scoped3A = arith.constant 0 : i32
    %run_scoped3A_28 = arith.constant 124 : i32
    "tpu.region"() ({
      %run_scoped3A_30 = tpu.sem_alloc : memref<!tpu.dma_semaphore, #tpu.memory_space<semaphore_mem>>
      %dma_start3A_31 = arith.constant 0 : i32
      %dma_start3A_32 = arith.constant 0 : i32
      %dma_start3A_33 = tpu.memref_slice %arg9[%run_scoped3A, %dma_start3A_31, %dma_start3A_32] : memref<2x80x128xf32, #tpu.memory_space<vmem>> -> memref<1x80x128xf32, #tpu.memory_space<vmem>>
      %dma_start3A_34 = tpu.memref_squeeze %dma_start3A_33 : memref<1x80x128xf32, #tpu.memory_space<vmem>> -> memref<80x128xf32, #tpu.memory_space<vmem>>
      %dma_start3A_35 = arith.constant 0 : i32
      %dma_start3A_36 = tpu.memref_slice %arg8[%run_scoped3A_28, %dma_start3A_35] : memref<125x80xi32, #tpu.memory_space<vmem>> -> memref<1x80xi32, #tpu.memory_space<vmem>>
      %dma_start3A_37 = tpu.memref_squeeze %dma_start3A_36 : memref<1x80xi32, #tpu.memory_space<vmem>> -> memref<80xi32, #tpu.memory_space<vmem>>
      %dma_start3A_38 = arith.constant 0 : i32
      %dma_start3A_39 = arith.constant 0 : i32
      %dma_start3A_40 = tpu.memref_slice %arg10[%dma_start3A_38, %dma_start3A_39] : memref<10240x128xf32, #tpu.memory_space<vmem_shared>> -> memref<10240x128xf32, #tpu.memory_space<vmem_shared>>
      tpu.enqueue_indirect_dma source(%dma_start3A_34 : memref<80x128xf32, #tpu.memory_space<vmem>>) target(%dma_start3A_40 : memref<10240x128xf32, #tpu.memory_space<vmem_shared>>) offsets(%dma_start3A_37 : memref<80xi32, #tpu.memory_space<vmem>>) semaphore(%run_scoped3A_30 : memref<!tpu.dma_semaphore, #tpu.memory_space<semaphore_mem>>) {add = true}
      %dma_wait3A_41 = arith.constant 0 : i32
      %dma_wait3A_42 = arith.constant 0 : i32
      %dma_wait3A_43 = tpu.memref_slice %arg9[%run_scoped3A, %dma_wait3A_41, %dma_wait3A_42] : memref<2x80x128xf32, #tpu.memory_space<vmem>> -> memref<1x80x128xf32, #tpu.memory_space<vmem>>
      %dma_wait3A_44 = tpu.memref_squeeze %dma_wait3A_43 : memref<1x80x128xf32, #tpu.memory_space<vmem>> -> memref<80x128xf32, #tpu.memory_space<vmem>>
      %dma_wait3A_45 = arith.constant 0 : i32
      %dma_wait3A_46 = tpu.memref_slice %arg8[%run_scoped3A_28, %dma_wait3A_45] : memref<125x80xi32, #tpu.memory_space<vmem>> -> memref<1x80xi32, #tpu.memory_space<vmem>>
      %dma_wait3A_47 = tpu.memref_squeeze %dma_wait3A_46 : memref<1x80xi32, #tpu.memory_space<vmem>> -> memref<80xi32, #tpu.memory_space<vmem>>
      %dma_wait3A_48 = arith.constant 0 : i32
      %dma_wait3A_49 = arith.constant 0 : i32
      %dma_wait3A_50 = tpu.memref_slice %arg10[%dma_wait3A_48, %dma_wait3A_49] : memref<10240x128xf32, #tpu.memory_space<vmem_shared>> -> memref<10240x128xf32, #tpu.memory_space<vmem_shared>>
      tpu.wait_indirect_dma semaphore(%run_scoped3A_30 : memref<!tpu.dma_semaphore, #tpu.memory_space<semaphore_mem>>) src(%dma_wait3A_44 : memref<80x128xf32, #tpu.memory_space<vmem>>) dst(%dma_wait3A_50 : memref<10240x128xf32, #tpu.memory_space<vmem_shared>>)
      tpu.yield
    }) : () -> ()
    %barrier3A_29 = arith.constant 0 : index
    tpu.barrier barrier_id(%barrier3A_29)
    "tpu.region"() ({
      %run_scoped3A_30 = tpu.sem_alloc : memref<!tpu.dma_semaphore, #tpu.memory_space<semaphore_mem>>
      %dma_start3A_31 = arith.constant 0 : i32
      %dma_start3A_32 = tpu.memref_slice %arg6[%arg0, %mul3A_2, %dma_start3A_31] : memref<2x10240x128xf32, #tpu.memory_space<hbm>> -> memref<1x640x128xf32, #tpu.memory_space<hbm>>
      %dma_start3A_33 = tpu.memref_squeeze %dma_start3A_32 : memref<1x640x128xf32, #tpu.memory_space<hbm>> -> memref<640x128xf32, #tpu.memory_space<hbm>>
      %dma_start3A_34 = arith.constant 0 : i32
      %dma_start3A_35 = tpu.memref_slice %arg10[%mul3A_2, %dma_start3A_34] : memref<10240x128xf32, #tpu.memory_space<vmem_shared>> -> memref<640x128xf32, #tpu.memory_space<vmem_shared>>
      tpu.enqueue_dma source(%dma_start3A_35 : memref<640x128xf32, #tpu.memory_space<vmem_shared>>) target(%dma_start3A_33 : memref<640x128xf32, #tpu.memory_space<hbm>>) target_semaphore(%run_scoped3A_30 : memref<!tpu.dma_semaphore, #tpu.memory_space<semaphore_mem>>)
      %dma_wait3A_36 = arith.constant 0 : i32
      %dma_wait3A_37 = tpu.memref_slice %arg6[%arg0, %mul3A_2, %dma_wait3A_36] : memref<2x10240x128xf32, #tpu.memory_space<hbm>> -> memref<1x640x128xf32, #tpu.memory_space<hbm>>
      %dma_wait3A_38 = tpu.memref_squeeze %dma_wait3A_37 : memref<1x640x128xf32, #tpu.memory_space<hbm>> -> memref<640x128xf32, #tpu.memory_space<hbm>>
      %dma_wait3A_39 = arith.constant 0 : i32
      %dma_wait3A_40 = tpu.memref_slice %arg10[%mul3A_2, %dma_wait3A_39] : memref<10240x128xf32, #tpu.memory_space<vmem_shared>> -> memref<640x128xf32, #tpu.memory_space<vmem_shared>>
      tpu.wait_dma2 semaphore(%run_scoped3A_30 : memref<!tpu.dma_semaphore, #tpu.memory_space<semaphore_mem>>) src(%dma_wait3A_40 : memref<640x128xf32, #tpu.memory_space<vmem_shared>>) dst(%dma_wait3A_38 : memref<640x128xf32, #tpu.memory_space<hbm>>)
      tpu.yield
    }) : () -> ()
    return
  }
}

#map = affine_map<(d0, d1) -> (0, 0)>
#map1 = affine_map<(d0, d1) -> (0, 0, 0)>
module attributes {stable_mosaic.version = 14 : i64} {
  func.func @_agg_body(%arg0: i32, %arg1: i32, %arg2: memref<10000x128xf32, #tpu.memory_space<hbm>>, %arg3: memref<32x10000xi32, #tpu.memory_space<hbm>>, %arg4: memref<32x125x80xi32, #tpu.memory_space<hbm>>, %arg5: memref<640x128xf32, #tpu.memory_space<hbm>>, %arg6: memref<2x10240x128xf32, #tpu.memory_space<hbm>>, %arg7: memref<10000xi32, #tpu.memory_space<vmem>>, %arg8: memref<125x80xi32, #tpu.memory_space<vmem>>, %arg9: memref<2x80x128xf32, #tpu.memory_space<vmem>>, %arg10: memref<10240x128xf32, #tpu.memory_space<vmem_shared>>, %arg11: memref<!tpu.dma_semaphore, #tpu.memory_space<semaphore_mem>>, %arg12: memref<!tpu.dma_semaphore, #tpu.memory_space<semaphore_mem>>) attributes {dimension_semantics = [#tpu.dimension_semantics<core_parallel>, #tpu.dimension_semantics<subcore_parallel>], iteration_bounds = array<i64: 2, 16>, scalar_prefetch = 0 : i64, scratch_operands = 6 : i64, tpu.core_type = #tpu.core_type<sc_vector_subcore>, window_params = [{transform_indices = #map}, {transform_indices = #map}, {transform_indices = #map1}, {transform_indices = #map}, {transform_indices = #map1}]} {
    %mul3A = arith.constant 16 : i32
    %mul3A_0 = arith.muli %arg0, %mul3A : i32
    %add3A = arith.addi %mul3A_0, %arg1 : i32
    %mul3A_1 = arith.constant 640 : i32
    %mul3A_2 = arith.muli %arg1, %mul3A_1 : i32
    "tpu.region"() ({
      %run_scoped3A_30 = tpu.sem_alloc : memref<!tpu.dma_semaphore, #tpu.memory_space<semaphore_mem>>
      %dma_start3A_31 = arith.constant 0 : i32
      %dma_start3A_32 = tpu.memref_slice %arg10[%mul3A_2, %dma_start3A_31] : memref<10240x128xf32, #tpu.memory_space<vmem_shared>> -> memref<640x128xf32, #tpu.memory_space<vmem_shared>>
      tpu.enqueue_dma source(%arg5 : memref<640x128xf32, #tpu.memory_space<hbm>>) target(%dma_start3A_32 : memref<640x128xf32, #tpu.memory_space<vmem_shared>>) target_semaphore(%run_scoped3A_30 : memref<!tpu.dma_semaphore, #tpu.memory_space<semaphore_mem>>)
      %dma_wait3A_33 = arith.constant 0 : i32
      %dma_wait3A_34 = tpu.memref_slice %arg10[%mul3A_2, %dma_wait3A_33] : memref<10240x128xf32, #tpu.memory_space<vmem_shared>> -> memref<640x128xf32, #tpu.memory_space<vmem_shared>>
      tpu.wait_dma2 semaphore(%run_scoped3A_30 : memref<!tpu.dma_semaphore, #tpu.memory_space<semaphore_mem>>) src(%arg5 : memref<640x128xf32, #tpu.memory_space<hbm>>) dst(%dma_wait3A_34 : memref<640x128xf32, #tpu.memory_space<vmem_shared>>)
      tpu.yield
    }) : () -> ()
    "tpu.region"() ({
      %run_scoped3A_30 = tpu.sem_alloc : memref<!tpu.dma_semaphore, #tpu.memory_space<semaphore_mem>>
      %dma_start3A_31 = arith.constant 0 : i32
      %dma_start3A_32 = tpu.memref_slice %arg3[%add3A, %dma_start3A_31] : memref<32x10000xi32, #tpu.memory_space<hbm>> -> memref<1x10000xi32, #tpu.memory_space<hbm>>
      %dma_start3A_33 = tpu.memref_squeeze %dma_start3A_32 : memref<1x10000xi32, #tpu.memory_space<hbm>> -> memref<10000xi32, #tpu.memory_space<hbm>>
      %dma_start3A_34 = arith.constant 0 : i32
      %dma_start3A_35 = tpu.memref_slice %arg3[%add3A, %dma_start3A_34] : memref<32x10000xi32, #tpu.memory_space<hbm>> -> memref<1x10000xi32, #tpu.memory_space<hbm>>
      %dma_start3A_36 = tpu.memref_squeeze %dma_start3A_35 : memref<1x10000xi32, #tpu.memory_space<hbm>> -> memref<10000xi32, #tpu.memory_space<hbm>>
      tpu.enqueue_dma source(%dma_start3A_36 : memref<10000xi32, #tpu.memory_space<hbm>>) target(%arg7 : memref<10000xi32, #tpu.memory_space<vmem>>) target_semaphore(%run_scoped3A_30 : memref<!tpu.dma_semaphore, #tpu.memory_space<semaphore_mem>>)
      %dma_wait3A_37 = arith.constant 0 : i32
      %dma_wait3A_38 = tpu.memref_slice %arg3[%add3A, %dma_wait3A_37] : memref<32x10000xi32, #tpu.memory_space<hbm>> -> memref<1x10000xi32, #tpu.memory_space<hbm>>
      %dma_wait3A_39 = tpu.memref_squeeze %dma_wait3A_38 : memref<1x10000xi32, #tpu.memory_space<hbm>> -> memref<10000xi32, #tpu.memory_space<hbm>>
      %dma_wait3A_40 = arith.constant 0 : i32
      %dma_wait3A_41 = tpu.memref_slice %arg3[%add3A, %dma_wait3A_40] : memref<32x10000xi32, #tpu.memory_space<hbm>> -> memref<1x10000xi32, #tpu.memory_space<hbm>>
      %dma_wait3A_42 = tpu.memref_squeeze %dma_wait3A_41 : memref<1x10000xi32, #tpu.memory_space<hbm>> -> memref<10000xi32, #tpu.memory_space<hbm>>
      tpu.wait_dma2 semaphore(%run_scoped3A_30 : memref<!tpu.dma_semaphore, #tpu.memory_space<semaphore_mem>>) src(%dma_wait3A_42 : memref<10000xi32, #tpu.memory_space<hbm>>) dst(%arg7 : memref<10000xi32, #tpu.memory_space<vmem>>)
      tpu.yield
    }) : () -> ()
    "tpu.region"() ({
      %run_scoped3A_30 = tpu.sem_alloc : memref<!tpu.dma_semaphore, #tpu.memory_space<semaphore_mem>>
      %dma_start3A_31 = arith.constant 0 : i32
      %dma_start3A_32 = arith.constant 0 : i32
      %dma_start3A_33 = tpu.memref_slice %arg4[%add3A, %dma_start3A_31, %dma_start3A_32] : memref<32x125x80xi32, #tpu.memory_space<hbm>> -> memref<1x125x80xi32, #tpu.memory_space<hbm>>
      %dma_start3A_34 = tpu.memref_squeeze %dma_start3A_33 : memref<1x125x80xi32, #tpu.memory_space<hbm>> -> memref<125x80xi32, #tpu.memory_space<hbm>>
      %dma_start3A_35 = arith.constant 0 : i32
      %dma_start3A_36 = arith.constant 0 : i32
      %dma_start3A_37 = tpu.memref_slice %arg4[%add3A, %dma_start3A_35, %dma_start3A_36] : memref<32x125x80xi32, #tpu.memory_space<hbm>> -> memref<1x125x80xi32, #tpu.memory_space<hbm>>
      %dma_start3A_38 = tpu.memref_squeeze %dma_start3A_37 : memref<1x125x80xi32, #tpu.memory_space<hbm>> -> memref<125x80xi32, #tpu.memory_space<hbm>>
      tpu.enqueue_dma source(%dma_start3A_38 : memref<125x80xi32, #tpu.memory_space<hbm>>) target(%arg8 : memref<125x80xi32, #tpu.memory_space<vmem>>) target_semaphore(%run_scoped3A_30 : memref<!tpu.dma_semaphore, #tpu.memory_space<semaphore_mem>>)
      %dma_wait3A_39 = arith.constant 0 : i32
      %dma_wait3A_40 = arith.constant 0 : i32
      %dma_wait3A_41 = tpu.memref_slice %arg4[%add3A, %dma_wait3A_39, %dma_wait3A_40] : memref<32x125x80xi32, #tpu.memory_space<hbm>> -> memref<1x125x80xi32, #tpu.memory_space<hbm>>
      %dma_wait3A_42 = tpu.memref_squeeze %dma_wait3A_41 : memref<1x125x80xi32, #tpu.memory_space<hbm>> -> memref<125x80xi32, #tpu.memory_space<hbm>>
      %dma_wait3A_43 = arith.constant 0 : i32
      %dma_wait3A_44 = arith.constant 0 : i32
      %dma_wait3A_45 = tpu.memref_slice %arg4[%add3A, %dma_wait3A_43, %dma_wait3A_44] : memref<32x125x80xi32, #tpu.memory_space<hbm>> -> memref<1x125x80xi32, #tpu.memory_space<hbm>>
      %dma_wait3A_46 = tpu.memref_squeeze %dma_wait3A_45 : memref<1x125x80xi32, #tpu.memory_space<hbm>> -> memref<125x80xi32, #tpu.memory_space<hbm>>
      tpu.wait_dma2 semaphore(%run_scoped3A_30 : memref<!tpu.dma_semaphore, #tpu.memory_space<semaphore_mem>>) src(%dma_wait3A_46 : memref<125x80xi32, #tpu.memory_space<hbm>>) dst(%arg8 : memref<125x80xi32, #tpu.memory_space<vmem>>)
      tpu.yield
    }) : () -> ()
    %barrier3A = arith.constant 0 : index
    tpu.barrier barrier_id(%barrier3A)
    %dma_start3A = arith.constant 0 : i32
    %dma_start3A_3 = arith.constant 0 : i32
    %dma_start3A_4 = arith.constant 0 : i32
    %dma_start3A_5 = tpu.memref_slice %arg9[%dma_start3A, %dma_start3A_3, %dma_start3A_4] : memref<2x80x128xf32, #tpu.memory_space<vmem>> -> memref<1x80x128xf32, #tpu.memory_space<vmem>>
    %dma_start3A_6 = tpu.memref_squeeze %dma_start3A_5 : memref<1x80x128xf32, #tpu.memory_space<vmem>> -> memref<80x128xf32, #tpu.memory_space<vmem>>
    %dma_start3A_7 = arith.constant 0 : i32
    %dma_start3A_8 = tpu.memref_slice %arg7[%dma_start3A_7] : memref<10000xi32, #tpu.memory_space<vmem>> -> memref<80xi32, #tpu.memory_space<vmem>>
    %dma_start3A_9 = arith.constant 0 : i32
    %dma_start3A_10 = arith.constant 0 : i32
    %dma_start3A_11 = tpu.memref_slice %arg2[%dma_start3A_9, %dma_start3A_10] : memref<10000x128xf32, #tpu.memory_space<hbm>> -> memref<10000x128xf32, #tpu.memory_space<hbm>>
    tpu.enqueue_indirect_dma source(%dma_start3A_11 : memref<10000x128xf32, #tpu.memory_space<hbm>>) target(%dma_start3A_6 : memref<80x128xf32, #tpu.memory_space<vmem>>) offsets(%dma_start3A_8 : memref<80xi32, #tpu.memory_space<vmem>>) semaphore(%arg11 : memref<!tpu.dma_semaphore, #tpu.memory_space<semaphore_mem>>)
    %dma_wait3A = arith.constant 0 : i32
    %dma_wait3A_12 = arith.constant 0 : i32
    %dma_wait3A_13 = arith.constant 0 : i32
    %dma_wait3A_14 = tpu.memref_slice %arg9[%dma_wait3A, %dma_wait3A_12, %dma_wait3A_13] : memref<2x80x128xf32, #tpu.memory_space<vmem>> -> memref<1x80x128xf32, #tpu.memory_space<vmem>>
    %dma_wait3A_15 = tpu.memref_squeeze %dma_wait3A_14 : memref<1x80x128xf32, #tpu.memory_space<vmem>> -> memref<80x128xf32, #tpu.memory_space<vmem>>
    %dma_wait3A_16 = arith.constant 0 : i32
    %dma_wait3A_17 = tpu.memref_slice %arg7[%dma_wait3A_16] : memref<10000xi32, #tpu.memory_space<vmem>> -> memref<80xi32, #tpu.memory_space<vmem>>
    %dma_wait3A_18 = arith.constant 0 : i32
    %dma_wait3A_19 = arith.constant 0 : i32
    %dma_wait3A_20 = tpu.memref_slice %arg2[%dma_wait3A_18, %dma_wait3A_19] : memref<10000x128xf32, #tpu.memory_space<hbm>> -> memref<10000x128xf32, #tpu.memory_space<hbm>>
    tpu.wait_indirect_dma semaphore(%arg11 : memref<!tpu.dma_semaphore, #tpu.memory_space<semaphore_mem>>) src(%dma_wait3A_20 : memref<10000x128xf32, #tpu.memory_space<hbm>>) dst(%dma_wait3A_15 : memref<80x128xf32, #tpu.memory_space<vmem>>)
    %scan3A = arith.constant 0 : i32
    %scan3A_21 = arith.constant 0 : i32
    %scan3A_22 = arith.constant 0 : i32
    %scan3A_23 = arith.constant 62 : i32
    %scan3A_24 = arith.addi %scan3A_22, %scan3A_23 : i32
    %scan3A_25 = arith.constant 1 : i32
    %scan3A_26:2 = scf.for %scan3A_30 = %scan3A_22 to %scan3A_24 step %scan3A_25 iter_args(%scan3A_31 = %scan3A, %scan3A_32 = %scan3A_21) -> (i32, i32)  : i32 {
      %add3A_33 = arith.constant 80 : i32
      %add3A_34 = arith.addi %scan3A_32, %add3A_33 : i32
      %multiple_of3A = tpu.assume_multiple %add3A_34, 8 : i32
      %dma_start3A_35 = arith.constant 1 : i32
      %dma_start3A_36 = arith.constant 0 : i32
      %dma_start3A_37 = arith.constant 0 : i32
      %dma_start3A_38 = tpu.memref_slice %arg9[%dma_start3A_35, %dma_start3A_36, %dma_start3A_37] : memref<2x80x128xf32, #tpu.memory_space<vmem>> -> memref<1x80x128xf32, #tpu.memory_space<vmem>>
      %dma_start3A_39 = tpu.memref_squeeze %dma_start3A_38 : memref<1x80x128xf32, #tpu.memory_space<vmem>> -> memref<80x128xf32, #tpu.memory_space<vmem>>
      %dma_start3A_40 = tpu.memref_slice %arg7[%multiple_of3A] : memref<10000xi32, #tpu.memory_space<vmem>> -> memref<80xi32, #tpu.memory_space<vmem>>
      %dma_start3A_41 = arith.constant 0 : i32
      %dma_start3A_42 = arith.constant 0 : i32
      %dma_start3A_43 = tpu.memref_slice %arg2[%dma_start3A_41, %dma_start3A_42] : memref<10000x128xf32, #tpu.memory_space<hbm>> -> memref<10000x128xf32, #tpu.memory_space<hbm>>
      tpu.enqueue_indirect_dma source(%dma_start3A_43 : memref<10000x128xf32, #tpu.memory_space<hbm>>) target(%dma_start3A_39 : memref<80x128xf32, #tpu.memory_space<vmem>>) offsets(%dma_start3A_40 : memref<80xi32, #tpu.memory_space<vmem>>) semaphore(%arg12 : memref<!tpu.dma_semaphore, #tpu.memory_space<semaphore_mem>>)
      %run_scoped3A_44 = arith.constant 0 : i32
      "tpu.region"() ({
        %run_scoped3A_82 = tpu.sem_alloc : memref<!tpu.dma_semaphore, #tpu.memory_space<semaphore_mem>>
        %dma_start3A_83 = arith.constant 0 : i32
        %dma_start3A_84 = arith.constant 0 : i32
        %dma_start3A_85 = tpu.memref_slice %arg9[%run_scoped3A_44, %dma_start3A_83, %dma_start3A_84] : memref<2x80x128xf32, #tpu.memory_space<vmem>> -> memref<1x80x128xf32, #tpu.memory_space<vmem>>
        %dma_start3A_86 = tpu.memref_squeeze %dma_start3A_85 : memref<1x80x128xf32, #tpu.memory_space<vmem>> -> memref<80x128xf32, #tpu.memory_space<vmem>>
        %dma_start3A_87 = arith.constant 0 : i32
        %dma_start3A_88 = tpu.memref_slice %arg8[%scan3A_31, %dma_start3A_87] : memref<125x80xi32, #tpu.memory_space<vmem>> -> memref<1x80xi32, #tpu.memory_space<vmem>>
        %dma_start3A_89 = tpu.memref_squeeze %dma_start3A_88 : memref<1x80xi32, #tpu.memory_space<vmem>> -> memref<80xi32, #tpu.memory_space<vmem>>
        %dma_start3A_90 = arith.constant 0 : i32
        %dma_start3A_91 = arith.constant 0 : i32
        %dma_start3A_92 = tpu.memref_slice %arg10[%dma_start3A_90, %dma_start3A_91] : memref<10240x128xf32, #tpu.memory_space<vmem_shared>> -> memref<10240x128xf32, #tpu.memory_space<vmem_shared>>
        tpu.enqueue_indirect_dma source(%dma_start3A_86 : memref<80x128xf32, #tpu.memory_space<vmem>>) target(%dma_start3A_92 : memref<10240x128xf32, #tpu.memory_space<vmem_shared>>) offsets(%dma_start3A_89 : memref<80xi32, #tpu.memory_space<vmem>>) semaphore(%run_scoped3A_82 : memref<!tpu.dma_semaphore, #tpu.memory_space<semaphore_mem>>) {add = true}
        %dma_wait3A_93 = arith.constant 0 : i32
        %dma_wait3A_94 = arith.constant 0 : i32
        %dma_wait3A_95 = tpu.memref_slice %arg9[%run_scoped3A_44, %dma_wait3A_93, %dma_wait3A_94] : memref<2x80x128xf32, #tpu.memory_space<vmem>> -> memref<1x80x128xf32, #tpu.memory_space<vmem>>
        %dma_wait3A_96 = tpu.memref_squeeze %dma_wait3A_95 : memref<1x80x128xf32, #tpu.memory_space<vmem>> -> memref<80x128xf32, #tpu.memory_space<vmem>>
        %dma_wait3A_97 = arith.constant 0 : i32
        %dma_wait3A_98 = tpu.memref_slice %arg8[%scan3A_31, %dma_wait3A_97] : memref<125x80xi32, #tpu.memory_space<vmem>> -> memref<1x80xi32, #tpu.memory_space<vmem>>
        %dma_wait3A_99 = tpu.memref_squeeze %dma_wait3A_98 : memref<1x80xi32, #tpu.memory_space<vmem>> -> memref<80xi32, #tpu.memory_space<vmem>>
        %dma_wait3A_100 = arith.constant 0 : i32
        %dma_wait3A_101 = arith.constant 0 : i32
        %dma_wait3A_102 = tpu.memref_slice %arg10[%dma_wait3A_100, %dma_wait3A_101] : memref<10240x128xf32, #tpu.memory_space<vmem_shared>> -> memref<10240x128xf32, #tpu.memory_space<vmem_shared>>
        tpu.wait_indirect_dma semaphore(%run_scoped3A_82 : memref<!tpu.dma_semaphore, #tpu.memory_space<semaphore_mem>>) src(%dma_wait3A_96 : memref<80x128xf32, #tpu.memory_space<vmem>>) dst(%dma_wait3A_102 : memref<10240x128xf32, #tpu.memory_space<vmem_shared>>)
        tpu.yield
      }) : () -> ()
      %dma_wait3A_45 = arith.constant 1 : i32
      %dma_wait3A_46 = arith.constant 0 : i32
      %dma_wait3A_47 = arith.constant 0 : i32
      %dma_wait3A_48 = tpu.memref_slice %arg9[%dma_wait3A_45, %dma_wait3A_46, %dma_wait3A_47] : memref<2x80x128xf32, #tpu.memory_space<vmem>> -> memref<1x80x128xf32, #tpu.memory_space<vmem>>
      %dma_wait3A_49 = tpu.memref_squeeze %dma_wait3A_48 : memref<1x80x128xf32, #tpu.memory_space<vmem>> -> memref<80x128xf32, #tpu.memory_space<vmem>>
      %dma_wait3A_50 = tpu.memref_slice %arg7[%multiple_of3A] : memref<10000xi32, #tpu.memory_space<vmem>> -> memref<80xi32, #tpu.memory_space<vmem>>
      %dma_wait3A_51 = arith.constant 0 : i32
      %dma_wait3A_52 = arith.constant 0 : i32
      %dma_wait3A_53 = tpu.memref_slice %arg2[%dma_wait3A_51, %dma_wait3A_52] : memref<10000x128xf32, #tpu.memory_space<hbm>> -> memref<10000x128xf32, #tpu.memory_space<hbm>>
      tpu.wait_indirect_dma semaphore(%arg12 : memref<!tpu.dma_semaphore, #tpu.memory_space<semaphore_mem>>) src(%dma_wait3A_53 : memref<10000x128xf32, #tpu.memory_space<hbm>>) dst(%dma_wait3A_49 : memref<80x128xf32, #tpu.memory_space<vmem>>)
      %add3A_54 = arith.constant 160 : i32
      %add3A_55 = arith.addi %scan3A_32, %add3A_54 : i32
      %multiple_of3A_56 = tpu.assume_multiple %add3A_55, 8 : i32
      %dma_start3A_57 = arith.constant 0 : i32
      %dma_start3A_58 = arith.constant 0 : i32
      %dma_start3A_59 = arith.constant 0 : i32
      %dma_start3A_60 = tpu.memref_slice %arg9[%dma_start3A_57, %dma_start3A_58, %dma_start3A_59] : memref<2x80x128xf32, #tpu.memory_space<vmem>> -> memref<1x80x128xf32, #tpu.memory_space<vmem>>
      %dma_start3A_61 = tpu.memref_squeeze %dma_start3A_60 : memref<1x80x128xf32, #tpu.memory_space<vmem>> -> memref<80x128xf32, #tpu.memory_space<vmem>>
      %dma_start3A_62 = tpu.memref_slice %arg7[%multiple_of3A_56] : memref<10000xi32, #tpu.memory_space<vmem>> -> memref<80xi32, #tpu.memory_space<vmem>>
      %dma_start3A_63 = arith.constant 0 : i32
      %dma_start3A_64 = arith.constant 0 : i32
      %dma_start3A_65 = tpu.memref_slice %arg2[%dma_start3A_63, %dma_start3A_64] : memref<10000x128xf32, #tpu.memory_space<hbm>> -> memref<10000x128xf32, #tpu.memory_space<hbm>>
      tpu.enqueue_indirect_dma source(%dma_start3A_65 : memref<10000x128xf32, #tpu.memory_space<hbm>>) target(%dma_start3A_61 : memref<80x128xf32, #tpu.memory_space<vmem>>) offsets(%dma_start3A_62 : memref<80xi32, #tpu.memory_space<vmem>>) semaphore(%arg11 : memref<!tpu.dma_semaphore, #tpu.memory_space<semaphore_mem>>)
      %add3A_66 = arith.constant 1 : i32
      %add3A_67 = arith.addi %scan3A_31, %add3A_66 : i32
      %run_scoped3A_68 = arith.constant 1 : i32
      "tpu.region"() ({
        %run_scoped3A_82 = tpu.sem_alloc : memref<!tpu.dma_semaphore, #tpu.memory_space<semaphore_mem>>
        %dma_start3A_83 = arith.constant 0 : i32
        %dma_start3A_84 = arith.constant 0 : i32
        %dma_start3A_85 = tpu.memref_slice %arg9[%run_scoped3A_68, %dma_start3A_83, %dma_start3A_84] : memref<2x80x128xf32, #tpu.memory_space<vmem>> -> memref<1x80x128xf32, #tpu.memory_space<vmem>>
        %dma_start3A_86 = tpu.memref_squeeze %dma_start3A_85 : memref<1x80x128xf32, #tpu.memory_space<vmem>> -> memref<80x128xf32, #tpu.memory_space<vmem>>
        %dma_start3A_87 = arith.constant 0 : i32
        %dma_start3A_88 = tpu.memref_slice %arg8[%add3A_67, %dma_start3A_87] : memref<125x80xi32, #tpu.memory_space<vmem>> -> memref<1x80xi32, #tpu.memory_space<vmem>>
        %dma_start3A_89 = tpu.memref_squeeze %dma_start3A_88 : memref<1x80xi32, #tpu.memory_space<vmem>> -> memref<80xi32, #tpu.memory_space<vmem>>
        %dma_start3A_90 = arith.constant 0 : i32
        %dma_start3A_91 = arith.constant 0 : i32
        %dma_start3A_92 = tpu.memref_slice %arg10[%dma_start3A_90, %dma_start3A_91] : memref<10240x128xf32, #tpu.memory_space<vmem_shared>> -> memref<10240x128xf32, #tpu.memory_space<vmem_shared>>
        tpu.enqueue_indirect_dma source(%dma_start3A_86 : memref<80x128xf32, #tpu.memory_space<vmem>>) target(%dma_start3A_92 : memref<10240x128xf32, #tpu.memory_space<vmem_shared>>) offsets(%dma_start3A_89 : memref<80xi32, #tpu.memory_space<vmem>>) semaphore(%run_scoped3A_82 : memref<!tpu.dma_semaphore, #tpu.memory_space<semaphore_mem>>) {add = true}
        %dma_wait3A_93 = arith.constant 0 : i32
        %dma_wait3A_94 = arith.constant 0 : i32
        %dma_wait3A_95 = tpu.memref_slice %arg9[%run_scoped3A_68, %dma_wait3A_93, %dma_wait3A_94] : memref<2x80x128xf32, #tpu.memory_space<vmem>> -> memref<1x80x128xf32, #tpu.memory_space<vmem>>
        %dma_wait3A_96 = tpu.memref_squeeze %dma_wait3A_95 : memref<1x80x128xf32, #tpu.memory_space<vmem>> -> memref<80x128xf32, #tpu.memory_space<vmem>>
        %dma_wait3A_97 = arith.constant 0 : i32
        %dma_wait3A_98 = tpu.memref_slice %arg8[%add3A_67, %dma_wait3A_97] : memref<125x80xi32, #tpu.memory_space<vmem>> -> memref<1x80xi32, #tpu.memory_space<vmem>>
        %dma_wait3A_99 = tpu.memref_squeeze %dma_wait3A_98 : memref<1x80xi32, #tpu.memory_space<vmem>> -> memref<80xi32, #tpu.memory_space<vmem>>
        %dma_wait3A_100 = arith.constant 0 : i32
        %dma_wait3A_101 = arith.constant 0 : i32
        %dma_wait3A_102 = tpu.memref_slice %arg10[%dma_wait3A_100, %dma_wait3A_101] : memref<10240x128xf32, #tpu.memory_space<vmem_shared>> -> memref<10240x128xf32, #tpu.memory_space<vmem_shared>>
        tpu.wait_indirect_dma semaphore(%run_scoped3A_82 : memref<!tpu.dma_semaphore, #tpu.memory_space<semaphore_mem>>) src(%dma_wait3A_96 : memref<80x128xf32, #tpu.memory_space<vmem>>) dst(%dma_wait3A_102 : memref<10240x128xf32, #tpu.memory_space<vmem_shared>>)
        tpu.yield
      }) : () -> ()
      %dma_wait3A_69 = arith.constant 0 : i32
      %dma_wait3A_70 = arith.constant 0 : i32
      %dma_wait3A_71 = arith.constant 0 : i32
      %dma_wait3A_72 = tpu.memref_slice %arg9[%dma_wait3A_69, %dma_wait3A_70, %dma_wait3A_71] : memref<2x80x128xf32, #tpu.memory_space<vmem>> -> memref<1x80x128xf32, #tpu.memory_space<vmem>>
      %dma_wait3A_73 = tpu.memref_squeeze %dma_wait3A_72 : memref<1x80x128xf32, #tpu.memory_space<vmem>> -> memref<80x128xf32, #tpu.memory_space<vmem>>
      %dma_wait3A_74 = tpu.memref_slice %arg7[%multiple_of3A_56] : memref<10000xi32, #tpu.memory_space<vmem>> -> memref<80xi32, #tpu.memory_space<vmem>>
      %dma_wait3A_75 = arith.constant 0 : i32
      %dma_wait3A_76 = arith.constant 0 : i32
      %dma_wait3A_77 = tpu.memref_slice %arg2[%dma_wait3A_75, %dma_wait3A_76] : memref<10000x128xf32, #tpu.memory_space<hbm>> -> memref<10000x128xf32, #tpu.memory_space<hbm>>
      tpu.wait_indirect_dma semaphore(%arg11 : memref<!tpu.dma_semaphore, #tpu.memory_space<semaphore_mem>>) src(%dma_wait3A_77 : memref<10000x128xf32, #tpu.memory_space<hbm>>) dst(%dma_wait3A_73 : memref<80x128xf32, #tpu.memory_space<vmem>>)
      %add3A_78 = arith.constant 2 : i32
      %add3A_79 = arith.addi %scan3A_31, %add3A_78 : i32
      %add3A_80 = arith.constant 160 : i32
      %add3A_81 = arith.addi %scan3A_32, %add3A_80 : i32
      scf.yield %add3A_79, %add3A_81 : i32, i32
    }
    %scan3A_27 = arith.constant 62 : i32
    %run_scoped3A = arith.constant 0 : i32
    %run_scoped3A_28 = arith.constant 124 : i32
    "tpu.region"() ({
      %run_scoped3A_30 = tpu.sem_alloc : memref<!tpu.dma_semaphore, #tpu.memory_space<semaphore_mem>>
      %dma_start3A_31 = arith.constant 0 : i32
      %dma_start3A_32 = arith.constant 0 : i32
      %dma_start3A_33 = tpu.memref_slice %arg9[%run_scoped3A, %dma_start3A_31, %dma_start3A_32] : memref<2x80x128xf32, #tpu.memory_space<vmem>> -> memref<1x80x128xf32, #tpu.memory_space<vmem>>
      %dma_start3A_34 = tpu.memref_squeeze %dma_start3A_33 : memref<1x80x128xf32, #tpu.memory_space<vmem>> -> memref<80x128xf32, #tpu.memory_space<vmem>>
      %dma_start3A_35 = arith.constant 0 : i32
      %dma_start3A_36 = tpu.memref_slice %arg8[%run_scoped3A_28, %dma_start3A_35] : memref<125x80xi32, #tpu.memory_space<vmem>> -> memref<1x80xi32, #tpu.memory_space<vmem>>
      %dma_start3A_37 = tpu.memref_squeeze %dma_start3A_36 : memref<1x80xi32, #tpu.memory_space<vmem>> -> memref<80xi32, #tpu.memory_space<vmem>>
      %dma_start3A_38 = arith.constant 0 : i32
      %dma_start3A_39 = arith.constant 0 : i32
      %dma_start3A_40 = tpu.memref_slice %arg10[%dma_start3A_38, %dma_start3A_39] : memref<10240x128xf32, #tpu.memory_space<vmem_shared>> -> memref<10240x128xf32, #tpu.memory_space<vmem_shared>>
      tpu.enqueue_indirect_dma source(%dma_start3A_34 : memref<80x128xf32, #tpu.memory_space<vmem>>) target(%dma_start3A_40 : memref<10240x128xf32, #tpu.memory_space<vmem_shared>>) offsets(%dma_start3A_37 : memref<80xi32, #tpu.memory_space<vmem>>) semaphore(%run_scoped3A_30 : memref<!tpu.dma_semaphore, #tpu.memory_space<semaphore_mem>>) {add = true}
      %dma_wait3A_41 = arith.constant 0 : i32
      %dma_wait3A_42 = arith.constant 0 : i32
      %dma_wait3A_43 = tpu.memref_slice %arg9[%run_scoped3A, %dma_wait3A_41, %dma_wait3A_42] : memref<2x80x128xf32, #tpu.memory_space<vmem>> -> memref<1x80x128xf32, #tpu.memory_space<vmem>>
      %dma_wait3A_44 = tpu.memref_squeeze %dma_wait3A_43 : memref<1x80x128xf32, #tpu.memory_space<vmem>> -> memref<80x128xf32, #tpu.memory_space<vmem>>
      %dma_wait3A_45 = arith.constant 0 : i32
      %dma_wait3A_46 = tpu.memref_slice %arg8[%run_scoped3A_28, %dma_wait3A_45] : memref<125x80xi32, #tpu.memory_space<vmem>> -> memref<1x80xi32, #tpu.memory_space<vmem>>
      %dma_wait3A_47 = tpu.memref_squeeze %dma_wait3A_46 : memref<1x80xi32, #tpu.memory_space<vmem>> -> memref<80xi32, #tpu.memory_space<vmem>>
      %dma_wait3A_48 = arith.constant 0 : i32
      %dma_wait3A_49 = arith.constant 0 : i32
      %dma_wait3A_50 = tpu.memref_slice %arg10[%dma_wait3A_48, %dma_wait3A_49] : memref<10240x128xf32, #tpu.memory_space<vmem_shared>> -> memref<10240x128xf32, #tpu.memory_space<vmem_shared>>
      tpu.wait_indirect_dma semaphore(%run_scoped3A_30 : memref<!tpu.dma_semaphore, #tpu.memory_space<semaphore_mem>>) src(%dma_wait3A_44 : memref<80x128xf32, #tpu.memory_space<vmem>>) dst(%dma_wait3A_50 : memref<10240x128xf32, #tpu.memory_space<vmem_shared>>)
      tpu.yield
    }) : () -> ()
    %barrier3A_29 = arith.constant 0 : index
    tpu.barrier barrier_id(%barrier3A_29)
    "tpu.region"() ({
      %run_scoped3A_30 = tpu.sem_alloc : memref<!tpu.dma_semaphore, #tpu.memory_space<semaphore_mem>>
      %dma_start3A_31 = arith.constant 0 : i32
      %dma_start3A_32 = tpu.memref_slice %arg6[%arg0, %mul3A_2, %dma_start3A_31] : memref<2x10240x128xf32, #tpu.memory_space<hbm>> -> memref<1x640x128xf32, #tpu.memory_space<hbm>>
      %dma_start3A_33 = tpu.memref_squeeze %dma_start3A_32 : memref<1x640x128xf32, #tpu.memory_space<hbm>> -> memref<640x128xf32, #tpu.memory_space<hbm>>
      %dma_start3A_34 = arith.constant 0 : i32
      %dma_start3A_35 = tpu.memref_slice %arg10[%mul3A_2, %dma_start3A_34] : memref<10240x128xf32, #tpu.memory_space<vmem_shared>> -> memref<640x128xf32, #tpu.memory_space<vmem_shared>>
      tpu.enqueue_dma source(%dma_start3A_35 : memref<640x128xf32, #tpu.memory_space<vmem_shared>>) target(%dma_start3A_33 : memref<640x128xf32, #tpu.memory_space<hbm>>) target_semaphore(%run_scoped3A_30 : memref<!tpu.dma_semaphore, #tpu.memory_space<semaphore_mem>>)
      %dma_wait3A_36 = arith.constant 0 : i32
      %dma_wait3A_37 = tpu.memref_slice %arg6[%arg0, %mul3A_2, %dma_wait3A_36] : memref<2x10240x128xf32, #tpu.memory_space<hbm>> -> memref<1x640x128xf32, #tpu.memory_space<hbm>>
      %dma_wait3A_38 = tpu.memref_squeeze %dma_wait3A_37 : memref<1x640x128xf32, #tpu.memory_space<hbm>> -> memref<640x128xf32, #tpu.memory_space<hbm>>
      %dma_wait3A_39 = arith.constant 0 : i32
      %dma_wait3A_40 = tpu.memref_slice %arg10[%mul3A_2, %dma_wait3A_39] : memref<10240x128xf32, #tpu.memory_space<vmem_shared>> -> memref<640x128xf32, #tpu.memory_space<vmem_shared>>
      tpu.wait_dma2 semaphore(%run_scoped3A_30 : memref<!tpu.dma_semaphore, #tpu.memory_space<semaphore_mem>>) src(%dma_wait3A_40 : memref<640x128xf32, #tpu.memory_space<vmem_shared>>) dst(%dma_wait3A_38 : memref<640x128xf32, #tpu.memory_space<hbm>>)
      tpu.yield
    }) : () -> ()
    return
  }
}

#map = affine_map<(d0, d1) -> (0, 0, 0)>
#map1 = affine_map<(d0, d1) -> (0, 0)>
module attributes {stable_mosaic.version = 14 : i64} {
  func.func @_deg_body(%arg0: i32, %arg1: i32, %arg2: memref<32x125x80xi32, #tpu.memory_space<hbm>>, %arg3: memref<32x125x80xi32, #tpu.memory_space<hbm>>, %arg4: memref<640x128xf32, #tpu.memory_space<hbm>>, %arg5: memref<80x128xf32, #tpu.memory_space<hbm>>, %arg6: memref<2x10240x128xf32, #tpu.memory_space<hbm>>, %arg7: memref<2x10240x128xf32, #tpu.memory_space<hbm>>, %arg8: memref<125x80xi32, #tpu.memory_space<vmem>>, %arg9: memref<80x128xf32, #tpu.memory_space<vmem>>, %arg10: memref<10240x128xf32, #tpu.memory_space<vmem_shared>>, %arg11: memref<!tpu.dma_semaphore, #tpu.memory_space<semaphore_mem>>, %arg12: memref<!tpu.dma_semaphore, #tpu.memory_space<semaphore_mem>>, %arg13: memref<!tpu.dma_semaphore, #tpu.memory_space<semaphore_mem>>, %arg14: memref<!tpu.dma_semaphore, #tpu.memory_space<semaphore_mem>>, %arg15: memref<!tpu.dma_semaphore, #tpu.memory_space<semaphore_mem>>) attributes {dimension_semantics = [#tpu.dimension_semantics<core_parallel>, #tpu.dimension_semantics<subcore_parallel>], iteration_bounds = array<i64: 2, 16>, scalar_prefetch = 0 : i64, scratch_operands = 8 : i64, tpu.core_type = #tpu.core_type<sc_vector_subcore>, window_params = [{transform_indices = #map}, {transform_indices = #map}, {transform_indices = #map1}, {transform_indices = #map1}, {transform_indices = #map}, {transform_indices = #map}]} {
    %mul3A = arith.constant 16 : i32
    %mul3A_0 = arith.muli %arg0, %mul3A : i32
    %add3A = arith.addi %mul3A_0, %arg1 : i32
    "tpu.region"() ({
      %run_scoped3A = tpu.sem_alloc : memref<!tpu.dma_semaphore, #tpu.memory_space<semaphore_mem>>
      tpu.enqueue_dma source(%arg5 : memref<80x128xf32, #tpu.memory_space<hbm>>) target(%arg9 : memref<80x128xf32, #tpu.memory_space<vmem>>) target_semaphore(%run_scoped3A : memref<!tpu.dma_semaphore, #tpu.memory_space<semaphore_mem>>)
      tpu.wait_dma2 semaphore(%run_scoped3A : memref<!tpu.dma_semaphore, #tpu.memory_space<semaphore_mem>>) src(%arg5 : memref<80x128xf32, #tpu.memory_space<hbm>>) dst(%arg9 : memref<80x128xf32, #tpu.memory_space<vmem>>)
      tpu.yield
    }) : () -> ()
    %mul3A_1 = arith.constant 640 : i32
    %mul3A_2 = arith.muli %arg1, %mul3A_1 : i32
    "tpu.region"() ({
      %run_scoped3A = tpu.sem_alloc : memref<!tpu.dma_semaphore, #tpu.memory_space<semaphore_mem>>
      %dma_start3A = arith.constant 0 : i32
      %dma_start3A_21 = arith.constant 0 : i32
      %dma_start3A_22 = tpu.memref_slice %arg2[%add3A, %dma_start3A, %dma_start3A_21] : memref<32x125x80xi32, #tpu.memory_space<hbm>> -> memref<1x125x80xi32, #tpu.memory_space<hbm>>
      %dma_start3A_23 = tpu.memref_squeeze %dma_start3A_22 : memref<1x125x80xi32, #tpu.memory_space<hbm>> -> memref<125x80xi32, #tpu.memory_space<hbm>>
      %dma_start3A_24 = arith.constant 0 : i32
      %dma_start3A_25 = arith.constant 0 : i32
      %dma_start3A_26 = tpu.memref_slice %arg2[%add3A, %dma_start3A_24, %dma_start3A_25] : memref<32x125x80xi32, #tpu.memory_space<hbm>> -> memref<1x125x80xi32, #tpu.memory_space<hbm>>
      %dma_start3A_27 = tpu.memref_squeeze %dma_start3A_26 : memref<1x125x80xi32, #tpu.memory_space<hbm>> -> memref<125x80xi32, #tpu.memory_space<hbm>>
      tpu.enqueue_dma source(%dma_start3A_27 : memref<125x80xi32, #tpu.memory_space<hbm>>) target(%arg8 : memref<125x80xi32, #tpu.memory_space<vmem>>) target_semaphore(%run_scoped3A : memref<!tpu.dma_semaphore, #tpu.memory_space<semaphore_mem>>)
      %dma_wait3A = arith.constant 0 : i32
      %dma_wait3A_28 = arith.constant 0 : i32
      %dma_wait3A_29 = tpu.memref_slice %arg2[%add3A, %dma_wait3A, %dma_wait3A_28] : memref<32x125x80xi32, #tpu.memory_space<hbm>> -> memref<1x125x80xi32, #tpu.memory_space<hbm>>
      %dma_wait3A_30 = tpu.memref_squeeze %dma_wait3A_29 : memref<1x125x80xi32, #tpu.memory_space<hbm>> -> memref<125x80xi32, #tpu.memory_space<hbm>>
      %dma_wait3A_31 = arith.constant 0 : i32
      %dma_wait3A_32 = arith.constant 0 : i32
      %dma_wait3A_33 = tpu.memref_slice %arg2[%add3A, %dma_wait3A_31, %dma_wait3A_32] : memref<32x125x80xi32, #tpu.memory_space<hbm>> -> memref<1x125x80xi32, #tpu.memory_space<hbm>>
      %dma_wait3A_34 = tpu.memref_squeeze %dma_wait3A_33 : memref<1x125x80xi32, #tpu.memory_space<hbm>> -> memref<125x80xi32, #tpu.memory_space<hbm>>
      tpu.wait_dma2 semaphore(%run_scoped3A : memref<!tpu.dma_semaphore, #tpu.memory_space<semaphore_mem>>) src(%dma_wait3A_34 : memref<125x80xi32, #tpu.memory_space<hbm>>) dst(%arg8 : memref<125x80xi32, #tpu.memory_space<vmem>>)
      tpu.yield
    }) : () -> ()
    "tpu.region"() ({
      %run_scoped3A = tpu.sem_alloc : memref<!tpu.dma_semaphore, #tpu.memory_space<semaphore_mem>>
      %dma_start3A = arith.constant 0 : i32
      %dma_start3A_21 = tpu.memref_slice %arg10[%mul3A_2, %dma_start3A] : memref<10240x128xf32, #tpu.memory_space<vmem_shared>> -> memref<640x128xf32, #tpu.memory_space<vmem_shared>>
      tpu.enqueue_dma source(%arg4 : memref<640x128xf32, #tpu.memory_space<hbm>>) target(%dma_start3A_21 : memref<640x128xf32, #tpu.memory_space<vmem_shared>>) target_semaphore(%run_scoped3A : memref<!tpu.dma_semaphore, #tpu.memory_space<semaphore_mem>>)
      %dma_wait3A = arith.constant 0 : i32
      %dma_wait3A_22 = tpu.memref_slice %arg10[%mul3A_2, %dma_wait3A] : memref<10240x128xf32, #tpu.memory_space<vmem_shared>> -> memref<640x128xf32, #tpu.memory_space<vmem_shared>>
      tpu.wait_dma2 semaphore(%run_scoped3A : memref<!tpu.dma_semaphore, #tpu.memory_space<semaphore_mem>>) src(%arg4 : memref<640x128xf32, #tpu.memory_space<hbm>>) dst(%dma_wait3A_22 : memref<640x128xf32, #tpu.memory_space<vmem_shared>>)
      tpu.yield
    }) : () -> ()
    %barrier3A = arith.constant 0 : index
    tpu.barrier barrier_id(%barrier3A)
    %scan3A = arith.constant 0 : i32
    %scan3A_3 = arith.constant 0 : i32
    %scan3A_4 = arith.constant 25 : i32
    %scan3A_5 = arith.addi %scan3A_3, %scan3A_4 : i32
    %scan3A_6 = arith.constant 1 : i32
    %scan3A_7 = scf.for %scan3A_21 = %scan3A_3 to %scan3A_5 step %scan3A_6 iter_args(%scan3A_22 = %scan3A) -> (i32)  : i32 {
      %add3A_23 = arith.constant 0 : i32
      %add3A_24 = arith.addi %scan3A_22, %add3A_23 : i32
      %dma_start3A = arith.constant 0 : i32
      %dma_start3A_25 = tpu.memref_slice %arg8[%add3A_24, %dma_start3A] : memref<125x80xi32, #tpu.memory_space<vmem>> -> memref<1x80xi32, #tpu.memory_space<vmem>>
      %dma_start3A_26 = tpu.memref_squeeze %dma_start3A_25 : memref<1x80xi32, #tpu.memory_space<vmem>> -> memref<80xi32, #tpu.memory_space<vmem>>
      %dma_start3A_27 = arith.constant 0 : i32
      %dma_start3A_28 = arith.constant 0 : i32
      %dma_start3A_29 = tpu.memref_slice %arg10[%dma_start3A_27, %dma_start3A_28] : memref<10240x128xf32, #tpu.memory_space<vmem_shared>> -> memref<10240x128xf32, #tpu.memory_space<vmem_shared>>
      tpu.enqueue_indirect_dma source(%arg9 : memref<80x128xf32, #tpu.memory_space<vmem>>) target(%dma_start3A_29 : memref<10240x128xf32, #tpu.memory_space<vmem_shared>>) offsets(%dma_start3A_26 : memref<80xi32, #tpu.memory_space<vmem>>) semaphore(%arg11 : memref<!tpu.dma_semaphore, #tpu.memory_space<semaphore_mem>>) {add = true}
      %add3A_30 = arith.constant 1 : i32
      %add3A_31 = arith.addi %scan3A_22, %add3A_30 : i32
      %dma_start3A_32 = arith.constant 0 : i32
      %dma_start3A_33 = tpu.memref_slice %arg8[%add3A_31, %dma_start3A_32] : memref<125x80xi32, #tpu.memory_space<vmem>> -> memref<1x80xi32, #tpu.memory_space<vmem>>
      %dma_start3A_34 = tpu.memref_squeeze %dma_start3A_33 : memref<1x80xi32, #tpu.memory_space<vmem>> -> memref<80xi32, #tpu.memory_space<vmem>>
      %dma_start3A_35 = arith.constant 0 : i32
      %dma_start3A_36 = arith.constant 0 : i32
      %dma_start3A_37 = tpu.memref_slice %arg10[%dma_start3A_35, %dma_start3A_36] : memref<10240x128xf32, #tpu.memory_space<vmem_shared>> -> memref<10240x128xf32, #tpu.memory_space<vmem_shared>>
      tpu.enqueue_indirect_dma source(%arg9 : memref<80x128xf32, #tpu.memory_space<vmem>>) target(%dma_start3A_37 : memref<10240x128xf32, #tpu.memory_space<vmem_shared>>) offsets(%dma_start3A_34 : memref<80xi32, #tpu.memory_space<vmem>>) semaphore(%arg12 : memref<!tpu.dma_semaphore, #tpu.memory_space<semaphore_mem>>) {add = true}
      %add3A_38 = arith.constant 2 : i32
      %add3A_39 = arith.addi %scan3A_22, %add3A_38 : i32
      %dma_start3A_40 = arith.constant 0 : i32
      %dma_start3A_41 = tpu.memref_slice %arg8[%add3A_39, %dma_start3A_40] : memref<125x80xi32, #tpu.memory_space<vmem>> -> memref<1x80xi32, #tpu.memory_space<vmem>>
      %dma_start3A_42 = tpu.memref_squeeze %dma_start3A_41 : memref<1x80xi32, #tpu.memory_space<vmem>> -> memref<80xi32, #tpu.memory_space<vmem>>
      %dma_start3A_43 = arith.constant 0 : i32
      %dma_start3A_44 = arith.constant 0 : i32
      %dma_start3A_45 = tpu.memref_slice %arg10[%dma_start3A_43, %dma_start3A_44] : memref<10240x128xf32, #tpu.memory_space<vmem_shared>> -> memref<10240x128xf32, #tpu.memory_space<vmem_shared>>
      tpu.enqueue_indirect_dma source(%arg9 : memref<80x128xf32, #tpu.memory_space<vmem>>) target(%dma_start3A_45 : memref<10240x128xf32, #tpu.memory_space<vmem_shared>>) offsets(%dma_start3A_42 : memref<80xi32, #tpu.memory_space<vmem>>) semaphore(%arg13 : memref<!tpu.dma_semaphore, #tpu.memory_space<semaphore_mem>>) {add = true}
      %add3A_46 = arith.constant 3 : i32
      %add3A_47 = arith.addi %scan3A_22, %add3A_46 : i32
      %dma_start3A_48 = arith.constant 0 : i32
      %dma_start3A_49 = tpu.memref_slice %arg8[%add3A_47, %dma_start3A_48] : memref<125x80xi32, #tpu.memory_space<vmem>> -> memref<1x80xi32, #tpu.memory_space<vmem>>
      %dma_start3A_50 = tpu.memref_squeeze %dma_start3A_49 : memref<1x80xi32, #tpu.memory_space<vmem>> -> memref<80xi32, #tpu.memory_space<vmem>>
      %dma_start3A_51 = arith.constant 0 : i32
      %dma_start3A_52 = arith.constant 0 : i32
      %dma_start3A_53 = tpu.memref_slice %arg10[%dma_start3A_51, %dma_start3A_52] : memref<10240x128xf32, #tpu.memory_space<vmem_shared>> -> memref<10240x128xf32, #tpu.memory_space<vmem_shared>>
      tpu.enqueue_indirect_dma source(%arg9 : memref<80x128xf32, #tpu.memory_space<vmem>>) target(%dma_start3A_53 : memref<10240x128xf32, #tpu.memory_space<vmem_shared>>) offsets(%dma_start3A_50 : memref<80xi32, #tpu.memory_space<vmem>>) semaphore(%arg14 : memref<!tpu.dma_semaphore, #tpu.memory_space<semaphore_mem>>) {add = true}
      %add3A_54 = arith.constant 4 : i32
      %add3A_55 = arith.addi %scan3A_22, %add3A_54 : i32
      %dma_start3A_56 = arith.constant 0 : i32
      %dma_start3A_57 = tpu.memref_slice %arg8[%add3A_55, %dma_start3A_56] : memref<125x80xi32, #tpu.memory_space<vmem>> -> memref<1x80xi32, #tpu.memory_space<vmem>>
      %dma_start3A_58 = tpu.memref_squeeze %dma_start3A_57 : memref<1x80xi32, #tpu.memory_space<vmem>> -> memref<80xi32, #tpu.memory_space<vmem>>
      %dma_start3A_59 = arith.constant 0 : i32
      %dma_start3A_60 = arith.constant 0 : i32
      %dma_start3A_61 = tpu.memref_slice %arg10[%dma_start3A_59, %dma_start3A_60] : memref<10240x128xf32, #tpu.memory_space<vmem_shared>> -> memref<10240x128xf32, #tpu.memory_space<vmem_shared>>
      tpu.enqueue_indirect_dma source(%arg9 : memref<80x128xf32, #tpu.memory_space<vmem>>) target(%dma_start3A_61 : memref<10240x128xf32, #tpu.memory_space<vmem_shared>>) offsets(%dma_start3A_58 : memref<80xi32, #tpu.memory_space<vmem>>) semaphore(%arg15 : memref<!tpu.dma_semaphore, #tpu.memory_space<semaphore_mem>>) {add = true}
      %add3A_62 = arith.constant 0 : i32
      %add3A_63 = arith.addi %scan3A_22, %add3A_62 : i32
      %dma_wait3A = arith.constant 0 : i32
      %dma_wait3A_64 = tpu.memref_slice %arg8[%add3A_63, %dma_wait3A] : memref<125x80xi32, #tpu.memory_space<vmem>> -> memref<1x80xi32, #tpu.memory_space<vmem>>
      %dma_wait3A_65 = tpu.memref_squeeze %dma_wait3A_64 : memref<1x80xi32, #tpu.memory_space<vmem>> -> memref<80xi32, #tpu.memory_space<vmem>>
      %dma_wait3A_66 = arith.constant 0 : i32
      %dma_wait3A_67 = arith.constant 0 : i32
      %dma_wait3A_68 = tpu.memref_slice %arg10[%dma_wait3A_66, %dma_wait3A_67] : memref<10240x128xf32, #tpu.memory_space<vmem_shared>> -> memref<10240x128xf32, #tpu.memory_space<vmem_shared>>
      tpu.wait_indirect_dma semaphore(%arg11 : memref<!tpu.dma_semaphore, #tpu.memory_space<semaphore_mem>>) src(%arg9 : memref<80x128xf32, #tpu.memory_space<vmem>>) dst(%dma_wait3A_68 : memref<10240x128xf32, #tpu.memory_space<vmem_shared>>)
      %add3A_69 = arith.constant 1 : i32
      %add3A_70 = arith.addi %scan3A_22, %add3A_69 : i32
      %dma_wait3A_71 = arith.constant 0 : i32
      %dma_wait3A_72 = tpu.memref_slice %arg8[%add3A_70, %dma_wait3A_71] : memref<125x80xi32, #tpu.memory_space<vmem>> -> memref<1x80xi32, #tpu.memory_space<vmem>>
      %dma_wait3A_73 = tpu.memref_squeeze %dma_wait3A_72 : memref<1x80xi32, #tpu.memory_space<vmem>> -> memref<80xi32, #tpu.memory_space<vmem>>
      %dma_wait3A_74 = arith.constant 0 : i32
      %dma_wait3A_75 = arith.constant 0 : i32
      %dma_wait3A_76 = tpu.memref_slice %arg10[%dma_wait3A_74, %dma_wait3A_75] : memref<10240x128xf32, #tpu.memory_space<vmem_shared>> -> memref<10240x128xf32, #tpu.memory_space<vmem_shared>>
      tpu.wait_indirect_dma semaphore(%arg12 : memref<!tpu.dma_semaphore, #tpu.memory_space<semaphore_mem>>) src(%arg9 : memref<80x128xf32, #tpu.memory_space<vmem>>) dst(%dma_wait3A_76 : memref<10240x128xf32, #tpu.memory_space<vmem_shared>>)
      %add3A_77 = arith.constant 2 : i32
      %add3A_78 = arith.addi %scan3A_22, %add3A_77 : i32
      %dma_wait3A_79 = arith.constant 0 : i32
      %dma_wait3A_80 = tpu.memref_slice %arg8[%add3A_78, %dma_wait3A_79] : memref<125x80xi32, #tpu.memory_space<vmem>> -> memref<1x80xi32, #tpu.memory_space<vmem>>
      %dma_wait3A_81 = tpu.memref_squeeze %dma_wait3A_80 : memref<1x80xi32, #tpu.memory_space<vmem>> -> memref<80xi32, #tpu.memory_space<vmem>>
      %dma_wait3A_82 = arith.constant 0 : i32
      %dma_wait3A_83 = arith.constant 0 : i32
      %dma_wait3A_84 = tpu.memref_slice %arg10[%dma_wait3A_82, %dma_wait3A_83] : memref<10240x128xf32, #tpu.memory_space<vmem_shared>> -> memref<10240x128xf32, #tpu.memory_space<vmem_shared>>
      tpu.wait_indirect_dma semaphore(%arg13 : memref<!tpu.dma_semaphore, #tpu.memory_space<semaphore_mem>>) src(%arg9 : memref<80x128xf32, #tpu.memory_space<vmem>>) dst(%dma_wait3A_84 : memref<10240x128xf32, #tpu.memory_space<vmem_shared>>)
      %add3A_85 = arith.constant 3 : i32
      %add3A_86 = arith.addi %scan3A_22, %add3A_85 : i32
      %dma_wait3A_87 = arith.constant 0 : i32
      %dma_wait3A_88 = tpu.memref_slice %arg8[%add3A_86, %dma_wait3A_87] : memref<125x80xi32, #tpu.memory_space<vmem>> -> memref<1x80xi32, #tpu.memory_space<vmem>>
      %dma_wait3A_89 = tpu.memref_squeeze %dma_wait3A_88 : memref<1x80xi32, #tpu.memory_space<vmem>> -> memref<80xi32, #tpu.memory_space<vmem>>
      %dma_wait3A_90 = arith.constant 0 : i32
      %dma_wait3A_91 = arith.constant 0 : i32
      %dma_wait3A_92 = tpu.memref_slice %arg10[%dma_wait3A_90, %dma_wait3A_91] : memref<10240x128xf32, #tpu.memory_space<vmem_shared>> -> memref<10240x128xf32, #tpu.memory_space<vmem_shared>>
      tpu.wait_indirect_dma semaphore(%arg14 : memref<!tpu.dma_semaphore, #tpu.memory_space<semaphore_mem>>) src(%arg9 : memref<80x128xf32, #tpu.memory_space<vmem>>) dst(%dma_wait3A_92 : memref<10240x128xf32, #tpu.memory_space<vmem_shared>>)
      %add3A_93 = arith.constant 4 : i32
      %add3A_94 = arith.addi %scan3A_22, %add3A_93 : i32
      %dma_wait3A_95 = arith.constant 0 : i32
      %dma_wait3A_96 = tpu.memref_slice %arg8[%add3A_94, %dma_wait3A_95] : memref<125x80xi32, #tpu.memory_space<vmem>> -> memref<1x80xi32, #tpu.memory_space<vmem>>
      %dma_wait3A_97 = tpu.memref_squeeze %dma_wait3A_96 : memref<1x80xi32, #tpu.memory_space<vmem>> -> memref<80xi32, #tpu.memory_space<vmem>>
      %dma_wait3A_98 = arith.constant 0 : i32
      %dma_wait3A_99 = arith.constant 0 : i32
      %dma_wait3A_100 = tpu.memref_slice %arg10[%dma_wait3A_98, %dma_wait3A_99] : memref<10240x128xf32, #tpu.memory_space<vmem_shared>> -> memref<10240x128xf32, #tpu.memory_space<vmem_shared>>
      tpu.wait_indirect_dma semaphore(%arg15 : memref<!tpu.dma_semaphore, #tpu.memory_space<semaphore_mem>>) src(%arg9 : memref<80x128xf32, #tpu.memory_space<vmem>>) dst(%dma_wait3A_100 : memref<10240x128xf32, #tpu.memory_space<vmem_shared>>)
      %add3A_101 = arith.constant 5 : i32
      %add3A_102 = arith.addi %scan3A_22, %add3A_101 : i32
      scf.yield %add3A_102 : i32
    }
    %scan3A_8 = arith.constant 25 : i32
    %barrier3A_9 = arith.constant 0 : index
    tpu.barrier barrier_id(%barrier3A_9)
    "tpu.region"() ({
      %run_scoped3A = tpu.sem_alloc : memref<!tpu.dma_semaphore, #tpu.memory_space<semaphore_mem>>
      %dma_start3A = arith.constant 0 : i32
      %dma_start3A_21 = tpu.memref_slice %arg6[%arg0, %mul3A_2, %dma_start3A] : memref<2x10240x128xf32, #tpu.memory_space<hbm>> -> memref<1x640x128xf32, #tpu.memory_space<hbm>>
      %dma_start3A_22 = tpu.memref_squeeze %dma_start3A_21 : memref<1x640x128xf32, #tpu.memory_space<hbm>> -> memref<640x128xf32, #tpu.memory_space<hbm>>
      %dma_start3A_23 = arith.constant 0 : i32
      %dma_start3A_24 = tpu.memref_slice %arg10[%mul3A_2, %dma_start3A_23] : memref<10240x128xf32, #tpu.memory_space<vmem_shared>> -> memref<640x128xf32, #tpu.memory_space<vmem_shared>>
      tpu.enqueue_dma source(%dma_start3A_24 : memref<640x128xf32, #tpu.memory_space<vmem_shared>>) target(%dma_start3A_22 : memref<640x128xf32, #tpu.memory_space<hbm>>) target_semaphore(%run_scoped3A : memref<!tpu.dma_semaphore, #tpu.memory_space<semaphore_mem>>)
      %dma_wait3A = arith.constant 0 : i32
      %dma_wait3A_25 = tpu.memref_slice %arg6[%arg0, %mul3A_2, %dma_wait3A] : memref<2x10240x128xf32, #tpu.memory_space<hbm>> -> memref<1x640x128xf32, #tpu.memory_space<hbm>>
      %dma_wait3A_26 = tpu.memref_squeeze %dma_wait3A_25 : memref<1x640x128xf32, #tpu.memory_space<hbm>> -> memref<640x128xf32, #tpu.memory_space<hbm>>
      %dma_wait3A_27 = arith.constant 0 : i32
      %dma_wait3A_28 = tpu.memref_slice %arg10[%mul3A_2, %dma_wait3A_27] : memref<10240x128xf32, #tpu.memory_space<vmem_shared>> -> memref<640x128xf32, #tpu.memory_space<vmem_shared>>
      tpu.wait_dma2 semaphore(%run_scoped3A : memref<!tpu.dma_semaphore, #tpu.memory_space<semaphore_mem>>) src(%dma_wait3A_28 : memref<640x128xf32, #tpu.memory_space<vmem_shared>>) dst(%dma_wait3A_26 : memref<640x128xf32, #tpu.memory_space<hbm>>)
      tpu.yield
    }) : () -> ()
    %barrier3A_10 = arith.constant 0 : index
    tpu.barrier barrier_id(%barrier3A_10)
    "tpu.region"() ({
      %run_scoped3A = tpu.sem_alloc : memref<!tpu.dma_semaphore, #tpu.memory_space<semaphore_mem>>
      %dma_start3A = arith.constant 0 : i32
      %dma_start3A_21 = arith.constant 0 : i32
      %dma_start3A_22 = tpu.memref_slice %arg3[%add3A, %dma_start3A, %dma_start3A_21] : memref<32x125x80xi32, #tpu.memory_space<hbm>> -> memref<1x125x80xi32, #tpu.memory_space<hbm>>
      %dma_start3A_23 = tpu.memref_squeeze %dma_start3A_22 : memref<1x125x80xi32, #tpu.memory_space<hbm>> -> memref<125x80xi32, #tpu.memory_space<hbm>>
      %dma_start3A_24 = arith.constant 0 : i32
      %dma_start3A_25 = arith.constant 0 : i32
      %dma_start3A_26 = tpu.memref_slice %arg3[%add3A, %dma_start3A_24, %dma_start3A_25] : memref<32x125x80xi32, #tpu.memory_space<hbm>> -> memref<1x125x80xi32, #tpu.memory_space<hbm>>
      %dma_start3A_27 = tpu.memref_squeeze %dma_start3A_26 : memref<1x125x80xi32, #tpu.memory_space<hbm>> -> memref<125x80xi32, #tpu.memory_space<hbm>>
      tpu.enqueue_dma source(%dma_start3A_27 : memref<125x80xi32, #tpu.memory_space<hbm>>) target(%arg8 : memref<125x80xi32, #tpu.memory_space<vmem>>) target_semaphore(%run_scoped3A : memref<!tpu.dma_semaphore, #tpu.memory_space<semaphore_mem>>)
      %dma_wait3A = arith.constant 0 : i32
      %dma_wait3A_28 = arith.constant 0 : i32
      %dma_wait3A_29 = tpu.memref_slice %arg3[%add3A, %dma_wait3A, %dma_wait3A_28] : memref<32x125x80xi32, #tpu.memory_space<hbm>> -> memref<1x125x80xi32, #tpu.memory_space<hbm>>
      %dma_wait3A_30 = tpu.memref_squeeze %dma_wait3A_29 : memref<1x125x80xi32, #tpu.memory_space<hbm>> -> memref<125x80xi32, #tpu.memory_space<hbm>>
      %dma_wait3A_31 = arith.constant 0 : i32
      %dma_wait3A_32 = arith.constant 0 : i32
      %dma_wait3A_33 = tpu.memref_slice %arg3[%add3A, %dma_wait3A_31, %dma_wait3A_32] : memref<32x125x80xi32, #tpu.memory_space<hbm>> -> memref<1x125x80xi32, #tpu.memory_space<hbm>>
      %dma_wait3A_34 = tpu.memref_squeeze %dma_wait3A_33 : memref<1x125x80xi32, #tpu.memory_space<hbm>> -> memref<125x80xi32, #tpu.memory_space<hbm>>
      tpu.wait_dma2 semaphore(%run_scoped3A : memref<!tpu.dma_semaphore, #tpu.memory_space<semaphore_mem>>) src(%dma_wait3A_34 : memref<125x80xi32, #tpu.memory_space<hbm>>) dst(%arg8 : memref<125x80xi32, #tpu.memory_space<vmem>>)
      tpu.yield
    }) : () -> ()
    "tpu.region"() ({
      %run_scoped3A = tpu.sem_alloc : memref<!tpu.dma_semaphore, #tpu.memory_space<semaphore_mem>>
      %dma_start3A = arith.constant 0 : i32
      %dma_start3A_21 = tpu.memref_slice %arg10[%mul3A_2, %dma_start3A] : memref<10240x128xf32, #tpu.memory_space<vmem_shared>> -> memref<640x128xf32, #tpu.memory_space<vmem_shared>>
      tpu.enqueue_dma source(%arg4 : memref<640x128xf32, #tpu.memory_space<hbm>>) target(%dma_start3A_21 : memref<640x128xf32, #tpu.memory_space<vmem_shared>>) target_semaphore(%run_scoped3A : memref<!tpu.dma_semaphore, #tpu.memory_space<semaphore_mem>>)
      %dma_wait3A = arith.constant 0 : i32
      %dma_wait3A_22 = tpu.memref_slice %arg10[%mul3A_2, %dma_wait3A] : memref<10240x128xf32, #tpu.memory_space<vmem_shared>> -> memref<640x128xf32, #tpu.memory_space<vmem_shared>>
      tpu.wait_dma2 semaphore(%run_scoped3A : memref<!tpu.dma_semaphore, #tpu.memory_space<semaphore_mem>>) src(%arg4 : memref<640x128xf32, #tpu.memory_space<hbm>>) dst(%dma_wait3A_22 : memref<640x128xf32, #tpu.memory_space<vmem_shared>>)
      tpu.yield
    }) : () -> ()
    %barrier3A_11 = arith.constant 0 : index
    tpu.barrier barrier_id(%barrier3A_11)
    %scan3A_12 = arith.constant 0 : i32
    %scan3A_13 = arith.constant 0 : i32
    %scan3A_14 = arith.constant 25 : i32
    %scan3A_15 = arith.addi %scan3A_13, %scan3A_14 : i32
    %scan3A_16 = arith.constant 1 : i32
    %scan3A_17 = scf.for %scan3A_21 = %scan3A_13 to %scan3A_15 step %scan3A_16 iter_args(%scan3A_22 = %scan3A_12) -> (i32)  : i32 {
      %add3A_23 = arith.constant 0 : i32
      %add3A_24 = arith.addi %scan3A_22, %add3A_23 : i32
      %dma_start3A = arith.constant 0 : i32
      %dma_start3A_25 = tpu.memref_slice %arg8[%add3A_24, %dma_start3A] : memref<125x80xi32, #tpu.memory_space<vmem>> -> memref<1x80xi32, #tpu.memory_space<vmem>>
      %dma_start3A_26 = tpu.memref_squeeze %dma_start3A_25 : memref<1x80xi32, #tpu.memory_space<vmem>> -> memref<80xi32, #tpu.memory_space<vmem>>
      %dma_start3A_27 = arith.constant 0 : i32
      %dma_start3A_28 = arith.constant 0 : i32
      %dma_start3A_29 = tpu.memref_slice %arg10[%dma_start3A_27, %dma_start3A_28] : memref<10240x128xf32, #tpu.memory_space<vmem_shared>> -> memref<10240x128xf32, #tpu.memory_space<vmem_shared>>
      tpu.enqueue_indirect_dma source(%arg9 : memref<80x128xf32, #tpu.memory_space<vmem>>) target(%dma_start3A_29 : memref<10240x128xf32, #tpu.memory_space<vmem_shared>>) offsets(%dma_start3A_26 : memref<80xi32, #tpu.memory_space<vmem>>) semaphore(%arg11 : memref<!tpu.dma_semaphore, #tpu.memory_space<semaphore_mem>>) {add = true}
      %add3A_30 = arith.constant 1 : i32
      %add3A_31 = arith.addi %scan3A_22, %add3A_30 : i32
      %dma_start3A_32 = arith.constant 0 : i32
      %dma_start3A_33 = tpu.memref_slice %arg8[%add3A_31, %dma_start3A_32] : memref<125x80xi32, #tpu.memory_space<vmem>> -> memref<1x80xi32, #tpu.memory_space<vmem>>
      %dma_start3A_34 = tpu.memref_squeeze %dma_start3A_33 : memref<1x80xi32, #tpu.memory_space<vmem>> -> memref<80xi32, #tpu.memory_space<vmem>>
      %dma_start3A_35 = arith.constant 0 : i32
      %dma_start3A_36 = arith.constant 0 : i32
      %dma_start3A_37 = tpu.memref_slice %arg10[%dma_start3A_35, %dma_start3A_36] : memref<10240x128xf32, #tpu.memory_space<vmem_shared>> -> memref<10240x128xf32, #tpu.memory_space<vmem_shared>>
      tpu.enqueue_indirect_dma source(%arg9 : memref<80x128xf32, #tpu.memory_space<vmem>>) target(%dma_start3A_37 : memref<10240x128xf32, #tpu.memory_space<vmem_shared>>) offsets(%dma_start3A_34 : memref<80xi32, #tpu.memory_space<vmem>>) semaphore(%arg12 : memref<!tpu.dma_semaphore, #tpu.memory_space<semaphore_mem>>) {add = true}
      %add3A_38 = arith.constant 2 : i32
      %add3A_39 = arith.addi %scan3A_22, %add3A_38 : i32
      %dma_start3A_40 = arith.constant 0 : i32
      %dma_start3A_41 = tpu.memref_slice %arg8[%add3A_39, %dma_start3A_40] : memref<125x80xi32, #tpu.memory_space<vmem>> -> memref<1x80xi32, #tpu.memory_space<vmem>>
      %dma_start3A_42 = tpu.memref_squeeze %dma_start3A_41 : memref<1x80xi32, #tpu.memory_space<vmem>> -> memref<80xi32, #tpu.memory_space<vmem>>
      %dma_start3A_43 = arith.constant 0 : i32
      %dma_start3A_44 = arith.constant 0 : i32
      %dma_start3A_45 = tpu.memref_slice %arg10[%dma_start3A_43, %dma_start3A_44] : memref<10240x128xf32, #tpu.memory_space<vmem_shared>> -> memref<10240x128xf32, #tpu.memory_space<vmem_shared>>
      tpu.enqueue_indirect_dma source(%arg9 : memref<80x128xf32, #tpu.memory_space<vmem>>) target(%dma_start3A_45 : memref<10240x128xf32, #tpu.memory_space<vmem_shared>>) offsets(%dma_start3A_42 : memref<80xi32, #tpu.memory_space<vmem>>) semaphore(%arg13 : memref<!tpu.dma_semaphore, #tpu.memory_space<semaphore_mem>>) {add = true}
      %add3A_46 = arith.constant 3 : i32
      %add3A_47 = arith.addi %scan3A_22, %add3A_46 : i32
      %dma_start3A_48 = arith.constant 0 : i32
      %dma_start3A_49 = tpu.memref_slice %arg8[%add3A_47, %dma_start3A_48] : memref<125x80xi32, #tpu.memory_space<vmem>> -> memref<1x80xi32, #tpu.memory_space<vmem>>
      %dma_start3A_50 = tpu.memref_squeeze %dma_start3A_49 : memref<1x80xi32, #tpu.memory_space<vmem>> -> memref<80xi32, #tpu.memory_space<vmem>>
      %dma_start3A_51 = arith.constant 0 : i32
      %dma_start3A_52 = arith.constant 0 : i32
      %dma_start3A_53 = tpu.memref_slice %arg10[%dma_start3A_51, %dma_start3A_52] : memref<10240x128xf32, #tpu.memory_space<vmem_shared>> -> memref<10240x128xf32, #tpu.memory_space<vmem_shared>>
      tpu.enqueue_indirect_dma source(%arg9 : memref<80x128xf32, #tpu.memory_space<vmem>>) target(%dma_start3A_53 : memref<10240x128xf32, #tpu.memory_space<vmem_shared>>) offsets(%dma_start3A_50 : memref<80xi32, #tpu.memory_space<vmem>>) semaphore(%arg14 : memref<!tpu.dma_semaphore, #tpu.memory_space<semaphore_mem>>) {add = true}
      %add3A_54 = arith.constant 4 : i32
      %add3A_55 = arith.addi %scan3A_22, %add3A_54 : i32
      %dma_start3A_56 = arith.constant 0 : i32
      %dma_start3A_57 = tpu.memref_slice %arg8[%add3A_55, %dma_start3A_56] : memref<125x80xi32, #tpu.memory_space<vmem>> -> memref<1x80xi32, #tpu.memory_space<vmem>>
      %dma_start3A_58 = tpu.memref_squeeze %dma_start3A_57 : memref<1x80xi32, #tpu.memory_space<vmem>> -> memref<80xi32, #tpu.memory_space<vmem>>
      %dma_start3A_59 = arith.constant 0 : i32
      %dma_start3A_60 = arith.constant 0 : i32
      %dma_start3A_61 = tpu.memref_slice %arg10[%dma_start3A_59, %dma_start3A_60] : memref<10240x128xf32, #tpu.memory_space<vmem_shared>> -> memref<10240x128xf32, #tpu.memory_space<vmem_shared>>
      tpu.enqueue_indirect_dma source(%arg9 : memref<80x128xf32, #tpu.memory_space<vmem>>) target(%dma_start3A_61 : memref<10240x128xf32, #tpu.memory_space<vmem_shared>>) offsets(%dma_start3A_58 : memref<80xi32, #tpu.memory_space<vmem>>) semaphore(%arg15 : memref<!tpu.dma_semaphore, #tpu.memory_space<semaphore_mem>>) {add = true}
      %add3A_62 = arith.constant 0 : i32
      %add3A_63 = arith.addi %scan3A_22, %add3A_62 : i32
      %dma_wait3A = arith.constant 0 : i32
      %dma_wait3A_64 = tpu.memref_slice %arg8[%add3A_63, %dma_wait3A] : memref<125x80xi32, #tpu.memory_space<vmem>> -> memref<1x80xi32, #tpu.memory_space<vmem>>
      %dma_wait3A_65 = tpu.memref_squeeze %dma_wait3A_64 : memref<1x80xi32, #tpu.memory_space<vmem>> -> memref<80xi32, #tpu.memory_space<vmem>>
      %dma_wait3A_66 = arith.constant 0 : i32
      %dma_wait3A_67 = arith.constant 0 : i32
      %dma_wait3A_68 = tpu.memref_slice %arg10[%dma_wait3A_66, %dma_wait3A_67] : memref<10240x128xf32, #tpu.memory_space<vmem_shared>> -> memref<10240x128xf32, #tpu.memory_space<vmem_shared>>
      tpu.wait_indirect_dma semaphore(%arg11 : memref<!tpu.dma_semaphore, #tpu.memory_space<semaphore_mem>>) src(%arg9 : memref<80x128xf32, #tpu.memory_space<vmem>>) dst(%dma_wait3A_68 : memref<10240x128xf32, #tpu.memory_space<vmem_shared>>)
      %add3A_69 = arith.constant 1 : i32
      %add3A_70 = arith.addi %scan3A_22, %add3A_69 : i32
      %dma_wait3A_71 = arith.constant 0 : i32
      %dma_wait3A_72 = tpu.memref_slice %arg8[%add3A_70, %dma_wait3A_71] : memref<125x80xi32, #tpu.memory_space<vmem>> -> memref<1x80xi32, #tpu.memory_space<vmem>>
      %dma_wait3A_73 = tpu.memref_squeeze %dma_wait3A_72 : memref<1x80xi32, #tpu.memory_space<vmem>> -> memref<80xi32, #tpu.memory_space<vmem>>
      %dma_wait3A_74 = arith.constant 0 : i32
      %dma_wait3A_75 = arith.constant 0 : i32
      %dma_wait3A_76 = tpu.memref_slice %arg10[%dma_wait3A_74, %dma_wait3A_75] : memref<10240x128xf32, #tpu.memory_space<vmem_shared>> -> memref<10240x128xf32, #tpu.memory_space<vmem_shared>>
      tpu.wait_indirect_dma semaphore(%arg12 : memref<!tpu.dma_semaphore, #tpu.memory_space<semaphore_mem>>) src(%arg9 : memref<80x128xf32, #tpu.memory_space<vmem>>) dst(%dma_wait3A_76 : memref<10240x128xf32, #tpu.memory_space<vmem_shared>>)
      %add3A_77 = arith.constant 2 : i32
      %add3A_78 = arith.addi %scan3A_22, %add3A_77 : i32
      %dma_wait3A_79 = arith.constant 0 : i32
      %dma_wait3A_80 = tpu.memref_slice %arg8[%add3A_78, %dma_wait3A_79] : memref<125x80xi32, #tpu.memory_space<vmem>> -> memref<1x80xi32, #tpu.memory_space<vmem>>
      %dma_wait3A_81 = tpu.memref_squeeze %dma_wait3A_80 : memref<1x80xi32, #tpu.memory_space<vmem>> -> memref<80xi32, #tpu.memory_space<vmem>>
      %dma_wait3A_82 = arith.constant 0 : i32
      %dma_wait3A_83 = arith.constant 0 : i32
      %dma_wait3A_84 = tpu.memref_slice %arg10[%dma_wait3A_82, %dma_wait3A_83] : memref<10240x128xf32, #tpu.memory_space<vmem_shared>> -> memref<10240x128xf32, #tpu.memory_space<vmem_shared>>
      tpu.wait_indirect_dma semaphore(%arg13 : memref<!tpu.dma_semaphore, #tpu.memory_space<semaphore_mem>>) src(%arg9 : memref<80x128xf32, #tpu.memory_space<vmem>>) dst(%dma_wait3A_84 : memref<10240x128xf32, #tpu.memory_space<vmem_shared>>)
      %add3A_85 = arith.constant 3 : i32
      %add3A_86 = arith.addi %scan3A_22, %add3A_85 : i32
      %dma_wait3A_87 = arith.constant 0 : i32
      %dma_wait3A_88 = tpu.memref_slice %arg8[%add3A_86, %dma_wait3A_87] : memref<125x80xi32, #tpu.memory_space<vmem>> -> memref<1x80xi32, #tpu.memory_space<vmem>>
      %dma_wait3A_89 = tpu.memref_squeeze %dma_wait3A_88 : memref<1x80xi32, #tpu.memory_space<vmem>> -> memref<80xi32, #tpu.memory_space<vmem>>
      %dma_wait3A_90 = arith.constant 0 : i32
      %dma_wait3A_91 = arith.constant 0 : i32
      %dma_wait3A_92 = tpu.memref_slice %arg10[%dma_wait3A_90, %dma_wait3A_91] : memref<10240x128xf32, #tpu.memory_space<vmem_shared>> -> memref<10240x128xf32, #tpu.memory_space<vmem_shared>>
      tpu.wait_indirect_dma semaphore(%arg14 : memref<!tpu.dma_semaphore, #tpu.memory_space<semaphore_mem>>) src(%arg9 : memref<80x128xf32, #tpu.memory_space<vmem>>) dst(%dma_wait3A_92 : memref<10240x128xf32, #tpu.memory_space<vmem_shared>>)
      %add3A_93 = arith.constant 4 : i32
      %add3A_94 = arith.addi %scan3A_22, %add3A_93 : i32
      %dma_wait3A_95 = arith.constant 0 : i32
      %dma_wait3A_96 = tpu.memref_slice %arg8[%add3A_94, %dma_wait3A_95] : memref<125x80xi32, #tpu.memory_space<vmem>> -> memref<1x80xi32, #tpu.memory_space<vmem>>
      %dma_wait3A_97 = tpu.memref_squeeze %dma_wait3A_96 : memref<1x80xi32, #tpu.memory_space<vmem>> -> memref<80xi32, #tpu.memory_space<vmem>>
      %dma_wait3A_98 = arith.constant 0 : i32
      %dma_wait3A_99 = arith.constant 0 : i32
      %dma_wait3A_100 = tpu.memref_slice %arg10[%dma_wait3A_98, %dma_wait3A_99] : memref<10240x128xf32, #tpu.memory_space<vmem_shared>> -> memref<10240x128xf32, #tpu.memory_space<vmem_shared>>
      tpu.wait_indirect_dma semaphore(%arg15 : memref<!tpu.dma_semaphore, #tpu.memory_space<semaphore_mem>>) src(%arg9 : memref<80x128xf32, #tpu.memory_space<vmem>>) dst(%dma_wait3A_100 : memref<10240x128xf32, #tpu.memory_space<vmem_shared>>)
      %add3A_101 = arith.constant 5 : i32
      %add3A_102 = arith.addi %scan3A_22, %add3A_101 : i32
      scf.yield %add3A_102 : i32
    }
    %scan3A_18 = arith.constant 25 : i32
    %barrier3A_19 = arith.constant 0 : index
    tpu.barrier barrier_id(%barrier3A_19)
    "tpu.region"() ({
      %run_scoped3A = tpu.sem_alloc : memref<!tpu.dma_semaphore, #tpu.memory_space<semaphore_mem>>
      %dma_start3A = arith.constant 0 : i32
      %dma_start3A_21 = tpu.memref_slice %arg7[%arg0, %mul3A_2, %dma_start3A] : memref<2x10240x128xf32, #tpu.memory_space<hbm>> -> memref<1x640x128xf32, #tpu.memory_space<hbm>>
      %dma_start3A_22 = tpu.memref_squeeze %dma_start3A_21 : memref<1x640x128xf32, #tpu.memory_space<hbm>> -> memref<640x128xf32, #tpu.memory_space<hbm>>
      %dma_start3A_23 = arith.constant 0 : i32
      %dma_start3A_24 = tpu.memref_slice %arg10[%mul3A_2, %dma_start3A_23] : memref<10240x128xf32, #tpu.memory_space<vmem_shared>> -> memref<640x128xf32, #tpu.memory_space<vmem_shared>>
      tpu.enqueue_dma source(%dma_start3A_24 : memref<640x128xf32, #tpu.memory_space<vmem_shared>>) target(%dma_start3A_22 : memref<640x128xf32, #tpu.memory_space<hbm>>) target_semaphore(%run_scoped3A : memref<!tpu.dma_semaphore, #tpu.memory_space<semaphore_mem>>)
      %dma_wait3A = arith.constant 0 : i32
      %dma_wait3A_25 = tpu.memref_slice %arg7[%arg0, %mul3A_2, %dma_wait3A] : memref<2x10240x128xf32, #tpu.memory_space<hbm>> -> memref<1x640x128xf32, #tpu.memory_space<hbm>>
      %dma_wait3A_26 = tpu.memref_squeeze %dma_wait3A_25 : memref<1x640x128xf32, #tpu.memory_space<hbm>> -> memref<640x128xf32, #tpu.memory_space<hbm>>
      %dma_wait3A_27 = arith.constant 0 : i32
      %dma_wait3A_28 = tpu.memref_slice %arg10[%mul3A_2, %dma_wait3A_27] : memref<10240x128xf32, #tpu.memory_space<vmem_shared>> -> memref<640x128xf32, #tpu.memory_space<vmem_shared>>
      tpu.wait_dma2 semaphore(%run_scoped3A : memref<!tpu.dma_semaphore, #tpu.memory_space<semaphore_mem>>) src(%dma_wait3A_28 : memref<640x128xf32, #tpu.memory_space<vmem_shared>>) dst(%dma_wait3A_26 : memref<640x128xf32, #tpu.memory_space<hbm>>)
      tpu.yield
    }) : () -> ()
    %barrier3A_20 = arith.constant 0 : index
    tpu.barrier barrier_id(%barrier3A_20)
    return
  }
}

#map = affine_map<(d0, d1) -> (0, 0)>
#map1 = affine_map<(d0, d1) -> (0, 0, 0)>
module attributes {stable_mosaic.version = 14 : i64} {
  func.func @_agg_body(%arg0: i32, %arg1: i32, %arg2: memref<10000x128xf32, #tpu.memory_space<hbm>>, %arg3: memref<32x10000xi32, #tpu.memory_space<hbm>>, %arg4: memref<32x125x80xi32, #tpu.memory_space<hbm>>, %arg5: memref<640x128xf32, #tpu.memory_space<hbm>>, %arg6: memref<2x10240x128xf32, #tpu.memory_space<hbm>>, %arg7: memref<10000xi32, #tpu.memory_space<vmem>>, %arg8: memref<125x80xi32, #tpu.memory_space<vmem>>, %arg9: memref<2x80x128xf32, #tpu.memory_space<vmem>>, %arg10: memref<10240x128xf32, #tpu.memory_space<vmem_shared>>, %arg11: memref<!tpu.dma_semaphore, #tpu.memory_space<semaphore_mem>>, %arg12: memref<!tpu.dma_semaphore, #tpu.memory_space<semaphore_mem>>) attributes {dimension_semantics = [#tpu.dimension_semantics<core_parallel>, #tpu.dimension_semantics<subcore_parallel>], iteration_bounds = array<i64: 2, 16>, scalar_prefetch = 0 : i64, scratch_operands = 6 : i64, tpu.core_type = #tpu.core_type<sc_vector_subcore>, window_params = [{transform_indices = #map}, {transform_indices = #map}, {transform_indices = #map1}, {transform_indices = #map}, {transform_indices = #map1}]} {
    %mul3A = arith.constant 16 : i32
    %mul3A_0 = arith.muli %arg0, %mul3A : i32
    %add3A = arith.addi %mul3A_0, %arg1 : i32
    %mul3A_1 = arith.constant 640 : i32
    %mul3A_2 = arith.muli %arg1, %mul3A_1 : i32
    "tpu.region"() ({
      %run_scoped3A_30 = tpu.sem_alloc : memref<!tpu.dma_semaphore, #tpu.memory_space<semaphore_mem>>
      %dma_start3A_31 = arith.constant 0 : i32
      %dma_start3A_32 = tpu.memref_slice %arg10[%mul3A_2, %dma_start3A_31] : memref<10240x128xf32, #tpu.memory_space<vmem_shared>> -> memref<640x128xf32, #tpu.memory_space<vmem_shared>>
      tpu.enqueue_dma source(%arg5 : memref<640x128xf32, #tpu.memory_space<hbm>>) target(%dma_start3A_32 : memref<640x128xf32, #tpu.memory_space<vmem_shared>>) target_semaphore(%run_scoped3A_30 : memref<!tpu.dma_semaphore, #tpu.memory_space<semaphore_mem>>)
      %dma_wait3A_33 = arith.constant 0 : i32
      %dma_wait3A_34 = tpu.memref_slice %arg10[%mul3A_2, %dma_wait3A_33] : memref<10240x128xf32, #tpu.memory_space<vmem_shared>> -> memref<640x128xf32, #tpu.memory_space<vmem_shared>>
      tpu.wait_dma2 semaphore(%run_scoped3A_30 : memref<!tpu.dma_semaphore, #tpu.memory_space<semaphore_mem>>) src(%arg5 : memref<640x128xf32, #tpu.memory_space<hbm>>) dst(%dma_wait3A_34 : memref<640x128xf32, #tpu.memory_space<vmem_shared>>)
      tpu.yield
    }) : () -> ()
    "tpu.region"() ({
      %run_scoped3A_30 = tpu.sem_alloc : memref<!tpu.dma_semaphore, #tpu.memory_space<semaphore_mem>>
      %dma_start3A_31 = arith.constant 0 : i32
      %dma_start3A_32 = tpu.memref_slice %arg3[%add3A, %dma_start3A_31] : memref<32x10000xi32, #tpu.memory_space<hbm>> -> memref<1x10000xi32, #tpu.memory_space<hbm>>
      %dma_start3A_33 = tpu.memref_squeeze %dma_start3A_32 : memref<1x10000xi32, #tpu.memory_space<hbm>> -> memref<10000xi32, #tpu.memory_space<hbm>>
      %dma_start3A_34 = arith.constant 0 : i32
      %dma_start3A_35 = tpu.memref_slice %arg3[%add3A, %dma_start3A_34] : memref<32x10000xi32, #tpu.memory_space<hbm>> -> memref<1x10000xi32, #tpu.memory_space<hbm>>
      %dma_start3A_36 = tpu.memref_squeeze %dma_start3A_35 : memref<1x10000xi32, #tpu.memory_space<hbm>> -> memref<10000xi32, #tpu.memory_space<hbm>>
      tpu.enqueue_dma source(%dma_start3A_36 : memref<10000xi32, #tpu.memory_space<hbm>>) target(%arg7 : memref<10000xi32, #tpu.memory_space<vmem>>) target_semaphore(%run_scoped3A_30 : memref<!tpu.dma_semaphore, #tpu.memory_space<semaphore_mem>>)
      %dma_wait3A_37 = arith.constant 0 : i32
      %dma_wait3A_38 = tpu.memref_slice %arg3[%add3A, %dma_wait3A_37] : memref<32x10000xi32, #tpu.memory_space<hbm>> -> memref<1x10000xi32, #tpu.memory_space<hbm>>
      %dma_wait3A_39 = tpu.memref_squeeze %dma_wait3A_38 : memref<1x10000xi32, #tpu.memory_space<hbm>> -> memref<10000xi32, #tpu.memory_space<hbm>>
      %dma_wait3A_40 = arith.constant 0 : i32
      %dma_wait3A_41 = tpu.memref_slice %arg3[%add3A, %dma_wait3A_40] : memref<32x10000xi32, #tpu.memory_space<hbm>> -> memref<1x10000xi32, #tpu.memory_space<hbm>>
      %dma_wait3A_42 = tpu.memref_squeeze %dma_wait3A_41 : memref<1x10000xi32, #tpu.memory_space<hbm>> -> memref<10000xi32, #tpu.memory_space<hbm>>
      tpu.wait_dma2 semaphore(%run_scoped3A_30 : memref<!tpu.dma_semaphore, #tpu.memory_space<semaphore_mem>>) src(%dma_wait3A_42 : memref<10000xi32, #tpu.memory_space<hbm>>) dst(%arg7 : memref<10000xi32, #tpu.memory_space<vmem>>)
      tpu.yield
    }) : () -> ()
    "tpu.region"() ({
      %run_scoped3A_30 = tpu.sem_alloc : memref<!tpu.dma_semaphore, #tpu.memory_space<semaphore_mem>>
      %dma_start3A_31 = arith.constant 0 : i32
      %dma_start3A_32 = arith.constant 0 : i32
      %dma_start3A_33 = tpu.memref_slice %arg4[%add3A, %dma_start3A_31, %dma_start3A_32] : memref<32x125x80xi32, #tpu.memory_space<hbm>> -> memref<1x125x80xi32, #tpu.memory_space<hbm>>
      %dma_start3A_34 = tpu.memref_squeeze %dma_start3A_33 : memref<1x125x80xi32, #tpu.memory_space<hbm>> -> memref<125x80xi32, #tpu.memory_space<hbm>>
      %dma_start3A_35 = arith.constant 0 : i32
      %dma_start3A_36 = arith.constant 0 : i32
      %dma_start3A_37 = tpu.memref_slice %arg4[%add3A, %dma_start3A_35, %dma_start3A_36] : memref<32x125x80xi32, #tpu.memory_space<hbm>> -> memref<1x125x80xi32, #tpu.memory_space<hbm>>
      %dma_start3A_38 = tpu.memref_squeeze %dma_start3A_37 : memref<1x125x80xi32, #tpu.memory_space<hbm>> -> memref<125x80xi32, #tpu.memory_space<hbm>>
      tpu.enqueue_dma source(%dma_start3A_38 : memref<125x80xi32, #tpu.memory_space<hbm>>) target(%arg8 : memref<125x80xi32, #tpu.memory_space<vmem>>) target_semaphore(%run_scoped3A_30 : memref<!tpu.dma_semaphore, #tpu.memory_space<semaphore_mem>>)
      %dma_wait3A_39 = arith.constant 0 : i32
      %dma_wait3A_40 = arith.constant 0 : i32
      %dma_wait3A_41 = tpu.memref_slice %arg4[%add3A, %dma_wait3A_39, %dma_wait3A_40] : memref<32x125x80xi32, #tpu.memory_space<hbm>> -> memref<1x125x80xi32, #tpu.memory_space<hbm>>
      %dma_wait3A_42 = tpu.memref_squeeze %dma_wait3A_41 : memref<1x125x80xi32, #tpu.memory_space<hbm>> -> memref<125x80xi32, #tpu.memory_space<hbm>>
      %dma_wait3A_43 = arith.constant 0 : i32
      %dma_wait3A_44 = arith.constant 0 : i32
      %dma_wait3A_45 = tpu.memref_slice %arg4[%add3A, %dma_wait3A_43, %dma_wait3A_44] : memref<32x125x80xi32, #tpu.memory_space<hbm>> -> memref<1x125x80xi32, #tpu.memory_space<hbm>>
      %dma_wait3A_46 = tpu.memref_squeeze %dma_wait3A_45 : memref<1x125x80xi32, #tpu.memory_space<hbm>> -> memref<125x80xi32, #tpu.memory_space<hbm>>
      tpu.wait_dma2 semaphore(%run_scoped3A_30 : memref<!tpu.dma_semaphore, #tpu.memory_space<semaphore_mem>>) src(%dma_wait3A_46 : memref<125x80xi32, #tpu.memory_space<hbm>>) dst(%arg8 : memref<125x80xi32, #tpu.memory_space<vmem>>)
      tpu.yield
    }) : () -> ()
    %barrier3A = arith.constant 0 : index
    tpu.barrier barrier_id(%barrier3A)
    %dma_start3A = arith.constant 0 : i32
    %dma_start3A_3 = arith.constant 0 : i32
    %dma_start3A_4 = arith.constant 0 : i32
    %dma_start3A_5 = tpu.memref_slice %arg9[%dma_start3A, %dma_start3A_3, %dma_start3A_4] : memref<2x80x128xf32, #tpu.memory_space<vmem>> -> memref<1x80x128xf32, #tpu.memory_space<vmem>>
    %dma_start3A_6 = tpu.memref_squeeze %dma_start3A_5 : memref<1x80x128xf32, #tpu.memory_space<vmem>> -> memref<80x128xf32, #tpu.memory_space<vmem>>
    %dma_start3A_7 = arith.constant 0 : i32
    %dma_start3A_8 = tpu.memref_slice %arg7[%dma_start3A_7] : memref<10000xi32, #tpu.memory_space<vmem>> -> memref<80xi32, #tpu.memory_space<vmem>>
    %dma_start3A_9 = arith.constant 0 : i32
    %dma_start3A_10 = arith.constant 0 : i32
    %dma_start3A_11 = tpu.memref_slice %arg2[%dma_start3A_9, %dma_start3A_10] : memref<10000x128xf32, #tpu.memory_space<hbm>> -> memref<10000x128xf32, #tpu.memory_space<hbm>>
    tpu.enqueue_indirect_dma source(%dma_start3A_11 : memref<10000x128xf32, #tpu.memory_space<hbm>>) target(%dma_start3A_6 : memref<80x128xf32, #tpu.memory_space<vmem>>) offsets(%dma_start3A_8 : memref<80xi32, #tpu.memory_space<vmem>>) semaphore(%arg11 : memref<!tpu.dma_semaphore, #tpu.memory_space<semaphore_mem>>)
    %dma_wait3A = arith.constant 0 : i32
    %dma_wait3A_12 = arith.constant 0 : i32
    %dma_wait3A_13 = arith.constant 0 : i32
    %dma_wait3A_14 = tpu.memref_slice %arg9[%dma_wait3A, %dma_wait3A_12, %dma_wait3A_13] : memref<2x80x128xf32, #tpu.memory_space<vmem>> -> memref<1x80x128xf32, #tpu.memory_space<vmem>>
    %dma_wait3A_15 = tpu.memref_squeeze %dma_wait3A_14 : memref<1x80x128xf32, #tpu.memory_space<vmem>> -> memref<80x128xf32, #tpu.memory_space<vmem>>
    %dma_wait3A_16 = arith.constant 0 : i32
    %dma_wait3A_17 = tpu.memref_slice %arg7[%dma_wait3A_16] : memref<10000xi32, #tpu.memory_space<vmem>> -> memref<80xi32, #tpu.memory_space<vmem>>
    %dma_wait3A_18 = arith.constant 0 : i32
    %dma_wait3A_19 = arith.constant 0 : i32
    %dma_wait3A_20 = tpu.memref_slice %arg2[%dma_wait3A_18, %dma_wait3A_19] : memref<10000x128xf32, #tpu.memory_space<hbm>> -> memref<10000x128xf32, #tpu.memory_space<hbm>>
    tpu.wait_indirect_dma semaphore(%arg11 : memref<!tpu.dma_semaphore, #tpu.memory_space<semaphore_mem>>) src(%dma_wait3A_20 : memref<10000x128xf32, #tpu.memory_space<hbm>>) dst(%dma_wait3A_15 : memref<80x128xf32, #tpu.memory_space<vmem>>)
    %scan3A = arith.constant 0 : i32
    %scan3A_21 = arith.constant 0 : i32
    %scan3A_22 = arith.constant 0 : i32
    %scan3A_23 = arith.constant 62 : i32
    %scan3A_24 = arith.addi %scan3A_22, %scan3A_23 : i32
    %scan3A_25 = arith.constant 1 : i32
    %scan3A_26:2 = scf.for %scan3A_30 = %scan3A_22 to %scan3A_24 step %scan3A_25 iter_args(%scan3A_31 = %scan3A, %scan3A_32 = %scan3A_21) -> (i32, i32)  : i32 {
      %add3A_33 = arith.constant 80 : i32
      %add3A_34 = arith.addi %scan3A_32, %add3A_33 : i32
      %multiple_of3A = tpu.assume_multiple %add3A_34, 8 : i32
      %dma_start3A_35 = arith.constant 1 : i32
      %dma_start3A_36 = arith.constant 0 : i32
      %dma_start3A_37 = arith.constant 0 : i32
      %dma_start3A_38 = tpu.memref_slice %arg9[%dma_start3A_35, %dma_start3A_36, %dma_start3A_37] : memref<2x80x128xf32, #tpu.memory_space<vmem>> -> memref<1x80x128xf32, #tpu.memory_space<vmem>>
      %dma_start3A_39 = tpu.memref_squeeze %dma_start3A_38 : memref<1x80x128xf32, #tpu.memory_space<vmem>> -> memref<80x128xf32, #tpu.memory_space<vmem>>
      %dma_start3A_40 = tpu.memref_slice %arg7[%multiple_of3A] : memref<10000xi32, #tpu.memory_space<vmem>> -> memref<80xi32, #tpu.memory_space<vmem>>
      %dma_start3A_41 = arith.constant 0 : i32
      %dma_start3A_42 = arith.constant 0 : i32
      %dma_start3A_43 = tpu.memref_slice %arg2[%dma_start3A_41, %dma_start3A_42] : memref<10000x128xf32, #tpu.memory_space<hbm>> -> memref<10000x128xf32, #tpu.memory_space<hbm>>
      tpu.enqueue_indirect_dma source(%dma_start3A_43 : memref<10000x128xf32, #tpu.memory_space<hbm>>) target(%dma_start3A_39 : memref<80x128xf32, #tpu.memory_space<vmem>>) offsets(%dma_start3A_40 : memref<80xi32, #tpu.memory_space<vmem>>) semaphore(%arg12 : memref<!tpu.dma_semaphore, #tpu.memory_space<semaphore_mem>>)
      %run_scoped3A_44 = arith.constant 0 : i32
      "tpu.region"() ({
        %run_scoped3A_82 = tpu.sem_alloc : memref<!tpu.dma_semaphore, #tpu.memory_space<semaphore_mem>>
        %dma_start3A_83 = arith.constant 0 : i32
        %dma_start3A_84 = arith.constant 0 : i32
        %dma_start3A_85 = tpu.memref_slice %arg9[%run_scoped3A_44, %dma_start3A_83, %dma_start3A_84] : memref<2x80x128xf32, #tpu.memory_space<vmem>> -> memref<1x80x128xf32, #tpu.memory_space<vmem>>
        %dma_start3A_86 = tpu.memref_squeeze %dma_start3A_85 : memref<1x80x128xf32, #tpu.memory_space<vmem>> -> memref<80x128xf32, #tpu.memory_space<vmem>>
        %dma_start3A_87 = arith.constant 0 : i32
        %dma_start3A_88 = tpu.memref_slice %arg8[%scan3A_31, %dma_start3A_87] : memref<125x80xi32, #tpu.memory_space<vmem>> -> memref<1x80xi32, #tpu.memory_space<vmem>>
        %dma_start3A_89 = tpu.memref_squeeze %dma_start3A_88 : memref<1x80xi32, #tpu.memory_space<vmem>> -> memref<80xi32, #tpu.memory_space<vmem>>
        %dma_start3A_90 = arith.constant 0 : i32
        %dma_start3A_91 = arith.constant 0 : i32
        %dma_start3A_92 = tpu.memref_slice %arg10[%dma_start3A_90, %dma_start3A_91] : memref<10240x128xf32, #tpu.memory_space<vmem_shared>> -> memref<10240x128xf32, #tpu.memory_space<vmem_shared>>
        tpu.enqueue_indirect_dma source(%dma_start3A_86 : memref<80x128xf32, #tpu.memory_space<vmem>>) target(%dma_start3A_92 : memref<10240x128xf32, #tpu.memory_space<vmem_shared>>) offsets(%dma_start3A_89 : memref<80xi32, #tpu.memory_space<vmem>>) semaphore(%run_scoped3A_82 : memref<!tpu.dma_semaphore, #tpu.memory_space<semaphore_mem>>) {add = true}
        %dma_wait3A_93 = arith.constant 0 : i32
        %dma_wait3A_94 = arith.constant 0 : i32
        %dma_wait3A_95 = tpu.memref_slice %arg9[%run_scoped3A_44, %dma_wait3A_93, %dma_wait3A_94] : memref<2x80x128xf32, #tpu.memory_space<vmem>> -> memref<1x80x128xf32, #tpu.memory_space<vmem>>
        %dma_wait3A_96 = tpu.memref_squeeze %dma_wait3A_95 : memref<1x80x128xf32, #tpu.memory_space<vmem>> -> memref<80x128xf32, #tpu.memory_space<vmem>>
        %dma_wait3A_97 = arith.constant 0 : i32
        %dma_wait3A_98 = tpu.memref_slice %arg8[%scan3A_31, %dma_wait3A_97] : memref<125x80xi32, #tpu.memory_space<vmem>> -> memref<1x80xi32, #tpu.memory_space<vmem>>
        %dma_wait3A_99 = tpu.memref_squeeze %dma_wait3A_98 : memref<1x80xi32, #tpu.memory_space<vmem>> -> memref<80xi32, #tpu.memory_space<vmem>>
        %dma_wait3A_100 = arith.constant 0 : i32
        %dma_wait3A_101 = arith.constant 0 : i32
        %dma_wait3A_102 = tpu.memref_slice %arg10[%dma_wait3A_100, %dma_wait3A_101] : memref<10240x128xf32, #tpu.memory_space<vmem_shared>> -> memref<10240x128xf32, #tpu.memory_space<vmem_shared>>
        tpu.wait_indirect_dma semaphore(%run_scoped3A_82 : memref<!tpu.dma_semaphore, #tpu.memory_space<semaphore_mem>>) src(%dma_wait3A_96 : memref<80x128xf32, #tpu.memory_space<vmem>>) dst(%dma_wait3A_102 : memref<10240x128xf32, #tpu.memory_space<vmem_shared>>)
        tpu.yield
      }) : () -> ()
      %dma_wait3A_45 = arith.constant 1 : i32
      %dma_wait3A_46 = arith.constant 0 : i32
      %dma_wait3A_47 = arith.constant 0 : i32
      %dma_wait3A_48 = tpu.memref_slice %arg9[%dma_wait3A_45, %dma_wait3A_46, %dma_wait3A_47] : memref<2x80x128xf32, #tpu.memory_space<vmem>> -> memref<1x80x128xf32, #tpu.memory_space<vmem>>
      %dma_wait3A_49 = tpu.memref_squeeze %dma_wait3A_48 : memref<1x80x128xf32, #tpu.memory_space<vmem>> -> memref<80x128xf32, #tpu.memory_space<vmem>>
      %dma_wait3A_50 = tpu.memref_slice %arg7[%multiple_of3A] : memref<10000xi32, #tpu.memory_space<vmem>> -> memref<80xi32, #tpu.memory_space<vmem>>
      %dma_wait3A_51 = arith.constant 0 : i32
      %dma_wait3A_52 = arith.constant 0 : i32
      %dma_wait3A_53 = tpu.memref_slice %arg2[%dma_wait3A_51, %dma_wait3A_52] : memref<10000x128xf32, #tpu.memory_space<hbm>> -> memref<10000x128xf32, #tpu.memory_space<hbm>>
      tpu.wait_indirect_dma semaphore(%arg12 : memref<!tpu.dma_semaphore, #tpu.memory_space<semaphore_mem>>) src(%dma_wait3A_53 : memref<10000x128xf32, #tpu.memory_space<hbm>>) dst(%dma_wait3A_49 : memref<80x128xf32, #tpu.memory_space<vmem>>)
      %add3A_54 = arith.constant 160 : i32
      %add3A_55 = arith.addi %scan3A_32, %add3A_54 : i32
      %multiple_of3A_56 = tpu.assume_multiple %add3A_55, 8 : i32
      %dma_start3A_57 = arith.constant 0 : i32
      %dma_start3A_58 = arith.constant 0 : i32
      %dma_start3A_59 = arith.constant 0 : i32
      %dma_start3A_60 = tpu.memref_slice %arg9[%dma_start3A_57, %dma_start3A_58, %dma_start3A_59] : memref<2x80x128xf32, #tpu.memory_space<vmem>> -> memref<1x80x128xf32, #tpu.memory_space<vmem>>
      %dma_start3A_61 = tpu.memref_squeeze %dma_start3A_60 : memref<1x80x128xf32, #tpu.memory_space<vmem>> -> memref<80x128xf32, #tpu.memory_space<vmem>>
      %dma_start3A_62 = tpu.memref_slice %arg7[%multiple_of3A_56] : memref<10000xi32, #tpu.memory_space<vmem>> -> memref<80xi32, #tpu.memory_space<vmem>>
      %dma_start3A_63 = arith.constant 0 : i32
      %dma_start3A_64 = arith.constant 0 : i32
      %dma_start3A_65 = tpu.memref_slice %arg2[%dma_start3A_63, %dma_start3A_64] : memref<10000x128xf32, #tpu.memory_space<hbm>> -> memref<10000x128xf32, #tpu.memory_space<hbm>>
      tpu.enqueue_indirect_dma source(%dma_start3A_65 : memref<10000x128xf32, #tpu.memory_space<hbm>>) target(%dma_start3A_61 : memref<80x128xf32, #tpu.memory_space<vmem>>) offsets(%dma_start3A_62 : memref<80xi32, #tpu.memory_space<vmem>>) semaphore(%arg11 : memref<!tpu.dma_semaphore, #tpu.memory_space<semaphore_mem>>)
      %add3A_66 = arith.constant 1 : i32
      %add3A_67 = arith.addi %scan3A_31, %add3A_66 : i32
      %run_scoped3A_68 = arith.constant 1 : i32
      "tpu.region"() ({
        %run_scoped3A_82 = tpu.sem_alloc : memref<!tpu.dma_semaphore, #tpu.memory_space<semaphore_mem>>
        %dma_start3A_83 = arith.constant 0 : i32
        %dma_start3A_84 = arith.constant 0 : i32
        %dma_start3A_85 = tpu.memref_slice %arg9[%run_scoped3A_68, %dma_start3A_83, %dma_start3A_84] : memref<2x80x128xf32, #tpu.memory_space<vmem>> -> memref<1x80x128xf32, #tpu.memory_space<vmem>>
        %dma_start3A_86 = tpu.memref_squeeze %dma_start3A_85 : memref<1x80x128xf32, #tpu.memory_space<vmem>> -> memref<80x128xf32, #tpu.memory_space<vmem>>
        %dma_start3A_87 = arith.constant 0 : i32
        %dma_start3A_88 = tpu.memref_slice %arg8[%add3A_67, %dma_start3A_87] : memref<125x80xi32, #tpu.memory_space<vmem>> -> memref<1x80xi32, #tpu.memory_space<vmem>>
        %dma_start3A_89 = tpu.memref_squeeze %dma_start3A_88 : memref<1x80xi32, #tpu.memory_space<vmem>> -> memref<80xi32, #tpu.memory_space<vmem>>
        %dma_start3A_90 = arith.constant 0 : i32
        %dma_start3A_91 = arith.constant 0 : i32
        %dma_start3A_92 = tpu.memref_slice %arg10[%dma_start3A_90, %dma_start3A_91] : memref<10240x128xf32, #tpu.memory_space<vmem_shared>> -> memref<10240x128xf32, #tpu.memory_space<vmem_shared>>
        tpu.enqueue_indirect_dma source(%dma_start3A_86 : memref<80x128xf32, #tpu.memory_space<vmem>>) target(%dma_start3A_92 : memref<10240x128xf32, #tpu.memory_space<vmem_shared>>) offsets(%dma_start3A_89 : memref<80xi32, #tpu.memory_space<vmem>>) semaphore(%run_scoped3A_82 : memref<!tpu.dma_semaphore, #tpu.memory_space<semaphore_mem>>) {add = true}
        %dma_wait3A_93 = arith.constant 0 : i32
        %dma_wait3A_94 = arith.constant 0 : i32
        %dma_wait3A_95 = tpu.memref_slice %arg9[%run_scoped3A_68, %dma_wait3A_93, %dma_wait3A_94] : memref<2x80x128xf32, #tpu.memory_space<vmem>> -> memref<1x80x128xf32, #tpu.memory_space<vmem>>
        %dma_wait3A_96 = tpu.memref_squeeze %dma_wait3A_95 : memref<1x80x128xf32, #tpu.memory_space<vmem>> -> memref<80x128xf32, #tpu.memory_space<vmem>>
        %dma_wait3A_97 = arith.constant 0 : i32
        %dma_wait3A_98 = tpu.memref_slice %arg8[%add3A_67, %dma_wait3A_97] : memref<125x80xi32, #tpu.memory_space<vmem>> -> memref<1x80xi32, #tpu.memory_space<vmem>>
        %dma_wait3A_99 = tpu.memref_squeeze %dma_wait3A_98 : memref<1x80xi32, #tpu.memory_space<vmem>> -> memref<80xi32, #tpu.memory_space<vmem>>
        %dma_wait3A_100 = arith.constant 0 : i32
        %dma_wait3A_101 = arith.constant 0 : i32
        %dma_wait3A_102 = tpu.memref_slice %arg10[%dma_wait3A_100, %dma_wait3A_101] : memref<10240x128xf32, #tpu.memory_space<vmem_shared>> -> memref<10240x128xf32, #tpu.memory_space<vmem_shared>>
        tpu.wait_indirect_dma semaphore(%run_scoped3A_82 : memref<!tpu.dma_semaphore, #tpu.memory_space<semaphore_mem>>) src(%dma_wait3A_96 : memref<80x128xf32, #tpu.memory_space<vmem>>) dst(%dma_wait3A_102 : memref<10240x128xf32, #tpu.memory_space<vmem_shared>>)
        tpu.yield
      }) : () -> ()
      %dma_wait3A_69 = arith.constant 0 : i32
      %dma_wait3A_70 = arith.constant 0 : i32
      %dma_wait3A_71 = arith.constant 0 : i32
      %dma_wait3A_72 = tpu.memref_slice %arg9[%dma_wait3A_69, %dma_wait3A_70, %dma_wait3A_71] : memref<2x80x128xf32, #tpu.memory_space<vmem>> -> memref<1x80x128xf32, #tpu.memory_space<vmem>>
      %dma_wait3A_73 = tpu.memref_squeeze %dma_wait3A_72 : memref<1x80x128xf32, #tpu.memory_space<vmem>> -> memref<80x128xf32, #tpu.memory_space<vmem>>
      %dma_wait3A_74 = tpu.memref_slice %arg7[%multiple_of3A_56] : memref<10000xi32, #tpu.memory_space<vmem>> -> memref<80xi32, #tpu.memory_space<vmem>>
      %dma_wait3A_75 = arith.constant 0 : i32
      %dma_wait3A_76 = arith.constant 0 : i32
      %dma_wait3A_77 = tpu.memref_slice %arg2[%dma_wait3A_75, %dma_wait3A_76] : memref<10000x128xf32, #tpu.memory_space<hbm>> -> memref<10000x128xf32, #tpu.memory_space<hbm>>
      tpu.wait_indirect_dma semaphore(%arg11 : memref<!tpu.dma_semaphore, #tpu.memory_space<semaphore_mem>>) src(%dma_wait3A_77 : memref<10000x128xf32, #tpu.memory_space<hbm>>) dst(%dma_wait3A_73 : memref<80x128xf32, #tpu.memory_space<vmem>>)
      %add3A_78 = arith.constant 2 : i32
      %add3A_79 = arith.addi %scan3A_31, %add3A_78 : i32
      %add3A_80 = arith.constant 160 : i32
      %add3A_81 = arith.addi %scan3A_32, %add3A_80 : i32
      scf.yield %add3A_79, %add3A_81 : i32, i32
    }
    %scan3A_27 = arith.constant 62 : i32
    %run_scoped3A = arith.constant 0 : i32
    %run_scoped3A_28 = arith.constant 124 : i32
    "tpu.region"() ({
      %run_scoped3A_30 = tpu.sem_alloc : memref<!tpu.dma_semaphore, #tpu.memory_space<semaphore_mem>>
      %dma_start3A_31 = arith.constant 0 : i32
      %dma_start3A_32 = arith.constant 0 : i32
      %dma_start3A_33 = tpu.memref_slice %arg9[%run_scoped3A, %dma_start3A_31, %dma_start3A_32] : memref<2x80x128xf32, #tpu.memory_space<vmem>> -> memref<1x80x128xf32, #tpu.memory_space<vmem>>
      %dma_start3A_34 = tpu.memref_squeeze %dma_start3A_33 : memref<1x80x128xf32, #tpu.memory_space<vmem>> -> memref<80x128xf32, #tpu.memory_space<vmem>>
      %dma_start3A_35 = arith.constant 0 : i32
      %dma_start3A_36 = tpu.memref_slice %arg8[%run_scoped3A_28, %dma_start3A_35] : memref<125x80xi32, #tpu.memory_space<vmem>> -> memref<1x80xi32, #tpu.memory_space<vmem>>
      %dma_start3A_37 = tpu.memref_squeeze %dma_start3A_36 : memref<1x80xi32, #tpu.memory_space<vmem>> -> memref<80xi32, #tpu.memory_space<vmem>>
      %dma_start3A_38 = arith.constant 0 : i32
      %dma_start3A_39 = arith.constant 0 : i32
      %dma_start3A_40 = tpu.memref_slice %arg10[%dma_start3A_38, %dma_start3A_39] : memref<10240x128xf32, #tpu.memory_space<vmem_shared>> -> memref<10240x128xf32, #tpu.memory_space<vmem_shared>>
      tpu.enqueue_indirect_dma source(%dma_start3A_34 : memref<80x128xf32, #tpu.memory_space<vmem>>) target(%dma_start3A_40 : memref<10240x128xf32, #tpu.memory_space<vmem_shared>>) offsets(%dma_start3A_37 : memref<80xi32, #tpu.memory_space<vmem>>) semaphore(%run_scoped3A_30 : memref<!tpu.dma_semaphore, #tpu.memory_space<semaphore_mem>>) {add = true}
      %dma_wait3A_41 = arith.constant 0 : i32
      %dma_wait3A_42 = arith.constant 0 : i32
      %dma_wait3A_43 = tpu.memref_slice %arg9[%run_scoped3A, %dma_wait3A_41, %dma_wait3A_42] : memref<2x80x128xf32, #tpu.memory_space<vmem>> -> memref<1x80x128xf32, #tpu.memory_space<vmem>>
      %dma_wait3A_44 = tpu.memref_squeeze %dma_wait3A_43 : memref<1x80x128xf32, #tpu.memory_space<vmem>> -> memref<80x128xf32, #tpu.memory_space<vmem>>
      %dma_wait3A_45 = arith.constant 0 : i32
      %dma_wait3A_46 = tpu.memref_slice %arg8[%run_scoped3A_28, %dma_wait3A_45] : memref<125x80xi32, #tpu.memory_space<vmem>> -> memref<1x80xi32, #tpu.memory_space<vmem>>
      %dma_wait3A_47 = tpu.memref_squeeze %dma_wait3A_46 : memref<1x80xi32, #tpu.memory_space<vmem>> -> memref<80xi32, #tpu.memory_space<vmem>>
      %dma_wait3A_48 = arith.constant 0 : i32
      %dma_wait3A_49 = arith.constant 0 : i32
      %dma_wait3A_50 = tpu.memref_slice %arg10[%dma_wait3A_48, %dma_wait3A_49] : memref<10240x128xf32, #tpu.memory_space<vmem_shared>> -> memref<10240x128xf32, #tpu.memory_space<vmem_shared>>
      tpu.wait_indirect_dma semaphore(%run_scoped3A_30 : memref<!tpu.dma_semaphore, #tpu.memory_space<semaphore_mem>>) src(%dma_wait3A_44 : memref<80x128xf32, #tpu.memory_space<vmem>>) dst(%dma_wait3A_50 : memref<10240x128xf32, #tpu.memory_space<vmem_shared>>)
      tpu.yield
    }) : () -> ()
    %barrier3A_29 = arith.constant 0 : index
    tpu.barrier barrier_id(%barrier3A_29)
    "tpu.region"() ({
      %run_scoped3A_30 = tpu.sem_alloc : memref<!tpu.dma_semaphore, #tpu.memory_space<semaphore_mem>>
      %dma_start3A_31 = arith.constant 0 : i32
      %dma_start3A_32 = tpu.memref_slice %arg6[%arg0, %mul3A_2, %dma_start3A_31] : memref<2x10240x128xf32, #tpu.memory_space<hbm>> -> memref<1x640x128xf32, #tpu.memory_space<hbm>>
      %dma_start3A_33 = tpu.memref_squeeze %dma_start3A_32 : memref<1x640x128xf32, #tpu.memory_space<hbm>> -> memref<640x128xf32, #tpu.memory_space<hbm>>
      %dma_start3A_34 = arith.constant 0 : i32
      %dma_start3A_35 = tpu.memref_slice %arg10[%mul3A_2, %dma_start3A_34] : memref<10240x128xf32, #tpu.memory_space<vmem_shared>> -> memref<640x128xf32, #tpu.memory_space<vmem_shared>>
      tpu.enqueue_dma source(%dma_start3A_35 : memref<640x128xf32, #tpu.memory_space<vmem_shared>>) target(%dma_start3A_33 : memref<640x128xf32, #tpu.memory_space<hbm>>) target_semaphore(%run_scoped3A_30 : memref<!tpu.dma_semaphore, #tpu.memory_space<semaphore_mem>>)
      %dma_wait3A_36 = arith.constant 0 : i32
      %dma_wait3A_37 = tpu.memref_slice %arg6[%arg0, %mul3A_2, %dma_wait3A_36] : memref<2x10240x128xf32, #tpu.memory_space<hbm>> -> memref<1x640x128xf32, #tpu.memory_space<hbm>>
      %dma_wait3A_38 = tpu.memref_squeeze %dma_wait3A_37 : memref<1x640x128xf32, #tpu.memory_space<hbm>> -> memref<640x128xf32, #tpu.memory_space<hbm>>
      %dma_wait3A_39 = arith.constant 0 : i32
      %dma_wait3A_40 = tpu.memref_slice %arg10[%mul3A_2, %dma_wait3A_39] : memref<10240x128xf32, #tpu.memory_space<vmem_shared>> -> memref<640x128xf32, #tpu.memory_space<vmem_shared>>
      tpu.wait_dma2 semaphore(%run_scoped3A_30 : memref<!tpu.dma_semaphore, #tpu.memory_space<semaphore_mem>>) src(%dma_wait3A_40 : memref<640x128xf32, #tpu.memory_space<vmem_shared>>) dst(%dma_wait3A_38 : memref<640x128xf32, #tpu.memory_space<hbm>>)
      tpu.yield
    }) : () -> ()
    return
  }
}

module attributes {stable_mosaic.version = 14 : i64} {
  func.func @_norm_prep_body(%arg0: i32, %arg1: memref<2x1000x128xf32, #tpu.memory_space<vmem>>, %arg2: memref<2x1000x128xf32, #tpu.memory_space<vmem>>, %arg3: memref<1000x128xf32, #tpu.memory_space<vmem>>, %arg4: memref<1000x1xf32, #tpu.memory_space<vmem>>, %arg5: memref<1000x1xf32, #tpu.memory_space<vmem>>, %arg6: memref<1000x128xf32, #tpu.memory_space<vmem>>) attributes {dimension_semantics = [#tpu.dimension_semantics<arbitrary>], iteration_bounds = array<i64: 10>, scalar_prefetch = 0 : i64, scratch_operands = 0 : i64, tpu.core_type = #tpu.core_type<tc>, window_params = [{transform_indices = @transform_0, window_bounds = array<i64: 2, 1000, 128>}, {transform_indices = @transform_1, window_bounds = array<i64: 2, 1000, 128>}, {transform_indices = @transform_2, window_bounds = array<i64: 1000, 128>}, {transform_indices = @transform_3, window_bounds = array<i64: 1000, 1>}, {transform_indices = @transform_4, window_bounds = array<i64: 1000, 1>}, {transform_indices = @transform_5, window_bounds = array<i64: 1000, 128>}]} {
    %get3A = arith.constant 0 : index
    %get3A_0 = arith.constant 0 : index
    %get3A_1 = arith.constant 0 : index
    %get3A_2 = vector.load %arg1[%get3A, %get3A_0, %get3A_1] : memref<2x1000x128xf32, #tpu.memory_space<vmem>>, vector<1x1000x1xf32>
    %get3A_3 = vector.shape_cast %get3A_2 : vector<1x1000x1xf32> to vector<1000x1xf32>
    %get3A_4 = arith.constant 1 : index
    %get3A_5 = arith.constant 0 : index
    %get3A_6 = arith.constant 0 : index
    %get3A_7 = vector.load %arg1[%get3A_4, %get3A_5, %get3A_6] : memref<2x1000x128xf32, #tpu.memory_space<vmem>>, vector<1x1000x1xf32>
    %get3A_8 = vector.shape_cast %get3A_7 : vector<1x1000x1xf32> to vector<1000x1xf32>
    %add3A = arith.addf %get3A_3, %get3A_8 : vector<1000x1xf32>
    %get3A_9 = arith.constant 0 : index
    %get3A_10 = arith.constant 0 : index
    %get3A_11 = arith.constant 0 : index
    %get3A_12 = vector.load %arg2[%get3A_9, %get3A_10, %get3A_11] : memref<2x1000x128xf32, #tpu.memory_space<vmem>>, vector<1x1000x1xf32>
    %get3A_13 = vector.shape_cast %get3A_12 : vector<1x1000x1xf32> to vector<1000x1xf32>
    %get3A_14 = arith.constant 1 : index
    %get3A_15 = arith.constant 0 : index
    %get3A_16 = arith.constant 0 : index
    %get3A_17 = vector.load %arg2[%get3A_14, %get3A_15, %get3A_16] : memref<2x1000x128xf32, #tpu.memory_space<vmem>>, vector<1x1000x1xf32>
    %get3A_18 = vector.shape_cast %get3A_17 : vector<1x1000x1xf32> to vector<1000x1xf32>
    %add3A_19 = arith.addf %get3A_13, %get3A_18 : vector<1000x1xf32>
    %max3A = arith.constant 1.000000e+00 : f32
    %max3A_20 = vector.broadcast %max3A : f32 to vector<1000x1xf32>
    %max3A_21 = arith.maximumf %add3A, %max3A_20 : vector<1000x1xf32>
    %rsqrt3A = math.rsqrt %max3A_21 : vector<1000x1xf32>
    %swap3A = arith.constant 0 : index
    %swap3A_22 = arith.constant 0 : index
    %swap3A_23 = vector.load %arg4[%swap3A, %swap3A_22] : memref<1000x1xf32, #tpu.memory_space<vmem>>, vector<1000x1xf32>
    tpu.vector_store %arg4[%swap3A, %swap3A_22], %rsqrt3A {strides = array<i32>} : memref<1000x1xf32, #tpu.memory_space<vmem>>, vector<1000x1xf32>,
    %max3A_24 = arith.constant 1.000000e+00 : f32
    %max3A_25 = vector.broadcast %max3A_24 : f32 to vector<1000x1xf32>
    %max3A_26 = arith.maximumf %add3A_19, %max3A_25 : vector<1000x1xf32>
    %rsqrt3A_27 = math.rsqrt %max3A_26 : vector<1000x1xf32>
    %swap3A_28 = arith.constant 0 : index
    %swap3A_29 = arith.constant 0 : index
    %swap3A_30 = vector.load %arg5[%swap3A_28, %swap3A_29] : memref<1000x1xf32, #tpu.memory_space<vmem>>, vector<1000x1xf32>
    tpu.vector_store %arg5[%swap3A_28, %swap3A_29], %rsqrt3A_27 {strides = array<i32>} : memref<1000x1xf32, #tpu.memory_space<vmem>>, vector<1000x1xf32>,
    %get3A_31 = arith.constant 0 : index
    %get3A_32 = arith.constant 0 : index
    %get3A_33 = vector.load %arg3[%get3A_31, %get3A_32] : memref<1000x128xf32, #tpu.memory_space<vmem>>, vector<1000x128xf32>
    %mul3A = vector.broadcast %rsqrt3A : vector<1000x1xf32> to vector<1000x128xf32>
    %mul3A_34 = arith.mulf %get3A_33, %mul3A : vector<1000x128xf32>
    %swap3A_35 = arith.constant 0 : index
    %swap3A_36 = arith.constant 0 : index
    %swap3A_37 = vector.load %arg6[%swap3A_35, %swap3A_36] : memref<1000x128xf32, #tpu.memory_space<vmem>>, vector<1000x128xf32>
    tpu.vector_store %arg6[%swap3A_35, %swap3A_36], %mul3A_34 {strides = array<i32>} : memref<1000x128xf32, #tpu.memory_space<vmem>>, vector<1000x128xf32>,
    return
  }
  func.func @transform_0(%arg0: i32) -> (i32, i32, i32) {
    %c0_i32 = arith.constant 0 : i32
    %c0_i32_0 = arith.constant 0 : i32
    %c0_i32_1 = arith.constant 0 : i32
    return %c0_i32, %arg0, %c0_i32_0 : i32, i32, i32
  }
  func.func @transform_1(%arg0: i32) -> (i32, i32, i32) {
    %c0_i32 = arith.constant 0 : i32
    %c0_i32_0 = arith.constant 0 : i32
    %c0_i32_1 = arith.constant 0 : i32
    return %c0_i32, %arg0, %c0_i32_0 : i32, i32, i32
  }
  func.func @transform_2(%arg0: i32) -> (i32, i32) {
    %c0_i32 = arith.constant 0 : i32
    %c0_i32_0 = arith.constant 0 : i32
    return %arg0, %c0_i32 : i32, i32
  }
  func.func @transform_3(%arg0: i32) -> (i32, i32) {
    %c0_i32 = arith.constant 0 : i32
    %c0_i32_0 = arith.constant 0 : i32
    return %arg0, %c0_i32 : i32, i32
  }
  func.func @transform_4(%arg0: i32) -> (i32, i32) {
    %c0_i32 = arith.constant 0 : i32
    %c0_i32_0 = arith.constant 0 : i32
    return %arg0, %c0_i32 : i32, i32
  }
  func.func @transform_5(%arg0: i32) -> (i32, i32) {
    %c0_i32 = arith.constant 0 : i32
    %c0_i32_0 = arith.constant 0 : i32
    return %arg0, %c0_i32 : i32, i32
  }
}

module attributes {stable_mosaic.version = 14 : i64} {
  func.func @_post_body(%arg0: i32, %arg1: memref<2x1000x128xf32, #tpu.memory_space<vmem>>, %arg2: memref<1000x1xf32, #tpu.memory_space<vmem>>, %arg3: memref<1000x1xf32, #tpu.memory_space<vmem>>, %arg4: memref<128x128xf32, #tpu.memory_space<vmem>>, %arg5: memref<1x128xf32, #tpu.memory_space<vmem>>, %arg6: memref<1000x128xf32, #tpu.memory_space<vmem>>, %arg7: memref<1000x128xf32, #tpu.memory_space<vmem>>, %arg8: memref<1000x128xf32, #tpu.memory_space<vmem>>) attributes {dimension_semantics = [#tpu.dimension_semantics<arbitrary>], iteration_bounds = array<i64: 10>, scalar_prefetch = 0 : i64, scratch_operands = 0 : i64, tpu.core_type = #tpu.core_type<tc>, window_params = [{transform_indices = @transform_0, window_bounds = array<i64: 2, 1000, 128>}, {transform_indices = @transform_1, window_bounds = array<i64: 1000, 1>}, {transform_indices = @transform_2, window_bounds = array<i64: 1000, 1>}, {pipeline_mode = #tpu.pipeline_mode<synchronous>, transform_indices = @transform_3, window_bounds = array<i64: 128, 128>}, {pipeline_mode = #tpu.pipeline_mode<synchronous>, transform_indices = @transform_4, window_bounds = array<i64: 1, 128>}, {transform_indices = @transform_5, window_bounds = array<i64: 1000, 128>}, {transform_indices = @transform_6, window_bounds = array<i64: 1000, 128>}, {transform_indices = @transform_7, window_bounds = array<i64: 1000, 128>}]} {
    %get3A = arith.constant 0 : index
    %get3A_0 = arith.constant 0 : index
    %get3A_1 = arith.constant 0 : index
    %get3A_2 = vector.load %arg1[%get3A, %get3A_0, %get3A_1] : memref<2x1000x128xf32, #tpu.memory_space<vmem>>, vector<1x1000x128xf32>
    %get3A_3 = vector.shape_cast %get3A_2 : vector<1x1000x128xf32> to vector<1000x128xf32>
    %get3A_4 = arith.constant 1 : index
    %get3A_5 = arith.constant 0 : index
    %get3A_6 = arith.constant 0 : index
    %get3A_7 = vector.load %arg1[%get3A_4, %get3A_5, %get3A_6] : memref<2x1000x128xf32, #tpu.memory_space<vmem>>, vector<1x1000x128xf32>
    %get3A_8 = vector.shape_cast %get3A_7 : vector<1x1000x128xf32> to vector<1000x128xf32>
    %add3A = arith.addf %get3A_3, %get3A_8 : vector<1000x128xf32>
    %get3A_9 = arith.constant 0 : index
    %get3A_10 = arith.constant 0 : index
    %get3A_11 = vector.load %arg2[%get3A_9, %get3A_10] : memref<1000x1xf32, #tpu.memory_space<vmem>>, vector<1000x1xf32>
    %mul3A = vector.broadcast %get3A_11 : vector<1000x1xf32> to vector<1000x128xf32>
    %mul3A_12 = arith.mulf %add3A, %mul3A : vector<1000x128xf32>
    %get3A_13 = arith.constant 0 : index
    %get3A_14 = arith.constant 0 : index
    %get3A_15 = vector.load %arg4[%get3A_13, %get3A_14] : memref<128x128xf32, #tpu.memory_space<vmem>>, vector<128x128xf32>
    %dot_general3A = arith.constant dense<0.000000e+00> : vector<1000x128xf32>
    %dot_general3A_16 = tpu.matmul %mul3A_12, %get3A_15, %dot_general3A {dimension_numbers = #tpu.dot_dimension_numbers<[1], [0], [0], [1], [0, 0, 1, 1], [], []>, transpose_lhs_hint = false} : vector<1000x128xf32>, vector<128x128xf32>, vector<1000x128xf32> -> vector<1000x128xf32>
    %get3A_17 = arith.constant 0 : index
    %get3A_18 = arith.constant 0 : index
    %get3A_19 = vector.load %arg5[%get3A_17, %get3A_18] : memref<1x128xf32, #tpu.memory_space<vmem>>, vector<1x128xf32>
    %add3A_20 = vector.broadcast %get3A_19 : vector<1x128xf32> to vector<1000x128xf32>
    %add3A_21 = arith.addf %dot_general3A_16, %add3A_20 : vector<1000x128xf32>
    %max3A = arith.constant 0.000000e+00 : f32
    %max3A_22 = vector.broadcast %max3A : f32 to vector<1000x128xf32>
    %max3A_23 = arith.maximumf %add3A_21, %max3A_22 : vector<1000x128xf32>
    %swap3A = arith.constant 0 : index
    %swap3A_24 = arith.constant 0 : index
    %swap3A_25 = vector.load %arg6[%swap3A, %swap3A_24] : memref<1000x128xf32, #tpu.memory_space<vmem>>, vector<1000x128xf32>
    tpu.vector_store %arg6[%swap3A, %swap3A_24], %add3A_21 {strides = array<i32>} : memref<1000x128xf32, #tpu.memory_space<vmem>>, vector<1000x128xf32>,
    %swap3A_26 = arith.constant 0 : index
    %swap3A_27 = arith.constant 0 : index
    %swap3A_28 = vector.load %arg7[%swap3A_26, %swap3A_27] : memref<1000x128xf32, #tpu.memory_space<vmem>>, vector<1000x128xf32>
    tpu.vector_store %arg7[%swap3A_26, %swap3A_27], %max3A_23 {strides = array<i32>} : memref<1000x128xf32, #tpu.memory_space<vmem>>, vector<1000x128xf32>,
    %get3A_29 = arith.constant 0 : index
    %get3A_30 = arith.constant 0 : index
    %get3A_31 = vector.load %arg3[%get3A_29, %get3A_30] : memref<1000x1xf32, #tpu.memory_space<vmem>>, vector<1000x1xf32>
    %mul3A_32 = vector.broadcast %get3A_31 : vector<1000x1xf32> to vector<1000x128xf32>
    %mul3A_33 = arith.mulf %max3A_23, %mul3A_32 : vector<1000x128xf32>
    %swap3A_34 = arith.constant 0 : index
    %swap3A_35 = arith.constant 0 : index
    %swap3A_36 = vector.load %arg8[%swap3A_34, %swap3A_35] : memref<1000x128xf32, #tpu.memory_space<vmem>>, vector<1000x128xf32>
    tpu.vector_store %arg8[%swap3A_34, %swap3A_35], %mul3A_33 {strides = array<i32>} : memref<1000x128xf32, #tpu.memory_space<vmem>>, vector<1000x128xf32>,
    return
  }
  func.func @transform_0(%arg0: i32) -> (i32, i32, i32) {
    %c0_i32 = arith.constant 0 : i32
    %c0_i32_0 = arith.constant 0 : i32
    %c0_i32_1 = arith.constant 0 : i32
    return %c0_i32, %arg0, %c0_i32_0 : i32, i32, i32
  }
  func.func @transform_1(%arg0: i32) -> (i32, i32) {
    %c0_i32 = arith.constant 0 : i32
    %c0_i32_0 = arith.constant 0 : i32
    return %arg0, %c0_i32 : i32, i32
  }
  func.func @transform_2(%arg0: i32) -> (i32, i32) {
    %c0_i32 = arith.constant 0 : i32
    %c0_i32_0 = arith.constant 0 : i32
    return %arg0, %c0_i32 : i32, i32
  }
  func.func @transform_3(%arg0: i32) -> (i32, i32) {
    %c0_i32 = arith.constant 0 : i32
    %c0_i32_0 = arith.constant 0 : i32
    %c0_i32_1 = arith.constant 0 : i32
    return %c0_i32, %c0_i32_0 : i32, i32
  }
  func.func @transform_4(%arg0: i32) -> (i32, i32) {
    %c0_i32 = arith.constant 0 : i32
    %c0_i32_0 = arith.constant 0 : i32
    %c0_i32_1 = arith.constant 0 : i32
    return %c0_i32, %c0_i32_0 : i32, i32
  }
  func.func @transform_5(%arg0: i32) -> (i32, i32) {
    %c0_i32 = arith.constant 0 : i32
    %c0_i32_0 = arith.constant 0 : i32
    return %arg0, %c0_i32 : i32, i32
  }
  func.func @transform_6(%arg0: i32) -> (i32, i32) {
    %c0_i32 = arith.constant 0 : i32
    %c0_i32_0 = arith.constant 0 : i32
    return %arg0, %c0_i32 : i32, i32
  }
  func.func @transform_7(%arg0: i32) -> (i32, i32) {
    %c0_i32 = arith.constant 0 : i32
    %c0_i32_0 = arith.constant 0 : i32
    return %arg0, %c0_i32 : i32, i32
  }
}

module attributes {stable_mosaic.version = 14 : i64} {
  func.func @_post_body(%arg0: i32, %arg1: memref<2x1000x128xf32, #tpu.memory_space<vmem>>, %arg2: memref<1000x1xf32, #tpu.memory_space<vmem>>, %arg3: memref<1000x1xf32, #tpu.memory_space<vmem>>, %arg4: memref<128x128xf32, #tpu.memory_space<vmem>>, %arg5: memref<1x128xf32, #tpu.memory_space<vmem>>, %arg6: memref<1000x128xf32, #tpu.memory_space<vmem>>, %arg7: memref<1000x128xf32, #tpu.memory_space<vmem>>, %arg8: memref<1000x128xf32, #tpu.memory_space<vmem>>) attributes {dimension_semantics = [#tpu.dimension_semantics<arbitrary>], iteration_bounds = array<i64: 10>, scalar_prefetch = 0 : i64, scratch_operands = 0 : i64, tpu.core_type = #tpu.core_type<tc>, window_params = [{transform_indices = @transform_0, window_bounds = array<i64: 2, 1000, 128>}, {transform_indices = @transform_1, window_bounds = array<i64: 1000, 1>}, {transform_indices = @transform_2, window_bounds = array<i64: 1000, 1>}, {pipeline_mode = #tpu.pipeline_mode<synchronous>, transform_indices = @transform_3, window_bounds = array<i64: 128, 128>}, {pipeline_mode = #tpu.pipeline_mode<synchronous>, transform_indices = @transform_4, window_bounds = array<i64: 1, 128>}, {transform_indices = @transform_5, window_bounds = array<i64: 1000, 128>}, {transform_indices = @transform_6, window_bounds = array<i64: 1000, 128>}, {transform_indices = @transform_7, window_bounds = array<i64: 1000, 128>}]} {
    %get3A = arith.constant 0 : index
    %get3A_0 = arith.constant 0 : index
    %get3A_1 = arith.constant 0 : index
    %get3A_2 = vector.load %arg1[%get3A, %get3A_0, %get3A_1] : memref<2x1000x128xf32, #tpu.memory_space<vmem>>, vector<1x1000x128xf32>
    %get3A_3 = vector.shape_cast %get3A_2 : vector<1x1000x128xf32> to vector<1000x128xf32>
    %get3A_4 = arith.constant 1 : index
    %get3A_5 = arith.constant 0 : index
    %get3A_6 = arith.constant 0 : index
    %get3A_7 = vector.load %arg1[%get3A_4, %get3A_5, %get3A_6] : memref<2x1000x128xf32, #tpu.memory_space<vmem>>, vector<1x1000x128xf32>
    %get3A_8 = vector.shape_cast %get3A_7 : vector<1x1000x128xf32> to vector<1000x128xf32>
    %add3A = arith.addf %get3A_3, %get3A_8 : vector<1000x128xf32>
    %get3A_9 = arith.constant 0 : index
    %get3A_10 = arith.constant 0 : index
    %get3A_11 = vector.load %arg2[%get3A_9, %get3A_10] : memref<1000x1xf32, #tpu.memory_space<vmem>>, vector<1000x1xf32>
    %mul3A = vector.broadcast %get3A_11 : vector<1000x1xf32> to vector<1000x128xf32>
    %mul3A_12 = arith.mulf %add3A, %mul3A : vector<1000x128xf32>
    %get3A_13 = arith.constant 0 : index
    %get3A_14 = arith.constant 0 : index
    %get3A_15 = vector.load %arg4[%get3A_13, %get3A_14] : memref<128x128xf32, #tpu.memory_space<vmem>>, vector<128x128xf32>
    %dot_general3A = arith.constant dense<0.000000e+00> : vector<1000x128xf32>
    %dot_general3A_16 = tpu.matmul %mul3A_12, %get3A_15, %dot_general3A {dimension_numbers = #tpu.dot_dimension_numbers<[1], [0], [0], [1], [0, 0, 1, 1], [], []>, transpose_lhs_hint = false} : vector<1000x128xf32>, vector<128x128xf32>, vector<1000x128xf32> -> vector<1000x128xf32>
    %get3A_17 = arith.constant 0 : index
    %get3A_18 = arith.constant 0 : index
    %get3A_19 = vector.load %arg5[%get3A_17, %get3A_18] : memref<1x128xf32, #tpu.memory_space<vmem>>, vector<1x128xf32>
    %add3A_20 = vector.broadcast %get3A_19 : vector<1x128xf32> to vector<1000x128xf32>
    %add3A_21 = arith.addf %dot_general3A_16, %add3A_20 : vector<1000x128xf32>
    %max3A = arith.constant 0.000000e+00 : f32
    %max3A_22 = vector.broadcast %max3A : f32 to vector<1000x128xf32>
    %max3A_23 = arith.maximumf %add3A_21, %max3A_22 : vector<1000x128xf32>
    %swap3A = arith.constant 0 : index
    %swap3A_24 = arith.constant 0 : index
    %swap3A_25 = vector.load %arg6[%swap3A, %swap3A_24] : memref<1000x128xf32, #tpu.memory_space<vmem>>, vector<1000x128xf32>
    tpu.vector_store %arg6[%swap3A, %swap3A_24], %add3A_21 {strides = array<i32>} : memref<1000x128xf32, #tpu.memory_space<vmem>>, vector<1000x128xf32>,
    %swap3A_26 = arith.constant 0 : index
    %swap3A_27 = arith.constant 0 : index
    %swap3A_28 = vector.load %arg7[%swap3A_26, %swap3A_27] : memref<1000x128xf32, #tpu.memory_space<vmem>>, vector<1000x128xf32>
    tpu.vector_store %arg7[%swap3A_26, %swap3A_27], %max3A_23 {strides = array<i32>} : memref<1000x128xf32, #tpu.memory_space<vmem>>, vector<1000x128xf32>,
    %get3A_29 = arith.constant 0 : index
    %get3A_30 = arith.constant 0 : index
    %get3A_31 = vector.load %arg3[%get3A_29, %get3A_30] : memref<1000x1xf32, #tpu.memory_space<vmem>>, vector<1000x1xf32>
    %mul3A_32 = vector.broadcast %get3A_31 : vector<1000x1xf32> to vector<1000x128xf32>
    %mul3A_33 = arith.mulf %max3A_23, %mul3A_32 : vector<1000x128xf32>
    %swap3A_34 = arith.constant 0 : index
    %swap3A_35 = arith.constant 0 : index
    %swap3A_36 = vector.load %arg8[%swap3A_34, %swap3A_35] : memref<1000x128xf32, #tpu.memory_space<vmem>>, vector<1000x128xf32>
    tpu.vector_store %arg8[%swap3A_34, %swap3A_35], %mul3A_33 {strides = array<i32>} : memref<1000x128xf32, #tpu.memory_space<vmem>>, vector<1000x128xf32>,
    return
  }
  func.func @transform_0(%arg0: i32) -> (i32, i32, i32) {
    %c0_i32 = arith.constant 0 : i32
    %c0_i32_0 = arith.constant 0 : i32
    %c0_i32_1 = arith.constant 0 : i32
    return %c0_i32, %arg0, %c0_i32_0 : i32, i32, i32
  }
  func.func @transform_1(%arg0: i32) -> (i32, i32) {
    %c0_i32 = arith.constant 0 : i32
    %c0_i32_0 = arith.constant 0 : i32
    return %arg0, %c0_i32 : i32, i32
  }
  func.func @transform_2(%arg0: i32) -> (i32, i32) {
    %c0_i32 = arith.constant 0 : i32
    %c0_i32_0 = arith.constant 0 : i32
    return %arg0, %c0_i32 : i32, i32
  }
  func.func @transform_3(%arg0: i32) -> (i32, i32) {
    %c0_i32 = arith.constant 0 : i32
    %c0_i32_0 = arith.constant 0 : i32
    %c0_i32_1 = arith.constant 0 : i32
    return %c0_i32, %c0_i32_0 : i32, i32
  }
  func.func @transform_4(%arg0: i32) -> (i32, i32) {
    %c0_i32 = arith.constant 0 : i32
    %c0_i32_0 = arith.constant 0 : i32
    %c0_i32_1 = arith.constant 0 : i32
    return %c0_i32, %c0_i32_0 : i32, i32
  }
  func.func @transform_5(%arg0: i32) -> (i32, i32) {
    %c0_i32 = arith.constant 0 : i32
    %c0_i32_0 = arith.constant 0 : i32
    return %arg0, %c0_i32 : i32, i32
  }
  func.func @transform_6(%arg0: i32) -> (i32, i32) {
    %c0_i32 = arith.constant 0 : i32
    %c0_i32_0 = arith.constant 0 : i32
    return %arg0, %c0_i32 : i32, i32
  }
  func.func @transform_7(%arg0: i32) -> (i32, i32) {
    %c0_i32 = arith.constant 0 : i32
    %c0_i32_0 = arith.constant 0 : i32
    return %arg0, %c0_i32 : i32, i32
  }
}

</mosaic_0001>

<sc_bundles>
// kernel: kernel.10.cloned.1.call-start
scs
__scs_entry_jumppad:
0x0: {  	(pc) =	sbr.rel $0x88, $3  }
0x1: {  	(tag) =	ssettag $0x0;
	lr =	simm.s32 $0x1  }
0x2: {  	[smem:$0x3F99] =	sst lr;
	_ =	strace $0xD0000000  }
0x3: {  	_ = 	snop  }
0x4: {  	_ = 	snop  }
0x5: {  	_ = 	snop  }
0x6: {  	_ = 	snop  }
0x7: {  	_ = 	snop  }
__scs_overlays_trampoline_lowered:
0x8: {  	[smem:$0x3FA8] =	sst s0  }
0x9: {  	[smem:$0x3FA9] =	sst s1  }
0xa: {  	[smem:$0x3FAA] =	sst s2  }
0xb: {  	[smem:$0x3FAB] =	sst s3  }
0xc: {  	[smem:$0x3FAC] =	sst s4  }
0xd: {  	[smem:$0x3FAD] =	sst s5  }
0xe: {  	[smem:$0x3FAE] =	sst s6  }
0xf: {  	[smem:$0x3FAF] =	sst s7  }
0x10: {  	[smem:$0x3FB0] =	sst s8  }
0x11: {  	[smem:$0x3FB1] =	sst s9;
	s0 =	simm.s32 @!p0 $0x0  }
0x12: {  	s1 =	sld [smem:$0x3F97];
	s0 =	simm.s32 @p0 $0x1  }
0x13: {  	[smem:$0x3FB2] =	sst s0;
	s0 =	simm.s32 @!p1 $0x0  }
0x14: {  	s2 =	sld [smem:$0x3F96];
	s0 =	simm.s32 @p1 $0x1  }
0x15: {  	[smem:$0x3FB3] =	sst s0;
	s0 =	simm.s32 @!p2 $0x0  }
0x16: {  	s3 =	sld [smem:$0x3FDB];
	s0 =	simm.s32 @p2 $0x1  }
0x17: {  	s4 =	simm.s32 $0x1BF5;
	[smem:$0x3FB5] =	sst s0  }
0x18: {  	s0 =	sld [smem:$0x3F98];
	_ =	swait.ge [sflag:s4], $0x0  }
0x19: {  	s7 =	sld [smem:$0x3F99]  }
0x1a: {  	s8 =	sadd.s32 $0xFFFFE003, lr  }
0x1b: {  	s9 =	sadd.s32 $0xFFFFFEF7, lr;
	s5 =	simm.s32 $0xFFFFFFFF;
	p2 =	slt.u32 s8, $0xFFFFF086  }
0x1c: {  	p1 =	slt.u32 s9, $0xF7A;
	s5 =	simm.s32 @!p2 $0x0  }
0x1d: {  	s5 =	simm.s32 @p1 $0x1;
	p0 =	seq.s32 s7, s2  }
0x1e: {  	s7 =	smul.u32 @!p0 $0xF7A, s2;
	p2 =	seq.s32 @!p0 s5, $0x0  }
0x1f: {  	s9 =	smul.u32 $0xF7A, s1;
	s8 =	simm.s32 @!p0 $0x1BF5;
	p2 =	por !p2, p0  }
0x20: {  	[sflag:s8] =	ssyncset.s32 @!p0 $0xFFFFF086;
	s6 =	sadd.s32 @!p0 s3, s7;
	s7 =	simm.s32 @!p0 $0x108  }
0x21: {  	s3 =	sadd.s32 s3, s9;
	s6 =	sadd.s32 @!p0 $0x88, s6;
	s7 =	simm.s32 @p2 $0x1082  }
0x22: {  	[simem:s7], [sflag:s8] =	dma.local @!p0 [hbm:s6], $0xF7A  }
0x23: {  	s9 =	sor.u32 $0xD0000000, s2;
	s6 =	simm.s32 $0x108;
	_ =	swait.ge @!p0 [sflag:s8], $0x0  }
0x24: {  	s3 =	sadd.s32 $0x88, s3;
	s6 =	simm.s32 @!p1 $0x1082;
	[sflag:s4] =	ssyncset.s32 $0xFFFFF086  }
0x25: {  	[simem:s6], [sflag:s4] =	dma.local [hbm:s3], $0xF7A  }
0x26: {  	[smem:$0x3F99] =	sst s1;
	(tag) =	ssettag s2;
	_ =	strace s9  }
0x27: {  	s1 =	sld [smem:$0x3FA9]  }
0x28: {  	s2 =	sld [smem:$0x3FAA]  }
0x29: {  	s4 =	sld [smem:$0x3FAC]  }
0x2a: {  	p0 =	seq.s32 s5, $0x0;
	s5 =	sld [smem:$0x3FAD]  }
0x2b: {  	s6 =	sld [smem:$0x3FAE]  }
0x2c: {  	s7 =	sld [smem:$0x3FAF]  }
0x2d: {  	s3 =	simm.s32 $0x108;
	s8 =	sld [smem:$0x3FB0]  }
0x2e: {  	s3 =	simm.s32 @!p0 $0x1082;
	s9 =	sld [smem:$0x3FB1]  }
0x2f: {  	lr =	sadd.s32 s0, s3;
	s0 =	sld [smem:$0x3FA8]  }
0x30: {  	s3 =	sld [smem:$0x3FAB]  }
0x31: {  	[smem:$0x3FB4] =	sst s10  }
0x32: {  	s10 =	sld [smem:$0x3FB2];
	_ =	sdelay $0x3  }
0x33: {  	p0 =	seq.s32 s10, $0x1;
	s10 =	sld [smem:$0x3FB4];
	_ =	sdelay $0x3  }
0x34: {  	[smem:$0x3FB4] =	sst s10  }
0x35: {  	s10 =	sld [smem:$0x3FB3];
	_ =	sdelay $0x3  }
0x36: {  	p1 =	seq.s32 s10, $0x1;
	s10 =	sld [smem:$0x3FB4];
	_ =	sdelay $0x3  }
0x37: {  	[smem:$0x3FB4] =	sst s10  }
0x38: {  	s10 =	sld [smem:$0x3FB5]  }
0x39: {  	_ = 	snop;
	(pc) =	sbr.ind lr, $3  }
0x3a: {  	_ = 	snop  }
0x3b: {  	_ = 	snop  }
0x3c: {  	p2 =	seq.s32 s10, $0x1;
	s10 =	sld [smem:$0x3FB4]  }
0x3d: {  	_ =	shalt  }
0x3e: {  	_ =	shalt  }
0x3f: {  	_ =	shalt  }
0x40: {  	_ =	shalt  }
0x41: {  	_ =	shalt  }
0x42: {  	_ =	shalt  }
0x43: {  	_ =	shalt  }
0x44: {  	_ =	shalt  }
0x45: {  	_ =	shalt  }
0x46: {  	_ =	shalt  }
0x47: {  	_ =	shalt  }
0x48: {  	_ =	shalt  }
0x49: {  	_ =	shalt  }
0x4a: {  	_ =	shalt  }
0x4b: {  	_ =	shalt  }
0x4c: {  	_ =	shalt  }
0x4d: {  	_ =	shalt  }
0x4e: {  	_ =	shalt  }
0x4f: {  	_ =	shalt  }
0x50: {  	_ =	shalt  }
0x51: {  	_ =	shalt  }
0x52: {  	_ =	shalt  }
0x53: {  	_ =	shalt  }
0x54: {  	_ =	shalt  }
0x55: {  	_ =	shalt  }
0x56: {  	_ =	shalt  }
0x57: {  	_ =	shalt  }
0x58: {  	_ =	shalt  }
0x59: {  	_ =	shalt  }
0x5a: {  	_ =	shalt  }
0x5b: {  	_ =	shalt  }
0x5c: {  	_ =	shalt  }
0x5d: {  	_ =	shalt  }
0x5e: {  	_ =	shalt  }
0x5f: {  	_ =	shalt  }
0x60: {  	_ =	shalt  }
0x61: {  	_ =	shalt  }
0x62: {  	_ =	shalt  }
0x63: {  	_ =	shalt  }
0x64: {  	_ =	shalt  }
0x65: {  	_ =	shalt  }
0x66: {  	_ =	shalt  }
0x67: {  	_ =	shalt  }
0x68: {  	_ =	shalt  }
0x69: {  	_ =	shalt  }
0x6a: {  	_ =	shalt  }
0x6b: {  	_ =	shalt  }
0x6c: {  	_ =	shalt  }
0x6d: {  	_ =	shalt  }
0x6e: {  	_ =	shalt  }
0x6f: {  	_ =	shalt  }
0x70: {  	_ =	shalt  }
0x71: {  	_ =	shalt  }
0x72: {  	_ =	shalt  }
0x73: {  	_ =	shalt  }
0x74: {  	_ =	shalt  }
0x75: {  	_ =	shalt  }
0x76: {  	_ =	shalt  }
0x77: {  	_ =	shalt  }
0x78: {  	_ =	shalt  }
0x79: {  	_ =	shalt  }
0x7a: {  	_ =	shalt  }
0x7b: {  	_ =	shalt  }
0x7c: {  	_ =	shalt  }
0x7d: {  	_ =	shalt  }
0x7e: {  	_ =	shalt  }
0x7f: {  	_ =	shalt  }
0x80: {  	_ =	shalt  }
0x81: {  	_ =	shalt  }
0x82: {  	_ =	shalt  }
0x83: {  	_ =	shalt  }
0x84: {  	_ =	shalt  }
0x85: {  	_ =	shalt  }
0x86: {  	_ =	shalt  }
0x87: {  	_ =	shalt  }
.Lfunc_end0:
.L_simem_size_0:
called_computation_lowered:
.L_overlay_start_0:
0x88: {  	s2 =	sld [smem:$0x3FD9]  }
0x89: {  	s3 =	sld [smem:$0x3FFE];
	_ =	sdelay $0x1  }
0x8a: {  	s1 =	srdreg.scid  }
0x8b: {  	s0 =	sand.u32 $0x1, s1  }
0x8c: {  	s14 =	sshll.u32 s0, $0xA;
	s2 =	sadd.s32 s3, s2  }
0x8d: {  	s2 =	sadd.s32 s2, s14  }
0x8e: {  	[smem:$0x3FC0] =	sst s2  }
0x8f: {  	_ = 	snop  }
0x90: {  	s2 =	sld [smem:$0x3FD0];
	_ =	sdelay $0x2  }
0x91: {  	s15 =	simm.s32 $0xA;
	s4 =	simm.s32 $0x10  }
0x92: {  	[smem:s4], [sflag:s15] =	dma.local [hbm:s2], $0x1  }
0x93: {  	_ =	swait.eq [sflag:s15], $0x1  }
0x94: {  	s5 =	sld [smem:$0x10];
	[sflag:s15] =	ssyncset.done $0x0  }
0x95: {  	s6 =	sld [smem:$0x14];
	[sflag:s15] =	ssyncadd.s32 $0xFFFFFFFF  }
0x96: {  	s2 =	sadd.s32 $0x1, s2;
	s7 =	sld [smem:$0x15]  }
0x97: {  	[smem:s4], [sflag:s15] =	dma.local [hbm:s2], $0x1  }
0x98: {  	_ =	swait.eq [sflag:s15], $0x1  }
0x99: {  	[sflag:s15] =	ssyncset.done $0x0  }
0x9a: {  	[sflag:s15] =	ssyncadd.s32 $0xFFFFFFFF  }
0x9b: {  	s16 =	sld [smem:$0x10];
	(tm) =	ssettm $0x1  }
0x9c: {  	s17 =	sld [smem:$0x3FFB];
	_ =	sdelay $0x3  }
0x9d: {  	_ =	strace s17  }
0x9e: {  	s3 =	sld [smem:$0x3FFC];
	_ =	sdelay $0x3  }
0x9f: {  	_ =	strace s3  }
0xa0: {  	s3 =	sld [smem:$0x3FFD];
	_ =	sdelay $0x3  }
0xa1: {  	_ =	strace s3  }
0xa2: {  	_ =	strace $0x8FFFFFFF  }
0xa3: {  	s18 =	sld [smem:$0x3FDB];
	_ =	sdelay $0x1  }
0xa4: {  	s19 =	simm.s32 $_scs_section_size  }
0xa5: {  	s8 =	simm.s32 $_size__tile_overlayer_lowered;
	s9 =	simm.s32 $_tile_overlayer_lowered  }
0xa6: {  	s22 =	simm.s32 $0x1BFF;
	s21 =	sshll.u32 s9, $0x1;
	s3 =	sadd.s32 s19, s18  }
0xa7: {  	s10 =	simm.s32 $0x0;
	s20 =	sshll.u32 s8, $0x1;
	s8 =	sadd.s32 s21, s3  }
0xa8: {  	[timem:s10], [sflag:s22] =	dma.local [hbm:s8], s20  }
0xa9: {  	_ =	swait.ge [sflag:s22], s20  }
0xaa: {  	s4 =	ssub.s32 $0x0, s20;
	[sflag:s22] =	ssyncset.done $0x0  }
0xab: {  	[sflag:s22] =	ssyncadd.s32 s4;
	_ =	sdelay $0x1  }
0xac: {  	s23 =	simm.s32 $0x1B8B  }
0xad: {  	_ =	swait.ge [sflag:s23], $0x1  }
0xae: {  	[sflag:s23] =	ssyncset.done $0x0  }
0xaf: {  	s25 =	simm.s32 $0x1B8E;
	s24 =	sld [smem:$0x3FFE];
	[sflag:s23] =	ssyncadd.s32 $0xFFFFFFFF  }
0xb0: {  	s26 =	simm.s32 $execute0_lowered;
	[smem:$0x3FD2] =	sst s25  }
0xb1: {  	s8 =	sshll.u32 s26, $0x1;
	_ =	strace $0x80000046;
	[dreg:$0x1] =	wrdreg $0xFFFFFFFF  }
0xb2: {  	s28 =	simm.s32 $_size_execute0_lowered;
	s3 =	sadd.s32 s3, s8;
	[dreg:$0x0] =	wrdreg $0x0  }
0xb3: {  	s8 =	sshll.u32 s28, $0x1;
	[dreg:$0x2] =	wrdreg s3  }
0xb4: {  	[dreg:$0x3] =	wrdreg s8  }
0xb5: {  	[dreg:$0x4] =	wrdreg $0xC0  }
0xb6: {  	_ =	task [dreg:s10], $0x5FFFF  }
0xb7: {  	[dreg:$0x1] =	wrdreg $0xFFFFFFFF  }
0xb8: {  	[dreg:$0x0] =	wrdreg $0x60  }
0xb9: {  	[dreg:$0x2] =	wrdreg s16  }
0xba: {  	[dreg:$0x3] =	wrdreg s7  }
0xbb: {  	[dreg:$0x4] =	wrdreg s5  }
0xbc: {  	[dreg:$0x5] =	wrdreg s6  }
0xbd: {  	[dreg:$0x6] =	wrdreg s24  }
0xbe: {  	[dreg:$0x7] =	wrdreg $0x68000  }
0xbf: {  	[dreg:$0x8] =	wrdreg $0x9  }
0xc0: {  	_ =	task.clear_ibuf [dreg:s10], $0x9FFFF;
	_ =	strace $0x90000046  }
0xc1: {  	s29 =	simm.s32 $0x9;
	_ =	strace $0x80000048  }
0xc2: {  	_ =	swait.ge [sflag:s29], $0x1  }
0xc3: {  	[sflag:s29] =	ssyncadd.s32 $0xFFFFFFFF  }
0xc4: {  	_ =	strace $0x90000048  }
0xc5: {  	_ =	sfence  }
0xc6: {  	s30 =	sld [smem:$0x0];
	_ =	sdelay $0x2  }
0xc7: {  	s31 =	sshll.u32 s1, $0xD;
	s1 =	sshrl.u32 s1, $0x2  }
0xc8: {  	s3 =	sand.u32 $0x4000, s31;
	s1 =	sadd.s32 s1, s30  }
0xc9: {  	s0 =	sor.u32 s3, s0;
	s1 =	sshll.u32 s1, $0x11  }
0xca: {  	s0 =	sor.u32 s1, s0  }
0xcb: {  	s0 =	sadd.s32 $0x8F2B, s0  }
0xcc: {  	[sflag:s0] =	ssyncadd.remote.s32 $0x1  }
0xcd: {  	_ =	sfence.sel $0xFFFF  }
0xce: {  	[dreg:$0x0] =	wrdreg $0xFFFFFFFF;
	(pc) =	sbr.abs _section_cstart, $3  }
0xcf: {  	[dreg:$0x1] =	wrdreg $0xFFFFFFFF  }
0xd0: {  	_ =	task.clear_ibuf [dreg:s10], $0x2FFFF;
	_ =	strace $0x9FFFFFFF  }
0xd1: {  	(tm) =	ssettm $0x7FFFFFFF  }
tec
execute0_lowered:
.L_overlay_start_1:
0x0: {  	(tag) =	ssettag $0x1  }
0x1: {  	s6 =	rddreg [dreg:$0x0]  }
0x2: {  	s8 =	rddreg [dreg:$0x1]  }
0x3: {  	s0 =	rddreg [dreg:$0x2]  }
0x4: {  	s2 =	rddreg [dreg:$0x3]  }
0x5: {  	s7 =	rddreg [dreg:$0x4]  }
0x6: {  	s4 =	rddreg [dreg:$0x5]  }
0x7: {  	s1 =	srdreg.scid;
	s3 =	rddreg [dreg:$0x6]  }
0x8: {  	s5 =	simm.s32 $0x0;
	s15 =	simm.s32 $0x50;
	s16 =	simm.s32 $0x1  }
0x9: {  	s17 =	simm.s32 $0x2;
	s18 =	simm.s32 $0x3;
	s19 =	simm.s32 $0x4  }
0xa: {  	s20 =	simm.s32 $0x5;
	s9 =	sand.u32 $0x1, s1;
	s1 =	stileid.u32  }
0xb: {  	s21 =	simm.s32 $0x0;
	[smem:$0x7FF] =	sst s5;
	s10 =	smul.u32 $0x140000, s9  }
0xc: {  	s11 =	smul.u32 $0x14000, s1;
	_ =	strace $0x80000047;
	s28 =	ssub.s32 $0x2, s9  }
0xd: {  	s29 =	smul.u32 $0x50000, s1;
	s9 =	sshll.u32 s9, $0xF;
	s13 =	sshll.u32 s1, $0xB  }
0xe: {  	s31 =	sshll.u32 s1, $0x6;
	s12 =	sshrl.u32 s28, $0x1;
	s9 =	sor.u32 s13, s9  }
0xf: {  	s13 =	sor.u32 $0x1C06, s31;
	s10 =	sadd.s32 s11, s10;
	s12 =	ssub.s32 s28, s12  }
0x10: {  	s30 =	sshrl.u32 s29, $0x2;
	s6 =	sadd.s32 s6, s9;
	s10 =	sshrl.u32 s10, $0x3  }
0x11: {  	s8 =	sadd.s32 s8, s9;
	s14 =	sadd.s32 s30, s4;
	s10 =	sadd.s32 s10, s7  }
0x12: {  	s11 =	simm.s32 $0x4000;
	s14 =	sshrl.u32 s14, $0x3;
	s7 =	sadd.s32 $0x3600, s10  }
0x13: {  	s9 =	sadd.s32 $0x53600, s10;
	s10 =	smax.u32 s12, $0x1;
	s12 =	simm.s32 $0x6  }
.LBB2_1:
0x14: {  	[tilespmem:s11], [sflag:$0x6] =	stream.linear.gather [hbm4b:s2+s5], $0x2800, $0x38;
	[tilespmem:$0x1A800] =	vst v63  }
0x15: {  	_ =	swait.ge [sflag:s12], $0x2800  }
0x16: {  	[sflag:s12] =	ssyncset.done $0x0  }
0x17: {  	[sflag:s12] =	ssyncadd.s32 $0xFFFFD800  }
0x18: {  	[tilespmem:s5], [sflag:$0x6] =	stream.linear.gather [hbm4b:s6+s5], $0x3E80, $0x38;
	[tilespmem:$0x1A800] =	vst v63  }
0x19: {  	_ =	swait.ge [sflag:s12], $0x3E80  }
0x1a: {  	[sflag:s12] =	ssyncset.done $0x0  }
0x1b: {  	[sflag:s12] =	ssyncadd.s32 $0xFFFFC180  }
0x1c: {  	[spmem:s14], [sflag:s13] =	dma.local [hbm:s0], $0x2800  }
0x1d: {  	_ =	swait.ge [sflag:s12], $0x2800  }
0x1e: {  	[sflag:s12] =	ssyncset.done $0x0  }
0x1f: {  	[sflag:s12] =	ssyncadd.s32 $0xFFFFD800  }
0x20: {  	s22 =	simm.s32 $0x0;
	[bflag:$0x0] =	sbarrier.arrive $0xFFFF  }
0x21: {  	[spmem:s4] =	stream.indirect.scatter.add.f32 [tilespmem:s11], [sflag:$0x1], $0x80, s22, s15, $0xb8;
	[tilespmem:$0x1A800] =	vst v63  }
0x22: {  	s28 =	simm.s32 $0x80  }
0x23: {  	[spmem:s4] =	stream.indirect.scatter.add.f32 [tilespmem:s11], [sflag:$0x2], $0x80, s28, s15, $0xb8;
	[tilespmem:$0x1A800] =	vst v63  }
0x24: {  	s29 =	simm.s32 $0x100  }
0x25: {  	[spmem:s4] =	stream.indirect.scatter.add.f32 [tilespmem:s11], [sflag:$0x3], $0x80, s29, s15, $0xb8;
	[tilespmem:$0x1A800] =	vst v63  }
0x26: {  	s30 =	simm.s32 $0x180  }
0x27: {  	[spmem:s4] =	stream.indirect.scatter.add.f32 [tilespmem:s11], [sflag:$0x4], $0x80, s30, s15, $0xb8;
	[tilespmem:$0x1A800] =	vst v63  }
0x28: {  	s31 =	simm.s32 $0x200  }
0x29: {  	[spmem:s4] =	stream.indirect.scatter.add.f32 [tilespmem:s11], [sflag:$0x5], $0x80, s31, s15, $0xb8;
	[tilespmem:$0x1A800] =	vst v63  }
0x2a: {  	_ =	swait.ge [sflag:s16], $0x2800  }
0x2b: {  	[sflag:s16] =	ssyncset.done $0x0  }
0x2c: {  	[sflag:s16] =	ssyncadd.s32 $0xFFFFD800  }
0x2d: {  	_ =	swait.ge [sflag:s17], $0x2800  }
0x2e: {  	[sflag:s17] =	ssyncset.done $0x0  }
0x2f: {  	[sflag:s17] =	ssyncadd.s32 $0xFFFFD800  }
0x30: {  	_ =	swait.ge [sflag:s18], $0x2800  }
0x31: {  	[sflag:s18] =	ssyncset.done $0x0  }
0x32: {  	[sflag:s18] =	ssyncadd.s32 $0xFFFFD800  }
0x33: {  	_ =	swait.ge [sflag:s19], $0x2800  }
0x34: {  	[sflag:s19] =	ssyncset.done $0x0  }
0x35: {  	[sflag:s19] =	ssyncadd.s32 $0xFFFFD800  }
0x36: {  	_ =	swait.ge [sflag:s20], $0x2800  }
0x37: {  	s23 =	simm.s32 $0x1400;
	s22 =	simm.s32 $0xA00;
	[sflag:s20] =	ssyncset.done $0x0  }
.LBB2_2:
0x38: {  	s24 =	sshra.s32 s22, $0x2  }
0x39: {  	[sflag:s20] =	ssyncadd.s32 $0xFFFFD800;
	s22 =	smov.u32 s23;
	s25 =	sadd.s32 $0xA00, s23  }
0x3a: {  	[spmem:s4] =	stream.indirect.scatter.add.f32 [tilespmem:s11], [sflag:$0x1], $0x80, s24, s15, $0xb8;
	[tilespmem:$0x1A800] =	vst v63  }
0x3b: {  	p0 =	sne.s32 s23, $0xF000;
	s23 =	sadd.s32 $0x80, s24  }
0x3c: {  	[spmem:s4] =	stream.indirect.scatter.add.f32 [tilespmem:s11], [sflag:$0x2], $0x80, s23, s15, $0xb8;
	[tilespmem:$0x1A800] =	vst v63  }
0x3d: {  	s23 =	sadd.s32 $0x100, s24  }
0x3e: {  	[spmem:s4] =	stream.indirect.scatter.add.f32 [tilespmem:s11], [sflag:$0x3], $0x80, s23, s15, $0xb8;
	[tilespmem:$0x1A800] =	vst v63  }
0x3f: {  	s23 =	sadd.s32 $0x180, s24  }
0x40: {  	[spmem:s4] =	stream.indirect.scatter.add.f32 [tilespmem:s11], [sflag:$0x4], $0x80, s23, s15, $0xb8;
	[tilespmem:$0x1A800] =	vst v63  }
0x41: {  	s23 =	sadd.s32 $0x200, s24  }
0x42: {  	[spmem:s4] =	stream.indirect.scatter.add.f32 [tilespmem:s11], [sflag:$0x5], $0x80, s23, s15, $0xb8;
	[tilespmem:$0x1A800] =	vst v63  }
0x43: {  	_ =	swait.ge [sflag:s16], $0x2800  }
0x44: {  	[sflag:s16] =	ssyncset.done $0x0  }
0x45: {  	[sflag:s16] =	ssyncadd.s32 $0xFFFFD800  }
0x46: {  	_ =	swait.ge [sflag:s17], $0x2800  }
0x47: {  	[sflag:s17] =	ssyncset.done $0x0  }
0x48: {  	[sflag:s17] =	ssyncadd.s32 $0xFFFFD800  }
0x49: {  	_ =	swait.ge [sflag:s18], $0x2800  }
0x4a: {  	[sflag:s18] =	ssyncset.done $0x0  }
0x4b: {  	[sflag:s18] =	ssyncadd.s32 $0xFFFFD800  }
.Ltmp0:
0x4c: {  	_ =	swait.ge [sflag:s19], $0x2800;
	(pc) =	sbr.rel @p0 .LBB2_2-.Ltmp0, $4  }
0x4d: {  	[sflag:s19] =	ssyncset.done $0x0  }
0x4e: {  	[sflag:s19] =	ssyncadd.s32 $0xFFFFD800  }
0x4f: {  	_ =	swait.ge [sflag:s20], $0x2800  }
0x50: {  	s23 =	smov.u32 s25;
	[sflag:s20] =	ssyncset.done $0x0  }
0x51: {  	s22 =	sshra.s32 s22, $0x2;
	[sflag:s20] =	ssyncadd.s32 $0xFFFFD800  }
0x52: {  	[spmem:s4] =	stream.indirect.scatter.add.f32 [tilespmem:s11], [sflag:$0x1], $0x80, s22, s15, $0xb8;
	[tilespmem:$0x1A800] =	vst v63  }
0x53: {  	s23 =	sadd.s32 $0x80, s22  }
0x54: {  	[spmem:s4] =	stream.indirect.scatter.add.f32 [tilespmem:s11], [sflag:$0x2], $0x80, s23, s15, $0xb8;
	[tilespmem:$0x1A800] =	vst v63  }
0x55: {  	s31 =	sadd.s32 $0x100, s22  }
0x56: {  	[spmem:s4] =	stream.indirect.scatter.add.f32 [tilespmem:s11], [sflag:$0x3], $0x80, s31, s15, $0xb8;
	[tilespmem:$0x1A800] =	vst v63  }
0x57: {  	s24 =	sadd.s32 $0x180, s22  }
0x58: {  	[spmem:s4] =	stream.indirect.scatter.add.f32 [tilespmem:s11], [sflag:$0x4], $0x80, s24, s15, $0xb8;
	[tilespmem:$0x1A800] =	vst v63  }
0x59: {  	s22 =	sadd.s32 $0x200, s22  }
0x5a: {  	[spmem:s4] =	stream.indirect.scatter.add.f32 [tilespmem:s11], [sflag:$0x5], $0x80, s22, s15, $0xb8;
	[tilespmem:$0x1A800] =	vst v63  }
0x5b: {  	_ =	swait.ge [sflag:s16], $0x2800  }
0x5c: {  	[sflag:s16] =	ssyncset.done $0x0  }
0x5d: {  	[sflag:s16] =	ssyncadd.s32 $0xFFFFD800  }
0x5e: {  	_ =	swait.ge [sflag:s17], $0x2800  }
0x5f: {  	[sflag:s17] =	ssyncset.done $0x0  }
0x60: {  	[sflag:s17] =	ssyncadd.s32 $0xFFFFD800  }
0x61: {  	_ =	swait.ge [sflag:s18], $0x2800  }
0x62: {  	[sflag:s18] =	ssyncset.done $0x0  }
0x63: {  	[sflag:s18] =	ssyncadd.s32 $0xFFFFD800  }
0x64: {  	_ =	swait.ge [sflag:s19], $0x2800  }
0x65: {  	[sflag:s19] =	ssyncset.done $0x0  }
0x66: {  	[sflag:s19] =	ssyncadd.s32 $0xFFFFD800  }
0x67: {  	_ =	swait.ge [sflag:s20], $0x2800  }
0x68: {  	[sflag:s20] =	ssyncset.done $0x0  }
0x69: {  	[sflag:s20] =	ssyncadd.s32 $0xFFFFD800  }
0x6a: {  	[bflag:$0x0] =	sbarrier.arrive $0xFFFF  }
0x6b: {  	[hbm:s7], [sflag:s13] =	dma.local [spmem:s14], $0x2800  }
0x6c: {  	_ =	swait.ge [sflag:s12], $0x2800  }
0x6d: {  	[sflag:s12] =	ssyncset.done $0x0  }
0x6e: {  	[sflag:s12] =	ssyncadd.s32 $0xFFFFD800  }
0x6f: {  	s25 =	simm.s32 $0x0;
	[bflag:$0x0] =	sbarrier.arrive $0xFFFF  }
0x70: {  	[tilespmem:s25], [sflag:$0x6] =	stream.linear.gather [hbm4b:s8+s25], $0x3E80, $0x38;
	[tilespmem:$0x1A800] =	vst v63  }
0x71: {  	_ =	swait.ge [sflag:s12], $0x3E80  }
0x72: {  	[sflag:s12] =	ssyncset.done $0x0  }
0x73: {  	[sflag:s12] =	ssyncadd.s32 $0xFFFFC180  }
0x74: {  	[spmem:s14], [sflag:s13] =	dma.local [hbm:s0], $0x2800  }
0x75: {  	_ =	swait.ge [sflag:s12], $0x2800  }
0x76: {  	[sflag:s12] =	ssyncset.done $0x0  }
0x77: {  	[sflag:s12] =	ssyncadd.s32 $0xFFFFD800  }
0x78: {  	s26 =	simm.s32 $0x0;
	[bflag:$0x0] =	sbarrier.arrive $0xFFFF  }
0x79: {  	[spmem:s4] =	stream.indirect.scatter.add.f32 [tilespmem:s11], [sflag:$0x1], $0x80, s26, s15, $0xb8;
	[tilespmem:$0x1A800] =	vst v63  }
0x7a: {  	s28 =	simm.s32 $0x80  }
0x7b: {  	[spmem:s4] =	stream.indirect.scatter.add.f32 [tilespmem:s11], [sflag:$0x2], $0x80, s28, s15, $0xb8;
	[tilespmem:$0x1A800] =	vst v63  }
0x7c: {  	s29 =	simm.s32 $0x100  }
0x7d: {  	[spmem:s4] =	stream.indirect.scatter.add.f32 [tilespmem:s11], [sflag:$0x3], $0x80, s29, s15, $0xb8;
	[tilespmem:$0x1A800] =	vst v63  }
0x7e: {  	s30 =	simm.s32 $0x180  }
0x7f: {  	[spmem:s4] =	stream.indirect.scatter.add.f32 [tilespmem:s11], [sflag:$0x4], $0x80, s30, s15, $0xb8;
	[tilespmem:$0x1A800] =	vst v63  }
0x80: {  	s31 =	simm.s32 $0x200  }
0x81: {  	[spmem:s4] =	stream.indirect.scatter.add.f32 [tilespmem:s11], [sflag:$0x5], $0x80, s31, s15, $0xb8;
	[tilespmem:$0x1A800] =	vst v63  }
0x82: {  	_ =	swait.ge [sflag:s16], $0x2800  }
0x83: {  	[sflag:s16] =	ssyncset.done $0x0  }
0x84: {  	[sflag:s16] =	ssyncadd.s32 $0xFFFFD800  }
0x85: {  	_ =	swait.ge [sflag:s17], $0x2800  }
0x86: {  	[sflag:s17] =	ssyncset.done $0x0  }
0x87: {  	[sflag:s17] =	ssyncadd.s32 $0xFFFFD800  }
0x88: {  	_ =	swait.ge [sflag:s18], $0x2800  }
0x89: {  	[sflag:s18] =	ssyncset.done $0x0  }
0x8a: {  	[sflag:s18] =	ssyncadd.s32 $0xFFFFD800  }
0x8b: {  	_ =	swait.ge [sflag:s19], $0x2800  }
0x8c: {  	[sflag:s19] =	ssyncset.done $0x0  }
0x8d: {  	[sflag:s19] =	ssyncadd.s32 $0xFFFFD800  }
0x8e: {  	_ =	swait.ge [sflag:s20], $0x2800  }
0x8f: {  	s23 =	simm.s32 $0x1400;
	s22 =	simm.s32 $0xA00;
	[sflag:s20] =	ssyncset.done $0x0  }
.LBB2_4:
0x90: {  	s24 =	sshra.s32 s22, $0x2  }
0x91: {  	[sflag:s20] =	ssyncadd.s32 $0xFFFFD800;
	s22 =	smov.u32 s23;
	s25 =	sadd.s32 $0xA00, s23  }
0x92: {  	[spmem:s4] =	stream.indirect.scatter.add.f32 [tilespmem:s11], [sflag:$0x1], $0x80, s24, s15, $0xb8;
	[tilespmem:$0x1A800] =	vst v63  }
0x93: {  	p0 =	sne.s32 s23, $0xF000;
	s23 =	sadd.s32 $0x80, s24  }
0x94: {  	[spmem:s4] =	stream.indirect.scatter.add.f32 [tilespmem:s11], [sflag:$0x2], $0x80, s23, s15, $0xb8;
	[tilespmem:$0x1A800] =	vst v63  }
0x95: {  	s23 =	sadd.s32 $0x100, s24  }
0x96: {  	[spmem:s4] =	stream.indirect.scatter.add.f32 [tilespmem:s11], [sflag:$0x3], $0x80, s23, s15, $0xb8;
	[tilespmem:$0x1A800] =	vst v63  }
0x97: {  	s23 =	sadd.s32 $0x180, s24  }
0x98: {  	[spmem:s4] =	stream.indirect.scatter.add.f32 [tilespmem:s11], [sflag:$0x4], $0x80, s23, s15, $0xb8;
	[tilespmem:$0x1A800] =	vst v63  }
0x99: {  	s23 =	sadd.s32 $0x200, s24  }
0x9a: {  	[spmem:s4] =	stream.indirect.scatter.add.f32 [tilespmem:s11], [sflag:$0x5], $0x80, s23, s15, $0xb8;
	[tilespmem:$0x1A800] =	vst v63  }
0x9b: {  	_ =	swait.ge [sflag:s16], $0x2800  }
0x9c: {  	[sflag:s16] =	ssyncset.done $0x0  }
0x9d: {  	[sflag:s16] =	ssyncadd.s32 $0xFFFFD800  }
0x9e: {  	_ =	swait.ge [sflag:s17], $0x2800  }
0x9f: {  	[sflag:s17] =	ssyncset.done $0x0  }
0xa0: {  	[sflag:s17] =	ssyncadd.s32 $0xFFFFD800  }
0xa1: {  	_ =	swait.ge [sflag:s18], $0x2800  }
0xa2: {  	[sflag:s18] =	ssyncset.done $0x0  }
0xa3: {  	[sflag:s18] =	ssyncadd.s32 $0xFFFFD800  }
.Ltmp1:
0xa4: {  	_ =	swait.ge [sflag:s19], $0x2800;
	(pc) =	sbr.rel @p0 .LBB2_4-.Ltmp1, $4  }
0xa5: {  	[sflag:s19] =	ssyncset.done $0x0  }
0xa6: {  	[sflag:s19] =	ssyncadd.s32 $0xFFFFD800  }
0xa7: {  	_ =	swait.ge [sflag:s20], $0x2800  }
0xa8: {  	s23 =	smov.u32 s25;
	[sflag:s20] =	ssyncset.done $0x0  }
0xa9: {  	s22 =	sshra.s32 s22, $0x2;
	[sflag:s20] =	ssyncadd.s32 $0xFFFFD800  }
0xaa: {  	[spmem:s4] =	stream.indirect.scatter.add.f32 [tilespmem:s11], [sflag:$0x1], $0x80, s22, s15, $0xb8;
	[tilespmem:$0x1A800] =	vst v63  }
0xab: {  	s23 =	sadd.s32 $0x80, s22  }
0xac: {  	[spmem:s4] =	stream.indirect.scatter.add.f32 [tilespmem:s11], [sflag:$0x2], $0x80, s23, s15, $0xb8;
	[tilespmem:$0x1A800] =	vst v63  }
0xad: {  	s30 =	sadd.s32 $0x100, s22  }
0xae: {  	[spmem:s4] =	stream.indirect.scatter.add.f32 [tilespmem:s11], [sflag:$0x3], $0x80, s30, s15, $0xb8;
	[tilespmem:$0x1A800] =	vst v63  }
0xaf: {  	s31 =	sadd.s32 $0x180, s22  }
0xb0: {  	[spmem:s4] =	stream.indirect.scatter.add.f32 [tilespmem:s11], [sflag:$0x4], $0x80, s31, s15, $0xb8;
	[tilespmem:$0x1A800] =	vst v63  }
0xb1: {  	s22 =	sadd.s32 $0x200, s22  }
0xb2: {  	[spmem:s4] =	stream.indirect.scatter.add.f32 [tilespmem:s11], [sflag:$0x5], $0x80, s22, s15, $0xb8;
	[tilespmem:$0x1A800] =	vst v63  }
0xb3: {  	_ =	swait.ge [sflag:s16], $0x2800  }
0xb4: {  	[sflag:s16] =	ssyncset.done $0x0  }
0xb5: {  	[sflag:s16] =	ssyncadd.s32 $0xFFFFD800  }
0xb6: {  	_ =	swait.ge [sflag:s17], $0x2800  }
0xb7: {  	[sflag:s17] =	ssyncset.done $0x0  }
0xb8: {  	[sflag:s17] =	ssyncadd.s32 $0xFFFFD800  }
0xb9: {  	_ =	swait.ge [sflag:s18], $0x2800  }
0xba: {  	[sflag:s18] =	ssyncset.done $0x0  }
0xbb: {  	[sflag:s18] =	ssyncadd.s32 $0xFFFFD800  }
0xbc: {  	_ =	swait.ge [sflag:s19], $0x2800  }
0xbd: {  	[sflag:s19] =	ssyncset.done $0x0  }
0xbe: {  	[sflag:s19] =	ssyncadd.s32 $0xFFFFD800  }
0xbf: {  	_ =	swait.ge [sflag:s20], $0x2800  }
0xc0: {  	[sflag:s20] =	ssyncset.done $0x0  }
0xc1: {  	s21 =	sadd.s32 $0x1, s21;
	[sflag:s20] =	ssyncadd.s32 $0xFFFFD800  }
0xc2: {  	p0 =	sne.s32 s21, s10;
	[bflag:$0x0] =	sbarrier.arrive $0xFFFF  }
0xc3: {  	[hbm:s9], [sflag:s13] =	dma.local [spmem:s14], $0x2800  }
.Ltmp2:
0xc4: {  	_ =	swait.ge [sflag:s12], $0x2800;
	(pc) =	sbr.rel @p0 .LBB2_1-.Ltmp2, $3  }
0xc5: {  	[sflag:s12] =	ssyncset.done $0x0  }
0xc6: {  	[sflag:s12] =	ssyncadd.s32 $0xFFFFD800  }
0xc7: {  	[bflag:$0x0] =	sbarrier.arrive $0xFFFF;
	_ =	sdelay $0x1  }
0xc8: {  	_ =	sfence.sel $0x180000  }
0xc9: {  	[bflag:$0x0] =	sbarrier.arrive $0xFFFF  }
0xca: {  	p0 =	sne.s32 s1, $0x0;
	_ =	strace $0x90000047  }
0xcb: {  	s0 =	sadd.s32 @!p0 $0x100000, s3;
	[bflag:$0x2] =	sbarrier.arrive $0xFFFF  }
0xcc: {  	[sflag:s0] =	ssyncadd.tile.s32 @!p0 $0x1;
	_ =	shalt  }
.Lfunc_end2:
_tile_overlayer_lowered:
.L_overlay_start_2:
0xcd: {  	(tag) =	ssettag $0x2  }
0xce: {  	s0 =	rddreg [dreg:$0x0];
	s2 =	stileid.u32  }
0xcf: {  	s1 =	rddreg [dreg:$0x1];
	p0 =	sne.s32 s2, $0x0  }
0xd0: {  	s3 =	rddreg [dreg:$0x2];
	[bflag:$0x3] =	sbarrier.arrive $0xFFFF;
	s2 =	simm.s32 @!p0 $0x1C06  }
0xd1: {  	[timem:s3], [sflag:s2] =	dma.local @!p0 [hbm:s0], s1  }
0xd2: {  	s0 =	simm.s32 @!p0 $0x6  }
0xd3: {  	_ =	swait.ge @!p0 [sflag:s0], s1  }
0xd4: {  	s1 =	ssub.s32 @!p0 $0x0, s1;
	[sflag:s0] =	ssyncset.done @!p0 $0x0  }
0xd5: {  	[sflag:s0] =	ssyncadd.s32 @!p0 s1  }
0xd6: {  	[bflag:$0x3] =	sbarrier.arrive $0xFFFF  }
0xd7: {  	_ =	shalt  }

// kernel: kernel.13.cloned.1.call-start
scs
__scs_entry_jumppad:
0x0: {  	(pc) =	sbr.rel $0x88, $3  }
0x1: {  	(tag) =	ssettag $0x0;
	lr =	simm.s32 $0x1  }
0x2: {  	[smem:$0x3F99] =	sst lr;
	_ =	strace $0xD0000000  }
0x3: {  	_ = 	snop  }
0x4: {  	_ = 	snop  }
0x5: {  	_ = 	snop  }
0x6: {  	_ = 	snop  }
0x7: {  	_ = 	snop  }
__scs_overlays_trampoline_lowered:
0x8: {  	[smem:$0x3FA8] =	sst s0  }
0x9: {  	[smem:$0x3FA9] =	sst s1  }
0xa: {  	[smem:$0x3FAA] =	sst s2  }
0xb: {  	[smem:$0x3FAB] =	sst s3  }
0xc: {  	[smem:$0x3FAC] =	sst s4  }
0xd: {  	[smem:$0x3FAD] =	sst s5  }
0xe: {  	[smem:$0x3FAE] =	sst s6  }
0xf: {  	[smem:$0x3FAF] =	sst s7  }
0x10: {  	[smem:$0x3FB0] =	sst s8  }
0x11: {  	[smem:$0x3FB1] =	sst s9;
	s0 =	simm.s32 @!p0 $0x0  }
0x12: {  	s1 =	sld [smem:$0x3F97];
	s0 =	simm.s32 @p0 $0x1  }
0x13: {  	[smem:$0x3FB2] =	sst s0;
	s0 =	simm.s32 @!p1 $0x0  }
0x14: {  	s2 =	sld [smem:$0x3F96];
	s0 =	simm.s32 @p1 $0x1  }
0x15: {  	[smem:$0x3FB3] =	sst s0;
	s0 =	simm.s32 @!p2 $0x0  }
0x16: {  	s3 =	sld [smem:$0x3FDB];
	s0 =	simm.s32 @p2 $0x1  }
0x17: {  	s4 =	simm.s32 $0x1BF5;
	[smem:$0x3FB5] =	sst s0  }
0x18: {  	s0 =	sld [smem:$0x3F98];
	_ =	swait.ge [sflag:s4], $0x0  }
0x19: {  	s7 =	sld [smem:$0x3F99]  }
0x1a: {  	s8 =	sadd.s32 $0xFFFFE003, lr  }
0x1b: {  	s9 =	sadd.s32 $0xFFFFFEF7, lr;
	s5 =	simm.s32 $0xFFFFFFFF;
	p2 =	slt.u32 s8, $0xFFFFF086  }
0x1c: {  	p1 =	slt.u32 s9, $0xF7A;
	s5 =	simm.s32 @!p2 $0x0  }
0x1d: {  	s5 =	simm.s32 @p1 $0x1;
	p0 =	seq.s32 s7, s2  }
0x1e: {  	s7 =	smul.u32 @!p0 $0xF7A, s2;
	p2 =	seq.s32 @!p0 s5, $0x0  }
0x1f: {  	s9 =	smul.u32 $0xF7A, s1;
	s8 =	simm.s32 @!p0 $0x1BF5;
	p2 =	por !p2, p0  }
0x20: {  	[sflag:s8] =	ssyncset.s32 @!p0 $0xFFFFF086;
	s6 =	sadd.s32 @!p0 s3, s7;
	s7 =	simm.s32 @!p0 $0x108  }
0x21: {  	s3 =	sadd.s32 s3, s9;
	s6 =	sadd.s32 @!p0 $0x88, s6;
	s7 =	simm.s32 @p2 $0x1082  }
0x22: {  	[simem:s7], [sflag:s8] =	dma.local @!p0 [hbm:s6], $0xF7A  }
0x23: {  	s9 =	sor.u32 $0xD0000000, s2;
	s6 =	simm.s32 $0x108;
	_ =	swait.ge @!p0 [sflag:s8], $0x0  }
0x24: {  	s3 =	sadd.s32 $0x88, s3;
	s6 =	simm.s32 @!p1 $0x1082;
	[sflag:s4] =	ssyncset.s32 $0xFFFFF086  }
0x25: {  	[simem:s6], [sflag:s4] =	dma.local [hbm:s3], $0xF7A  }
0x26: {  	[smem:$0x3F99] =	sst s1;
	(tag) =	ssettag s2;
	_ =	strace s9  }
0x27: {  	s1 =	sld [smem:$0x3FA9]  }
0x28: {  	s2 =	sld [smem:$0x3FAA]  }
0x29: {  	s4 =	sld [smem:$0x3FAC]  }
0x2a: {  	p0 =	seq.s32 s5, $0x0;
	s5 =	sld [smem:$0x3FAD]  }
0x2b: {  	s6 =	sld [smem:$0x3FAE]  }
0x2c: {  	s7 =	sld [smem:$0x3FAF]  }
0x2d: {  	s3 =	simm.s32 $0x108;
	s8 =	sld [smem:$0x3FB0]  }
0x2e: {  	s3 =	simm.s32 @!p0 $0x1082;
	s9 =	sld [smem:$0x3FB1]  }
0x2f: {  	lr =	sadd.s32 s0, s3;
	s0 =	sld [smem:$0x3FA8]  }
0x30: {  	s3 =	sld [smem:$0x3FAB]  }
0x31: {  	[smem:$0x3FB4] =	sst s10  }
0x32: {  	s10 =	sld [smem:$0x3FB2];
	_ =	sdelay $0x3  }
0x33: {  	p0 =	seq.s32 s10, $0x1;
	s10 =	sld [smem:$0x3FB4];
	_ =	sdelay $0x3  }
0x34: {  	[smem:$0x3FB4] =	sst s10  }
0x35: {  	s10 =	sld [smem:$0x3FB3];
	_ =	sdelay $0x3  }
0x36: {  	p1 =	seq.s32 s10, $0x1;
	s10 =	sld [smem:$0x3FB4];
	_ =	sdelay $0x3  }
0x37: {  	[smem:$0x3FB4] =	sst s10  }
0x38: {  	s10 =	sld [smem:$0x3FB5]  }
0x39: {  	_ = 	snop;
	(pc) =	sbr.ind lr, $3  }
0x3a: {  	_ = 	snop  }
0x3b: {  	_ = 	snop  }
0x3c: {  	p2 =	seq.s32 s10, $0x1;
	s10 =	sld [smem:$0x3FB4]  }
0x3d: {  	_ =	shalt  }
0x3e: {  	_ =	shalt  }
0x3f: {  	_ =	shalt  }
0x40: {  	_ =	shalt  }
0x41: {  	_ =	shalt  }
0x42: {  	_ =	shalt  }
0x43: {  	_ =	shalt  }
0x44: {  	_ =	shalt  }
0x45: {  	_ =	shalt  }
0x46: {  	_ =	shalt  }
0x47: {  	_ =	shalt  }
0x48: {  	_ =	shalt  }
0x49: {  	_ =	shalt  }
0x4a: {  	_ =	shalt  }
0x4b: {  	_ =	shalt  }
0x4c: {  	_ =	shalt  }
0x4d: {  	_ =	shalt  }
0x4e: {  	_ =	shalt  }
0x4f: {  	_ =	shalt  }
0x50: {  	_ =	shalt  }
0x51: {  	_ =	shalt  }
0x52: {  	_ =	shalt  }
0x53: {  	_ =	shalt  }
0x54: {  	_ =	shalt  }
0x55: {  	_ =	shalt  }
0x56: {  	_ =	shalt  }
0x57: {  	_ =	shalt  }
0x58: {  	_ =	shalt  }
0x59: {  	_ =	shalt  }
0x5a: {  	_ =	shalt  }
0x5b: {  	_ =	shalt  }
0x5c: {  	_ =	shalt  }
0x5d: {  	_ =	shalt  }
0x5e: {  	_ =	shalt  }
0x5f: {  	_ =	shalt  }
0x60: {  	_ =	shalt  }
0x61: {  	_ =	shalt  }
0x62: {  	_ =	shalt  }
0x63: {  	_ =	shalt  }
0x64: {  	_ =	shalt  }
0x65: {  	_ =	shalt  }
0x66: {  	_ =	shalt  }
0x67: {  	_ =	shalt  }
0x68: {  	_ =	shalt  }
0x69: {  	_ =	shalt  }
0x6a: {  	_ =	shalt  }
0x6b: {  	_ =	shalt  }
0x6c: {  	_ =	shalt  }
0x6d: {  	_ =	shalt  }
0x6e: {  	_ =	shalt  }
0x6f: {  	_ =	shalt  }
0x70: {  	_ =	shalt  }
0x71: {  	_ =	shalt  }
0x72: {  	_ =	shalt  }
0x73: {  	_ =	shalt  }
0x74: {  	_ =	shalt  }
0x75: {  	_ =	shalt  }
0x76: {  	_ =	shalt  }
0x77: {  	_ =	shalt  }
0x78: {  	_ =	shalt  }
0x79: {  	_ =	shalt  }
0x7a: {  	_ =	shalt  }
0x7b: {  	_ =	shalt  }
0x7c: {  	_ =	shalt  }
0x7d: {  	_ =	shalt  }
0x7e: {  	_ =	shalt  }
0x7f: {  	_ =	shalt  }
0x80: {  	_ =	shalt  }
0x81: {  	_ =	shalt  }
0x82: {  	_ =	shalt  }
0x83: {  	_ =	shalt  }
0x84: {  	_ =	shalt  }
0x85: {  	_ =	shalt  }
0x86: {  	_ =	shalt  }
0x87: {  	_ =	shalt  }
.Lfunc_end0:
.L_simem_size_0:
called_computation.1_lowered:
.L_overlay_start_0:
0x88: {  	s2 =	sld [smem:$0x3FD9]  }
0x89: {  	s3 =	sld [smem:$0x3FFE];
	_ =	sdelay $0x1  }
0x8a: {  	s1 =	srdreg.scid  }
0x8b: {  	s0 =	sand.u32 $0x1, s1  }
0x8c: {  	s14 =	sshll.u32 s0, $0xA;
	s2 =	sadd.s32 s3, s2  }
0x8d: {  	s2 =	sadd.s32 s2, s14  }
0x8e: {  	[smem:$0x3FC0] =	sst s2  }
0x8f: {  	_ = 	snop  }
0x90: {  	s2 =	sld [smem:$0x3FD0];
	_ =	sdelay $0x2  }
0x91: {  	s15 =	simm.s32 $0xA;
	s4 =	simm.s32 $0x10  }
0x92: {  	[smem:s4], [sflag:s15] =	dma.local [hbm:s2], $0x1  }
0x93: {  	_ =	swait.eq [sflag:s15], $0x1  }
0x94: {  	s5 =	sld [smem:$0x10];
	[sflag:s15] =	ssyncset.done $0x0  }
0x95: {  	s6 =	sld [smem:$0x11];
	[sflag:s15] =	ssyncadd.s32 $0xFFFFFFFF  }
0x96: {  	s2 =	sadd.s32 $0x1, s2;
	s7 =	sld [smem:$0x15]  }
0x97: {  	[smem:s4], [sflag:s15] =	dma.local [hbm:s2], $0x1  }
0x98: {  	_ =	swait.eq [sflag:s15], $0x1  }
0x99: {  	[sflag:s15] =	ssyncset.done $0x0  }
0x9a: {  	[sflag:s15] =	ssyncadd.s32 $0xFFFFFFFF  }
0x9b: {  	s16 =	sld [smem:$0x10];
	(tm) =	ssettm $0x1  }
0x9c: {  	s17 =	sld [smem:$0x3FFB];
	_ =	sdelay $0x3  }
0x9d: {  	_ =	strace s17  }
0x9e: {  	s3 =	sld [smem:$0x3FFC];
	_ =	sdelay $0x3  }
0x9f: {  	_ =	strace s3  }
0xa0: {  	s3 =	sld [smem:$0x3FFD];
	_ =	sdelay $0x3  }
0xa1: {  	_ =	strace s3  }
0xa2: {  	_ =	strace $0x8FFFFFFF  }
0xa3: {  	s18 =	sld [smem:$0x3FDB];
	_ =	sdelay $0x1  }
0xa4: {  	s19 =	simm.s32 $_scs_section_size  }
0xa5: {  	s8 =	simm.s32 $_size__tile_overlayer_lowered;
	s9 =	simm.s32 $_tile_overlayer_lowered  }
0xa6: {  	s22 =	simm.s32 $0x1BFF;
	s21 =	sshll.u32 s9, $0x1;
	s3 =	sadd.s32 s19, s18  }
0xa7: {  	s10 =	simm.s32 $0x0;
	s20 =	sshll.u32 s8, $0x1;
	s8 =	sadd.s32 s21, s3  }
0xa8: {  	[timem:s10], [sflag:s22] =	dma.local [hbm:s8], s20  }
0xa9: {  	_ =	swait.ge [sflag:s22], s20  }
0xaa: {  	s4 =	ssub.s32 $0x0, s20;
	[sflag:s22] =	ssyncset.done $0x0  }
0xab: {  	[sflag:s22] =	ssyncadd.s32 s4;
	_ =	sdelay $0x1  }
0xac: {  	s23 =	simm.s32 $0x1B8B  }
0xad: {  	_ =	swait.ge [sflag:s23], $0x1  }
0xae: {  	[sflag:s23] =	ssyncset.done $0x0  }
0xaf: {  	s25 =	simm.s32 $0x1B8E;
	s24 =	sld [smem:$0x3FFE];
	[sflag:s23] =	ssyncadd.s32 $0xFFFFFFFF  }
0xb0: {  	s26 =	simm.s32 $execute0_lowered;
	[smem:$0x3FD2] =	sst s25  }
0xb1: {  	s8 =	sshll.u32 s26, $0x1;
	_ =	strace $0x80000049;
	[dreg:$0x1] =	wrdreg $0xFFFFFFFF  }
0xb2: {  	s28 =	simm.s32 $_size_execute0_lowered;
	s3 =	sadd.s32 s3, s8;
	[dreg:$0x0] =	wrdreg $0x0  }
0xb3: {  	s8 =	sshll.u32 s28, $0x1;
	[dreg:$0x2] =	wrdreg s3  }
0xb4: {  	[dreg:$0x3] =	wrdreg s8  }
0xb5: {  	[dreg:$0x4] =	wrdreg $0xC0  }
0xb6: {  	_ =	task [dreg:s10], $0x5FFFF  }
0xb7: {  	[dreg:$0x1] =	wrdreg $0xFFFFFFFF  }
0xb8: {  	[dreg:$0x0] =	wrdreg $0x60  }
0xb9: {  	[dreg:$0x2] =	wrdreg s16  }
0xba: {  	[dreg:$0x3] =	wrdreg s6  }
0xbb: {  	[dreg:$0x4] =	wrdreg s7  }
0xbc: {  	[dreg:$0x5] =	wrdreg s5  }
0xbd: {  	[dreg:$0x6] =	wrdreg s24  }
0xbe: {  	[dreg:$0x7] =	wrdreg $0xB7800  }
0xbf: {  	[dreg:$0x8] =	wrdreg $0x9  }
0xc0: {  	_ =	task.clear_ibuf [dreg:s10], $0x9FFFF;
	_ =	strace $0x90000049  }
0xc1: {  	s29 =	simm.s32 $0x9;
	_ =	strace $0x8000004B  }
0xc2: {  	_ =	swait.ge [sflag:s29], $0x1  }
0xc3: {  	[sflag:s29] =	ssyncadd.s32 $0xFFFFFFFF  }
0xc4: {  	_ =	strace $0x9000004B  }
0xc5: {  	_ =	sfence  }
0xc6: {  	s30 =	sld [smem:$0x0];
	_ =	sdelay $0x2  }
0xc7: {  	s31 =	sshll.u32 s1, $0xD;
	s1 =	sshrl.u32 s1, $0x2  }
0xc8: {  	s3 =	sand.u32 $0x4000, s31;
	s1 =	sadd.s32 s1, s30  }
0xc9: {  	s0 =	sor.u32 s3, s0;
	s1 =	sshll.u32 s1, $0x11  }
0xca: {  	s0 =	sor.u32 s1, s0  }
0xcb: {  	s0 =	sadd.s32 $0x8F2B, s0  }
0xcc: {  	[sflag:s0] =	ssyncadd.remote.s32 $0x1  }
0xcd: {  	_ =	sfence.sel $0xFFFF  }
0xce: {  	[dreg:$0x0] =	wrdreg $0xFFFFFFFF;
	(pc) =	sbr.abs _section_cstart, $3  }
0xcf: {  	[dreg:$0x1] =	wrdreg $0xFFFFFFFF  }
0xd0: {  	_ =	task.clear_ibuf [dreg:s10], $0x2FFFF;
	_ =	strace $0x9FFFFFFF  }
0xd1: {  	(tm) =	ssettm $0x7FFFFFFF  }
tec
execute0_lowered:
.L_overlay_start_1:
0x0: {  	(tag) =	ssettag $0x1  }
0x1: {  	s0 =	rddreg [dreg:$0x0]  }
0x2: {  	s7 =	rddreg [dreg:$0x1]  }
0x3: {  	s8 =	rddreg [dreg:$0x2]  }
0x4: {  	s1 =	rddreg [dreg:$0x3]  }
0x5: {  	s6 =	rddreg [dreg:$0x4];
	s2 =	srdreg.scid  }
0x6: {  	s4 =	rddreg [dreg:$0x5];
	s3 =	stileid.u32;
	s5 =	simm.s32 $0x0  }
0x7: {  	s16 =	simm.s32 $0x50;
	s17 =	simm.s32 $0x6780;
	s18 =	simm.s32 $0x1  }
0x8: {  	s19 =	simm.s32 $0x8F80;
	s20 =	simm.s32 $0x2;
	s21 =	simm.s32 $0x6580  }
0x9: {  	s9 =	sand.u32 $0x1, s2;
	s2 =	rddreg [dreg:$0x6];
	s11 =	smul.u32 $0x14000, s3  }
0xa: {  	s22 =	simm.s32 $0x0;
	[smem:$0x7FF] =	sst s5;
	s25 =	smul.u32 $0x50000, s3  }
0xb: {  	s14 =	sshll.u32 s3, $0x7;
	s30 =	sshll.u32 s3, $0x6;
	s10 =	smul.u32 $0x140000, s9  }
0xc: {  	s12 =	sshll.u32 s9, $0x4;
	_ =	strace $0x8000004A;
	s9 =	ssub.s32 $0x2, s9  }
0xd: {  	s14 =	sand.u32 $0x380, s14;
	s24 =	sor.u32 s3, s12;
	s26 =	sshrl.u32 s9, $0x1  }
0xe: {  	s28 =	sshrl.u32 s25, $0x2;
	s10 =	sadd.s32 s11, s10;
	s13 =	sshrl.u32 s24, $0x3  }
0xf: {  	s15 =	ssub.s32 s9, s26;
	s31 =	sshll.u32 s24, $0xB;
	s13 =	smul.u32 $0x13C00, s13  }
0x10: {  	s12 =	sadd.s32 s28, s4;
	s10 =	sshrl.u32 s10, $0x3;
	s8 =	sadd.s32 s8, s31  }
0x11: {  	s11 =	sshrl.u32 s12, $0x3;
	s12 =	simm.s32 $0x3;
	s29 =	sor.u32 s14, s13  }
0x12: {  	s10 =	sadd.s32 s10, s6;
	s6 =	sor.u32 $0x1C03, s30;
	s9 =	sshrl.u32 s29, $0x3  }
0x13: {  	s13 =	simm.s32 $0x80;
	s14 =	simm.s32 $0x400;
	s7 =	sadd.s32 s7, s9  }
0x14: {  	s9 =	sadd.s32 $0x3600, s10;
	s10 =	smax.u32 s15, $0x1;
	s15 =	simm.s32 $0x2780  }
.LBB2_1:
0x15: {  	[spmem:s11], [sflag:s6] =	dma.local [hbm:s1], $0x2800  }
0x16: {  	_ =	swait.ge [sflag:s12], $0x2800  }
0x17: {  	[sflag:s12] =	ssyncset.done $0x0  }
0x18: {  	[sflag:s12] =	ssyncadd.s32 $0xFFFFD800  }
0x19: {  	[tilespmem:s5], [sflag:$0x3] =	stream.strided.gather [hbm4b:s7+s13], $0x2780, s14, s13, $0x38;
	[tilespmem:$0x1F780] =	vst v63  }
0x1a: {  	_ =	swait.ge [sflag:s12], $0x2780  }
0x1b: {  	[sflag:s12] =	ssyncset.done $0x0  }
0x1c: {  	[sflag:s12] =	ssyncadd.s32 $0xFFFFD880  }
0x1d: {  	[tilespmem:s15], [sflag:$0x3] =	stream.linear.gather [hbm4b:s8+s5], $0x3E80, $0x38;
	[tilespmem:$0x1F780] =	vst v63  }
0x1e: {  	_ =	swait.ge [sflag:s12], $0x3E80  }
0x1f: {  	[sflag:s12] =	ssyncset.done $0x0  }
0x20: {  	[sflag:s12] =	ssyncadd.s32 $0xFFFFC180  }
0x21: {  	[bflag:$0x0] =	sbarrier.arrive $0xFFFF  }
0x22: {  	[tilespmem:s17], [sflag:$0x1] =	stream.indirect.gather [hbm4b:s0+s16], $0x80, s5, s16, $0xb8;
	[tilespmem:$0x1F780] =	vst v63  }
0x23: {  	_ =	swait.ge [sflag:s18], $0x2800  }
0x24: {  	[sflag:s18] =	ssyncset.done $0x0  }
0x25: {  	s23 =	simm.s32 $0x50;
	[sflag:s18] =	ssyncadd.s32 $0xFFFFD800  }
0x26: {  	[tilespmem:s19], [sflag:$0x2] =	stream.indirect.gather [hbm4b:s0+s16], $0x80, s23, s16, $0xb8;
	[tilespmem:$0x1F780] =	vst v63  }
0x27: {  	s29 =	simm.s32 $0x2780  }
0x28: {  	[spmem:s4] =	stream.indirect.scatter.add.f32 [tilespmem:s17], [sflag:$0x3], $0x80, s29, s16, $0xb8;
	[tilespmem:$0x1F780] =	vst v63  }
0x29: {  	_ =	swait.ge [sflag:s12], $0x2800  }
0x2a: {  	[sflag:s12] =	ssyncset.done $0x0  }
0x2b: {  	[sflag:s12] =	ssyncadd.s32 $0xFFFFD800  }
0x2c: {  	_ =	swait.ge [sflag:s20], $0x2800  }
0x2d: {  	[sflag:s20] =	ssyncset.done $0x0  }
0x2e: {  	s30 =	simm.s32 $0xA0;
	[sflag:s20] =	ssyncadd.s32 $0xFFFFD800  }
0x2f: {  	[tilespmem:s17], [sflag:$0x1] =	stream.indirect.gather [hbm4b:s0+s16], $0x80, s30, s16, $0xb8;
	[tilespmem:$0x1F780] =	vst v63  }
0x30: {  	s31 =	simm.s32 $0x2800  }
0x31: {  	[spmem:s4] =	stream.indirect.scatter.add.f32 [tilespmem:s19], [sflag:$0x3], $0x80, s31, s16, $0xb8;
	[tilespmem:$0x1F780] =	vst v63  }
0x32: {  	_ =	swait.ge [sflag:s12], $0x2800  }
0x33: {  	[sflag:s12] =	ssyncset.done $0x0  }
0x34: {  	[sflag:s12] =	ssyncadd.s32 $0xFFFFD800  }
0x35: {  	s24 =	simm.s32 $0x400;
	_ =	swait.ge [sflag:s18], $0x2800  }
0x36: {  	s25 =	simm.s32 $0x800;
	s23 =	simm.s32 $0x140;
	[sflag:s18] =	ssyncset.done $0x0  }
.LBB2_2:
0x37: {  	s26 =	sadd.s32 $0xFFFFFFB0, s23  }
0x38: {  	s28 =	sshra.s32 s24, $0x2;
	[sflag:s18] =	ssyncadd.s32 $0xFFFFD800;
	s24 =	smov.u32 s25  }
0x39: {  	[tilespmem:s19], [sflag:$0x2] =	stream.indirect.gather [hbm4b:s0+s16], $0x80, s26, s16, $0xb8;
	[tilespmem:$0x1F780] =	vst v63  }
0x3a: {  	p0 =	sne.s32 s25, $0xF400;
	s25 =	sadd.s32 $0x400, s25;
	s26 =	sadd.s32 $0x2780, s28  }
0x3b: {  	[spmem:s4] =	stream.indirect.scatter.add.f32 [tilespmem:s17], [sflag:$0x3], $0x80, s26, s16, $0xb8;
	[tilespmem:$0x1F780] =	vst v63  }
0x3c: {  	_ =	swait.ge [sflag:s12], $0x2800  }
0x3d: {  	[sflag:s12] =	ssyncset.done $0x0  }
0x3e: {  	[sflag:s12] =	ssyncadd.s32 $0xFFFFD800  }
0x3f: {  	_ =	swait.ge [sflag:s20], $0x2800  }
0x40: {  	[sflag:s20] =	ssyncset.done $0x0  }
0x41: {  	[sflag:s20] =	ssyncadd.s32 $0xFFFFD800  }
0x42: {  	[tilespmem:s17], [sflag:$0x1] =	stream.indirect.gather [hbm4b:s0+s16], $0x80, s23, s16, $0xb8;
	[tilespmem:$0x1F780] =	vst v63  }
0x43: {  	s26 =	sadd.s32 $0x2800, s28  }
0x44: {  	[spmem:s4] =	stream.indirect.scatter.add.f32 [tilespmem:s19], [sflag:$0x3], $0x80, s26, s16, $0xb8;
	[tilespmem:$0x1F780] =	vst v63  }
.Ltmp0:
0x45: {  	_ =	swait.ge [sflag:s12], $0x2800;
	(pc) =	sbr.rel @p0 .LBB2_2-.Ltmp0, $4  }
0x46: {  	[sflag:s12] =	ssyncset.done $0x0  }
0x47: {  	[sflag:s12] =	ssyncadd.s32 $0xFFFFD800  }
0x48: {  	_ =	swait.ge [sflag:s18], $0x2800  }
0x49: {  	s23 =	sadd.s32 $0xA0, s23;
	[sflag:s18] =	ssyncset.done $0x0  }
0x4a: {  	s25 =	sadd.s32 $0xFFFFFFB0, s23;
	s24 =	sshra.s32 s24, $0x2;
	[sflag:s18] =	ssyncadd.s32 $0xFFFFD800  }
0x4b: {  	[tilespmem:s19], [sflag:$0x2] =	stream.indirect.gather [hbm4b:s0+s16], $0x80, s25, s16, $0xb8;
	[tilespmem:$0x1F780] =	vst v63  }
0x4c: {  	s30 =	sadd.s32 $0x2780, s24  }
0x4d: {  	[spmem:s4] =	stream.indirect.scatter.add.f32 [tilespmem:s17], [sflag:$0x3], $0x80, s30, s16, $0xb8;
	[tilespmem:$0x1F780] =	vst v63  }
0x4e: {  	_ =	swait.ge [sflag:s12], $0x2800  }
0x4f: {  	[sflag:s12] =	ssyncset.done $0x0  }
0x50: {  	[sflag:s12] =	ssyncadd.s32 $0xFFFFD800  }
0x51: {  	_ =	swait.ge [sflag:s20], $0x2800  }
0x52: {  	[sflag:s20] =	ssyncset.done $0x0  }
0x53: {  	[sflag:s20] =	ssyncadd.s32 $0xFFFFD800  }
0x54: {  	[tilespmem:s17], [sflag:$0x1] =	stream.indirect.gather [hbm4b:s0+s16], $0x80, s23, s16, $0xb8;
	[tilespmem:$0x1F780] =	vst v63  }
0x55: {  	s31 =	sadd.s32 $0x2800, s24  }
0x56: {  	[spmem:s4] =	stream.indirect.scatter.add.f32 [tilespmem:s19], [sflag:$0x3], $0x80, s31, s16, $0xb8;
	[tilespmem:$0x1F780] =	vst v63  }
0x57: {  	_ =	swait.ge [sflag:s12], $0x2800  }
0x58: {  	[sflag:s12] =	ssyncset.done $0x0  }
0x59: {  	[sflag:s12] =	ssyncadd.s32 $0xFFFFD800  }
0x5a: {  	_ =	swait.ge [sflag:s18], $0x2800  }
0x5b: {  	[sflag:s18] =	ssyncset.done $0x0  }
0x5c: {  	[sflag:s18] =	ssyncadd.s32 $0xFFFFD800  }
0x5d: {  	[spmem:s4] =	stream.indirect.scatter.add.f32 [tilespmem:s17], [sflag:$0x3], $0x80, s21, s16, $0xb8;
	[tilespmem:$0x1F780] =	vst v63  }
0x5e: {  	_ =	swait.ge [sflag:s12], $0x2800  }
0x5f: {  	s22 =	sadd.s32 $0x1, s22;
	[sflag:s12] =	ssyncset.done $0x0  }
0x60: {  	p0 =	sne.s32 s22, s10;
	[sflag:s12] =	ssyncadd.s32 $0xFFFFD800  }
.Ltmp1:
0x61: {  	[bflag:$0x0] =	sbarrier.arrive $0xFFFF;
	(pc) =	sbr.rel @p0 .LBB2_1-.Ltmp1, $4  }
0x62: {  	[hbm:s9], [sflag:s6] =	dma.local [spmem:s11], $0x2800  }
0x63: {  	_ =	swait.ge [sflag:s12], $0x2800  }
0x64: {  	[sflag:s12] =	ssyncset.done $0x0  }
0x65: {  	[sflag:s12] =	ssyncadd.s32 $0xFFFFD800  }
0x66: {  	_ =	sfence.sel $0x180000  }
0x67: {  	[bflag:$0x0] =	sbarrier.arrive $0xFFFF  }
0x68: {  	p0 =	sne.s32 s3, $0x0;
	_ =	strace $0x9000004A  }
0x69: {  	s0 =	sadd.s32 @!p0 $0x100000, s2;
	[bflag:$0x2] =	sbarrier.arrive $0xFFFF  }
0x6a: {  	[sflag:s0] =	ssyncadd.tile.s32 @!p0 $0x1;
	_ =	shalt  }
.Lfunc_end2:
_tile_overlayer_lowered:
.L_overlay_start_2:
0x6b: {  	(tag) =	ssettag $0x2  }
0x6c: {  	s0 =	rddreg [dreg:$0x0];
	s2 =	stileid.u32  }
0x6d: {  	s1 =	rddreg [dreg:$0x1];
	p0 =	sne.s32 s2, $0x0  }
0x6e: {  	s3 =	rddreg [dreg:$0x2];
	[bflag:$0x3] =	sbarrier.arrive $0xFFFF;
	s2 =	simm.s32 @!p0 $0x1C03  }
0x6f: {  	[timem:s3], [sflag:s2] =	dma.local @!p0 [hbm:s0], s1  }
0x70: {  	s0 =	simm.s32 @!p0 $0x3  }
0x71: {  	_ =	swait.ge @!p0 [sflag:s0], s1  }
0x72: {  	s1 =	ssub.s32 @!p0 $0x0, s1;
	[sflag:s0] =	ssyncset.done @!p0 $0x0  }
0x73: {  	[sflag:s0] =	ssyncadd.s32 @!p0 s1  }
0x74: {  	[bflag:$0x3] =	sbarrier.arrive $0xFFFF  }
0x75: {  	_ =	shalt  }

// kernel: kernel.16.cloned.1.call-start
scs
__scs_entry_jumppad:
0x0: {  	(pc) =	sbr.rel $0x88, $3  }
0x1: {  	(tag) =	ssettag $0x0;
	lr =	simm.s32 $0x1  }
0x2: {  	[smem:$0x3F99] =	sst lr;
	_ =	strace $0xD0000000  }
0x3: {  	_ = 	snop  }
0x4: {  	_ = 	snop  }
0x5: {  	_ = 	snop  }
0x6: {  	_ = 	snop  }
0x7: {  	_ = 	snop  }
__scs_overlays_trampoline_lowered:
0x8: {  	[smem:$0x3FA8] =	sst s0  }
0x9: {  	[smem:$0x3FA9] =	sst s1  }
0xa: {  	[smem:$0x3FAA] =	sst s2  }
0xb: {  	[smem:$0x3FAB] =	sst s3  }
0xc: {  	[smem:$0x3FAC] =	sst s4  }
0xd: {  	[smem:$0x3FAD] =	sst s5  }
0xe: {  	[smem:$0x3FAE] =	sst s6  }
0xf: {  	[smem:$0x3FAF] =	sst s7  }
0x10: {  	[smem:$0x3FB0] =	sst s8  }
0x11: {  	[smem:$0x3FB1] =	sst s9;
	s0 =	simm.s32 @!p0 $0x0  }
0x12: {  	s1 =	sld [smem:$0x3F97];
	s0 =	simm.s32 @p0 $0x1  }
0x13: {  	[smem:$0x3FB2] =	sst s0;
	s0 =	simm.s32 @!p1 $0x0  }
0x14: {  	s2 =	sld [smem:$0x3F96];
	s0 =	simm.s32 @p1 $0x1  }
0x15: {  	[smem:$0x3FB3] =	sst s0;
	s0 =	simm.s32 @!p2 $0x0  }
0x16: {  	s3 =	sld [smem:$0x3FDB];
	s0 =	simm.s32 @p2 $0x1  }
0x17: {  	s4 =	simm.s32 $0x1BF5;
	[smem:$0x3FB5] =	sst s0  }
0x18: {  	s0 =	sld [smem:$0x3F98];
	_ =	swait.ge [sflag:s4], $0x0  }
0x19: {  	s7 =	sld [smem:$0x3F99]  }
0x1a: {  	s8 =	sadd.s32 $0xFFFFE003, lr  }
0x1b: {  	s9 =	sadd.s32 $0xFFFFFEF7, lr;
	s5 =	simm.s32 $0xFFFFFFFF;
	p2 =	slt.u32 s8, $0xFFFFF086  }
0x1c: {  	p1 =	slt.u32 s9, $0xF7A;
	s5 =	simm.s32 @!p2 $0x0  }
0x1d: {  	s5 =	simm.s32 @p1 $0x1;
	p0 =	seq.s32 s7, s2  }
0x1e: {  	s7 =	smul.u32 @!p0 $0xF7A, s2;
	p2 =	seq.s32 @!p0 s5, $0x0  }
0x1f: {  	s9 =	smul.u32 $0xF7A, s1;
	s8 =	simm.s32 @!p0 $0x1BF5;
	p2 =	por !p2, p0  }
0x20: {  	[sflag:s8] =	ssyncset.s32 @!p0 $0xFFFFF086;
	s6 =	sadd.s32 @!p0 s3, s7;
	s7 =	simm.s32 @!p0 $0x108  }
0x21: {  	s3 =	sadd.s32 s3, s9;
	s6 =	sadd.s32 @!p0 $0x88, s6;
	s7 =	simm.s32 @p2 $0x1082  }
0x22: {  	[simem:s7], [sflag:s8] =	dma.local @!p0 [hbm:s6], $0xF7A  }
0x23: {  	s9 =	sor.u32 $0xD0000000, s2;
	s6 =	simm.s32 $0x108;
	_ =	swait.ge @!p0 [sflag:s8], $0x0  }
0x24: {  	s3 =	sadd.s32 $0x88, s3;
	s6 =	simm.s32 @!p1 $0x1082;
	[sflag:s4] =	ssyncset.s32 $0xFFFFF086  }
0x25: {  	[simem:s6], [sflag:s4] =	dma.local [hbm:s3], $0xF7A  }
0x26: {  	[smem:$0x3F99] =	sst s1;
	(tag) =	ssettag s2;
	_ =	strace s9  }
0x27: {  	s1 =	sld [smem:$0x3FA9]  }
0x28: {  	s2 =	sld [smem:$0x3FAA]  }
0x29: {  	s4 =	sld [smem:$0x3FAC]  }
0x2a: {  	p0 =	seq.s32 s5, $0x0;
	s5 =	sld [smem:$0x3FAD]  }
0x2b: {  	s6 =	sld [smem:$0x3FAE]  }
0x2c: {  	s7 =	sld [smem:$0x3FAF]  }
0x2d: {  	s3 =	simm.s32 $0x108;
	s8 =	sld [smem:$0x3FB0]  }
0x2e: {  	s3 =	simm.s32 @!p0 $0x1082;
	s9 =	sld [smem:$0x3FB1]  }
0x2f: {  	lr =	sadd.s32 s0, s3;
	s0 =	sld [smem:$0x3FA8]  }
0x30: {  	s3 =	sld [smem:$0x3FAB]  }
0x31: {  	[smem:$0x3FB4] =	sst s10  }
0x32: {  	s10 =	sld [smem:$0x3FB2];
	_ =	sdelay $0x3  }
0x33: {  	p0 =	seq.s32 s10, $0x1;
	s10 =	sld [smem:$0x3FB4];
	_ =	sdelay $0x3  }
0x34: {  	[smem:$0x3FB4] =	sst s10  }
0x35: {  	s10 =	sld [smem:$0x3FB3];
	_ =	sdelay $0x3  }
0x36: {  	p1 =	seq.s32 s10, $0x1;
	s10 =	sld [smem:$0x3FB4];
	_ =	sdelay $0x3  }
0x37: {  	[smem:$0x3FB4] =	sst s10  }
0x38: {  	s10 =	sld [smem:$0x3FB5]  }
0x39: {  	_ = 	snop;
	(pc) =	sbr.ind lr, $3  }
0x3a: {  	_ = 	snop  }
0x3b: {  	_ = 	snop  }
0x3c: {  	p2 =	seq.s32 s10, $0x1;
	s10 =	sld [smem:$0x3FB4]  }
0x3d: {  	_ =	shalt  }
0x3e: {  	_ =	shalt  }
0x3f: {  	_ =	shalt  }
0x40: {  	_ =	shalt  }
0x41: {  	_ =	shalt  }
0x42: {  	_ =	shalt  }
0x43: {  	_ =	shalt  }
0x44: {  	_ =	shalt  }
0x45: {  	_ =	shalt  }
0x46: {  	_ =	shalt  }
0x47: {  	_ =	shalt  }
0x48: {  	_ =	shalt  }
0x49: {  	_ =	shalt  }
0x4a: {  	_ =	shalt  }
0x4b: {  	_ =	shalt  }
0x4c: {  	_ =	shalt  }
0x4d: {  	_ =	shalt  }
0x4e: {  	_ =	shalt  }
0x4f: {  	_ =	shalt  }
0x50: {  	_ =	shalt  }
0x51: {  	_ =	shalt  }
0x52: {  	_ =	shalt  }
0x53: {  	_ =	shalt  }
0x54: {  	_ =	shalt  }
0x55: {  	_ =	shalt  }
0x56: {  	_ =	shalt  }
0x57: {  	_ =	shalt  }
0x58: {  	_ =	shalt  }
0x59: {  	_ =	shalt  }
0x5a: {  	_ =	shalt  }
0x5b: {  	_ =	shalt  }
0x5c: {  	_ =	shalt  }
0x5d: {  	_ =	shalt  }
0x5e: {  	_ =	shalt  }
0x5f: {  	_ =	shalt  }
0x60: {  	_ =	shalt  }
0x61: {  	_ =	shalt  }
0x62: {  	_ =	shalt  }
0x63: {  	_ =	shalt  }
0x64: {  	_ =	shalt  }
0x65: {  	_ =	shalt  }
0x66: {  	_ =	shalt  }
0x67: {  	_ =	shalt  }
0x68: {  	_ =	shalt  }
0x69: {  	_ =	shalt  }
0x6a: {  	_ =	shalt  }
0x6b: {  	_ =	shalt  }
0x6c: {  	_ =	shalt  }
0x6d: {  	_ =	shalt  }
0x6e: {  	_ =	shalt  }
0x6f: {  	_ =	shalt  }
0x70: {  	_ =	shalt  }
0x71: {  	_ =	shalt  }
0x72: {  	_ =	shalt  }
0x73: {  	_ =	shalt  }
0x74: {  	_ =	shalt  }
0x75: {  	_ =	shalt  }
0x76: {  	_ =	shalt  }
0x77: {  	_ =	shalt  }
0x78: {  	_ =	shalt  }
0x79: {  	_ =	shalt  }
0x7a: {  	_ =	shalt  }
0x7b: {  	_ =	shalt  }
0x7c: {  	_ =	shalt  }
0x7d: {  	_ =	shalt  }
0x7e: {  	_ =	shalt  }
0x7f: {  	_ =	shalt  }
0x80: {  	_ =	shalt  }
0x81: {  	_ =	shalt  }
0x82: {  	_ =	shalt  }
0x83: {  	_ =	shalt  }
0x84: {  	_ =	shalt  }
0x85: {  	_ =	shalt  }
0x86: {  	_ =	shalt  }
0x87: {  	_ =	shalt  }
.Lfunc_end0:
.L_simem_size_0:
called_computation.2_lowered:
.L_overlay_start_0:
0x88: {  	s2 =	sld [smem:$0x3FD9]  }
0x89: {  	s3 =	sld [smem:$0x3FFE];
	_ =	sdelay $0x1  }
0x8a: {  	s1 =	srdreg.scid  }
0x8b: {  	s0 =	sand.u32 $0x1, s1  }
0x8c: {  	s14 =	sshll.u32 s0, $0xA;
	s2 =	sadd.s32 s3, s2  }
0x8d: {  	s2 =	sadd.s32 s2, s14  }
0x8e: {  	[smem:$0x3FC0] =	sst s2  }
0x8f: {  	_ = 	snop  }
0x90: {  	s2 =	sld [smem:$0x3FD0];
	_ =	sdelay $0x2  }
0x91: {  	s15 =	simm.s32 $0xA;
	s4 =	simm.s32 $0x10  }
0x92: {  	[smem:s4], [sflag:s15] =	dma.local [hbm:s2], $0x1  }
0x93: {  	_ =	swait.eq [sflag:s15], $0x1  }
0x94: {  	s5 =	sld [smem:$0x10];
	[sflag:s15] =	ssyncset.done $0x0  }
0x95: {  	s6 =	sld [smem:$0x11];
	[sflag:s15] =	ssyncadd.s32 $0xFFFFFFFF  }
0x96: {  	s2 =	sadd.s32 $0x1, s2;
	s7 =	sld [smem:$0x15]  }
0x97: {  	[smem:s4], [sflag:s15] =	dma.local [hbm:s2], $0x1  }
0x98: {  	_ =	swait.eq [sflag:s15], $0x1  }
0x99: {  	[sflag:s15] =	ssyncset.done $0x0  }
0x9a: {  	[sflag:s15] =	ssyncadd.s32 $0xFFFFFFFF  }
0x9b: {  	s16 =	sld [smem:$0x10];
	(tm) =	ssettm $0x1  }
0x9c: {  	s17 =	sld [smem:$0x3FFB];
	_ =	sdelay $0x3  }
0x9d: {  	_ =	strace s17  }
0x9e: {  	s3 =	sld [smem:$0x3FFC];
	_ =	sdelay $0x3  }
0x9f: {  	_ =	strace s3  }
0xa0: {  	s3 =	sld [smem:$0x3FFD];
	_ =	sdelay $0x3  }
0xa1: {  	_ =	strace s3  }
0xa2: {  	_ =	strace $0x8FFFFFFF  }
0xa3: {  	s18 =	sld [smem:$0x3FDB];
	_ =	sdelay $0x1  }
0xa4: {  	s19 =	simm.s32 $_scs_section_size  }
0xa5: {  	s8 =	simm.s32 $_size__tile_overlayer_lowered;
	s9 =	simm.s32 $_tile_overlayer_lowered  }
0xa6: {  	s22 =	simm.s32 $0x1BFF;
	s21 =	sshll.u32 s9, $0x1;
	s3 =	sadd.s32 s19, s18  }
0xa7: {  	s10 =	simm.s32 $0x0;
	s20 =	sshll.u32 s8, $0x1;
	s8 =	sadd.s32 s21, s3  }
0xa8: {  	[timem:s10], [sflag:s22] =	dma.local [hbm:s8], s20  }
0xa9: {  	_ =	swait.ge [sflag:s22], s20  }
0xaa: {  	s4 =	ssub.s32 $0x0, s20;
	[sflag:s22] =	ssyncset.done $0x0  }
0xab: {  	[sflag:s22] =	ssyncadd.s32 s4;
	_ =	sdelay $0x1  }
0xac: {  	s23 =	simm.s32 $0x1B8B  }
0xad: {  	_ =	swait.ge [sflag:s23], $0x1  }
0xae: {  	[sflag:s23] =	ssyncset.done $0x0  }
0xaf: {  	s25 =	simm.s32 $0x1B8E;
	s24 =	sld [smem:$0x3FFE];
	[sflag:s23] =	ssyncadd.s32 $0xFFFFFFFF  }
0xb0: {  	s26 =	simm.s32 $execute0_lowered;
	[smem:$0x3FD2] =	sst s25  }
0xb1: {  	s8 =	sshll.u32 s26, $0x1;
	_ =	strace $0x8000004C;
	[dreg:$0x1] =	wrdreg $0xFFFFFFFF  }
0xb2: {  	s28 =	simm.s32 $_size_execute0_lowered;
	s3 =	sadd.s32 s3, s8;
	[dreg:$0x0] =	wrdreg $0x0  }
0xb3: {  	s8 =	sshll.u32 s28, $0x1;
	[dreg:$0x2] =	wrdreg s3  }
0xb4: {  	[dreg:$0x3] =	wrdreg s8  }
0xb5: {  	[dreg:$0x4] =	wrdreg $0xC0  }
0xb6: {  	_ =	task [dreg:s10], $0x5FFFF  }
0xb7: {  	[dreg:$0x1] =	wrdreg $0xFFFFFFFF  }
0xb8: {  	[dreg:$0x0] =	wrdreg $0x60  }
0xb9: {  	[dreg:$0x2] =	wrdreg s16  }
0xba: {  	[dreg:$0x3] =	wrdreg s6  }
0xbb: {  	[dreg:$0x4] =	wrdreg s7  }
0xbc: {  	[dreg:$0x5] =	wrdreg s5  }
0xbd: {  	[dreg:$0x6] =	wrdreg s24  }
0xbe: {  	[dreg:$0x7] =	wrdreg $0xB7800  }
0xbf: {  	[dreg:$0x8] =	wrdreg $0x9  }
0xc0: {  	_ =	task.clear_ibuf [dreg:s10], $0x9FFFF;
	_ =	strace $0x9000004C  }
0xc1: {  	s29 =	simm.s32 $0x9;
	_ =	strace $0x8000004E  }
0xc2: {  	_ =	swait.ge [sflag:s29], $0x1  }
0xc3: {  	[sflag:s29] =	ssyncadd.s32 $0xFFFFFFFF  }
0xc4: {  	_ =	strace $0x9000004E  }
0xc5: {  	_ =	sfence  }
0xc6: {  	s30 =	sld [smem:$0x0];
	_ =	sdelay $0x2  }
0xc7: {  	s31 =	sshll.u32 s1, $0xD;
	s1 =	sshrl.u32 s1, $0x2  }
0xc8: {  	s3 =	sand.u32 $0x4000, s31;
	s1 =	sadd.s32 s1, s30  }
0xc9: {  	s0 =	sor.u32 s3, s0;
	s1 =	sshll.u32 s1, $0x11  }
0xca: {  	s0 =	sor.u32 s1, s0  }
0xcb: {  	s0 =	sadd.s32 $0x8F2B, s0  }
0xcc: {  	[sflag:s0] =	ssyncadd.remote.s32 $0x1  }
0xcd: {  	_ =	sfence.sel $0xFFFF  }
0xce: {  	[dreg:$0x0] =	wrdreg $0xFFFFFFFF;
	(pc) =	sbr.abs _section_cstart, $3  }
0xcf: {  	[dreg:$0x1] =	wrdreg $0xFFFFFFFF  }
0xd0: {  	_ =	task.clear_ibuf [dreg:s10], $0x2FFFF;
	_ =	strace $0x9FFFFFFF  }
0xd1: {  	(tm) =	ssettm $0x7FFFFFFF  }
tec
execute0_lowered:
.L_overlay_start_1:
0x0: {  	(tag) =	ssettag $0x1  }
0x1: {  	s0 =	rddreg [dreg:$0x0]  }
0x2: {  	s7 =	rddreg [dreg:$0x1]  }
0x3: {  	s8 =	rddreg [dreg:$0x2]  }
0x4: {  	s1 =	rddreg [dreg:$0x3]  }
0x5: {  	s6 =	rddreg [dreg:$0x4];
	s2 =	srdreg.scid  }
0x6: {  	s4 =	rddreg [dreg:$0x5];
	s3 =	stileid.u32;
	s5 =	simm.s32 $0x0  }
0x7: {  	s16 =	simm.s32 $0x50;
	s17 =	simm.s32 $0x6780;
	s18 =	simm.s32 $0x1  }
0x8: {  	s19 =	simm.s32 $0x8F80;
	s20 =	simm.s32 $0x2;
	s21 =	simm.s32 $0x6580  }
0x9: {  	s9 =	sand.u32 $0x1, s2;
	s2 =	rddreg [dreg:$0x6];
	s11 =	smul.u32 $0x14000, s3  }
0xa: {  	s22 =	simm.s32 $0x0;
	[smem:$0x7FF] =	sst s5;
	s25 =	smul.u32 $0x50000, s3  }
0xb: {  	s14 =	sshll.u32 s3, $0x7;
	s30 =	sshll.u32 s3, $0x6;
	s10 =	smul.u32 $0x140000, s9  }
0xc: {  	s12 =	sshll.u32 s9, $0x4;
	_ =	strace $0x8000004D;
	s9 =	ssub.s32 $0x2, s9  }
0xd: {  	s14 =	sand.u32 $0x380, s14;
	s24 =	sor.u32 s3, s12;
	s26 =	sshrl.u32 s9, $0x1  }
0xe: {  	s28 =	sshrl.u32 s25, $0x2;
	s10 =	sadd.s32 s11, s10;
	s13 =	sshrl.u32 s24, $0x3  }
0xf: {  	s15 =	ssub.s32 s9, s26;
	s31 =	sshll.u32 s24, $0xB;
	s13 =	smul.u32 $0x13C00, s13  }
0x10: {  	s12 =	sadd.s32 s28, s4;
	s10 =	sshrl.u32 s10, $0x3;
	s8 =	sadd.s32 s8, s31  }
0x11: {  	s11 =	sshrl.u32 s12, $0x3;
	s12 =	simm.s32 $0x3;
	s29 =	sor.u32 s14, s13  }
0x12: {  	s10 =	sadd.s32 s10, s6;
	s6 =	sor.u32 $0x1C03, s30;
	s9 =	sshrl.u32 s29, $0x3  }
0x13: {  	s13 =	simm.s32 $0x80;
	s14 =	simm.s32 $0x400;
	s7 =	sadd.s32 s7, s9  }
0x14: {  	s9 =	sadd.s32 $0x3600, s10;
	s10 =	smax.u32 s15, $0x1;
	s15 =	simm.s32 $0x2780  }
.LBB2_1:
0x15: {  	[spmem:s11], [sflag:s6] =	dma.local [hbm:s1], $0x2800  }
0x16: {  	_ =	swait.ge [sflag:s12], $0x2800  }
0x17: {  	[sflag:s12] =	ssyncset.done $0x0  }
0x18: {  	[sflag:s12] =	ssyncadd.s32 $0xFFFFD800  }
0x19: {  	[tilespmem:s5], [sflag:$0x3] =	stream.strided.gather [hbm4b:s7+s13], $0x2780, s14, s13, $0x38;
	[tilespmem:$0x1F780] =	vst v63  }
0x1a: {  	_ =	swait.ge [sflag:s12], $0x2780  }
0x1b: {  	[sflag:s12] =	ssyncset.done $0x0  }
0x1c: {  	[sflag:s12] =	ssyncadd.s32 $0xFFFFD880  }
0x1d: {  	[tilespmem:s15], [sflag:$0x3] =	stream.linear.gather [hbm4b:s8+s5], $0x3E80, $0x38;
	[tilespmem:$0x1F780] =	vst v63  }
0x1e: {  	_ =	swait.ge [sflag:s12], $0x3E80  }
0x1f: {  	[sflag:s12] =	ssyncset.done $0x0  }
0x20: {  	[sflag:s12] =	ssyncadd.s32 $0xFFFFC180  }
0x21: {  	[bflag:$0x0] =	sbarrier.arrive $0xFFFF  }
0x22: {  	[tilespmem:s17], [sflag:$0x1] =	stream.indirect.gather [hbm4b:s0+s16], $0x80, s5, s16, $0xb8;
	[tilespmem:$0x1F780] =	vst v63  }
0x23: {  	_ =	swait.ge [sflag:s18], $0x2800  }
0x24: {  	[sflag:s18] =	ssyncset.done $0x0  }
0x25: {  	s23 =	simm.s32 $0x50;
	[sflag:s18] =	ssyncadd.s32 $0xFFFFD800  }
0x26: {  	[tilespmem:s19], [sflag:$0x2] =	stream.indirect.gather [hbm4b:s0+s16], $0x80, s23, s16, $0xb8;
	[tilespmem:$0x1F780] =	vst v63  }
0x27: {  	s29 =	simm.s32 $0x2780  }
0x28: {  	[spmem:s4] =	stream.indirect.scatter.add.f32 [tilespmem:s17], [sflag:$0x3], $0x80, s29, s16, $0xb8;
	[tilespmem:$0x1F780] =	vst v63  }
0x29: {  	_ =	swait.ge [sflag:s12], $0x2800  }
0x2a: {  	[sflag:s12] =	ssyncset.done $0x0  }
0x2b: {  	[sflag:s12] =	ssyncadd.s32 $0xFFFFD800  }
0x2c: {  	_ =	swait.ge [sflag:s20], $0x2800  }
0x2d: {  	[sflag:s20] =	ssyncset.done $0x0  }
0x2e: {  	s30 =	simm.s32 $0xA0;
	[sflag:s20] =	ssyncadd.s32 $0xFFFFD800  }
0x2f: {  	[tilespmem:s17], [sflag:$0x1] =	stream.indirect.gather [hbm4b:s0+s16], $0x80, s30, s16, $0xb8;
	[tilespmem:$0x1F780] =	vst v63  }
0x30: {  	s31 =	simm.s32 $0x2800  }
0x31: {  	[spmem:s4] =	stream.indirect.scatter.add.f32 [tilespmem:s19], [sflag:$0x3], $0x80, s31, s16, $0xb8;
	[tilespmem:$0x1F780] =	vst v63  }
0x32: {  	_ =	swait.ge [sflag:s12], $0x2800  }
0x33: {  	[sflag:s12] =	ssyncset.done $0x0  }
0x34: {  	[sflag:s12] =	ssyncadd.s32 $0xFFFFD800  }
0x35: {  	s24 =	simm.s32 $0x400;
	_ =	swait.ge [sflag:s18], $0x2800  }
0x36: {  	s25 =	simm.s32 $0x800;
	s23 =	simm.s32 $0x140;
	[sflag:s18] =	ssyncset.done $0x0  }
.LBB2_2:
0x37: {  	s26 =	sadd.s32 $0xFFFFFFB0, s23  }
0x38: {  	s28 =	sshra.s32 s24, $0x2;
	[sflag:s18] =	ssyncadd.s32 $0xFFFFD800;
	s24 =	smov.u32 s25  }
0x39: {  	[tilespmem:s19], [sflag:$0x2] =	stream.indirect.gather [hbm4b:s0+s16], $0x80, s26, s16, $0xb8;
	[tilespmem:$0x1F780] =	vst v63  }
0x3a: {  	p0 =	sne.s32 s25, $0xF400;
	s25 =	sadd.s32 $0x400, s25;
	s26 =	sadd.s32 $0x2780, s28  }
0x3b: {  	[spmem:s4] =	stream.indirect.scatter.add.f32 [tilespmem:s17], [sflag:$0x3], $0x80, s26, s16, $0xb8;
	[tilespmem:$0x1F780] =	vst v63  }
0x3c: {  	_ =	swait.ge [sflag:s12], $0x2800  }
0x3d: {  	[sflag:s12] =	ssyncset.done $0x0  }
0x3e: {  	[sflag:s12] =	ssyncadd.s32 $0xFFFFD800  }
0x3f: {  	_ =	swait.ge [sflag:s20], $0x2800  }
0x40: {  	[sflag:s20] =	ssyncset.done $0x0  }
0x41: {  	[sflag:s20] =	ssyncadd.s32 $0xFFFFD800  }
0x42: {  	[tilespmem:s17], [sflag:$0x1] =	stream.indirect.gather [hbm4b:s0+s16], $0x80, s23, s16, $0xb8;
	[tilespmem:$0x1F780] =	vst v63  }
0x43: {  	s26 =	sadd.s32 $0x2800, s28  }
0x44: {  	[spmem:s4] =	stream.indirect.scatter.add.f32 [tilespmem:s19], [sflag:$0x3], $0x80, s26, s16, $0xb8;
	[tilespmem:$0x1F780] =	vst v63  }
.Ltmp0:
0x45: {  	_ =	swait.ge [sflag:s12], $0x2800;
	(pc) =	sbr.rel @p0 .LBB2_2-.Ltmp0, $4  }
0x46: {  	[sflag:s12] =	ssyncset.done $0x0  }
0x47: {  	[sflag:s12] =	ssyncadd.s32 $0xFFFFD800  }
0x48: {  	_ =	swait.ge [sflag:s18], $0x2800  }
0x49: {  	s23 =	sadd.s32 $0xA0, s23;
	[sflag:s18] =	ssyncset.done $0x0  }
0x4a: {  	s25 =	sadd.s32 $0xFFFFFFB0, s23;
	s24 =	sshra.s32 s24, $0x2;
	[sflag:s18] =	ssyncadd.s32 $0xFFFFD800  }
0x4b: {  	[tilespmem:s19], [sflag:$0x2] =	stream.indirect.gather [hbm4b:s0+s16], $0x80, s25, s16, $0xb8;
	[tilespmem:$0x1F780] =	vst v63  }
0x4c: {  	s30 =	sadd.s32 $0x2780, s24  }
0x4d: {  	[spmem:s4] =	stream.indirect.scatter.add.f32 [tilespmem:s17], [sflag:$0x3], $0x80, s30, s16, $0xb8;
	[tilespmem:$0x1F780] =	vst v63  }
0x4e: {  	_ =	swait.ge [sflag:s12], $0x2800  }
0x4f: {  	[sflag:s12] =	ssyncset.done $0x0  }
0x50: {  	[sflag:s12] =	ssyncadd.s32 $0xFFFFD800  }
0x51: {  	_ =	swait.ge [sflag:s20], $0x2800  }
0x52: {  	[sflag:s20] =	ssyncset.done $0x0  }
0x53: {  	[sflag:s20] =	ssyncadd.s32 $0xFFFFD800  }
0x54: {  	[tilespmem:s17], [sflag:$0x1] =	stream.indirect.gather [hbm4b:s0+s16], $0x80, s23, s16, $0xb8;
	[tilespmem:$0x1F780] =	vst v63  }
0x55: {  	s31 =	sadd.s32 $0x2800, s24  }
0x56: {  	[spmem:s4] =	stream.indirect.scatter.add.f32 [tilespmem:s19], [sflag:$0x3], $0x80, s31, s16, $0xb8;
	[tilespmem:$0x1F780] =	vst v63  }
0x57: {  	_ =	swait.ge [sflag:s12], $0x2800  }
0x58: {  	[sflag:s12] =	ssyncset.done $0x0  }
0x59: {  	[sflag:s12] =	ssyncadd.s32 $0xFFFFD800  }
0x5a: {  	_ =	swait.ge [sflag:s18], $0x2800  }
0x5b: {  	[sflag:s18] =	ssyncset.done $0x0  }
0x5c: {  	[sflag:s18] =	ssyncadd.s32 $0xFFFFD800  }
0x5d: {  	[spmem:s4] =	stream.indirect.scatter.add.f32 [tilespmem:s17], [sflag:$0x3], $0x80, s21, s16, $0xb8;
	[tilespmem:$0x1F780] =	vst v63  }
0x5e: {  	_ =	swait.ge [sflag:s12], $0x2800  }
0x5f: {  	s22 =	sadd.s32 $0x1, s22;
	[sflag:s12] =	ssyncset.done $0x0  }
0x60: {  	p0 =	sne.s32 s22, s10;
	[sflag:s12] =	ssyncadd.s32 $0xFFFFD800  }
.Ltmp1:
0x61: {  	[bflag:$0x0] =	sbarrier.arrive $0xFFFF;
	(pc) =	sbr.rel @p0 .LBB2_1-.Ltmp1, $4  }
0x62: {  	[hbm:s9], [sflag:s6] =	dma.local [spmem:s11], $0x2800  }
0x63: {  	_ =	swait.ge [sflag:s12], $0x2800  }
0x64: {  	[sflag:s12] =	ssyncset.done $0x0  }
0x65: {  	[sflag:s12] =	ssyncadd.s32 $0xFFFFD800  }
0x66: {  	_ =	sfence.sel $0x180000  }
0x67: {  	[bflag:$0x0] =	sbarrier.arrive $0xFFFF  }
0x68: {  	p0 =	sne.s32 s3, $0x0;
	_ =	strace $0x9000004D  }
0x69: {  	s0 =	sadd.s32 @!p0 $0x100000, s2;
	[bflag:$0x2] =	sbarrier.arrive $0xFFFF  }
0x6a: {  	[sflag:s0] =	ssyncadd.tile.s32 @!p0 $0x1;
	_ =	shalt  }
.Lfunc_end2:
_tile_overlayer_lowered:
.L_overlay_start_2:
0x6b: {  	(tag) =	ssettag $0x2  }
0x6c: {  	s0 =	rddreg [dreg:$0x0];
	s2 =	stileid.u32  }
0x6d: {  	s1 =	rddreg [dreg:$0x1];
	p0 =	sne.s32 s2, $0x0  }
0x6e: {  	s3 =	rddreg [dreg:$0x2];
	[bflag:$0x3] =	sbarrier.arrive $0xFFFF;
	s2 =	simm.s32 @!p0 $0x1C03  }
0x6f: {  	[timem:s3], [sflag:s2] =	dma.local @!p0 [hbm:s0], s1  }
0x70: {  	s0 =	simm.s32 @!p0 $0x3  }
0x71: {  	_ =	swait.ge @!p0 [sflag:s0], s1  }
0x72: {  	s1 =	ssub.s32 @!p0 $0x0, s1;
	[sflag:s0] =	ssyncset.done @!p0 $0x0  }
0x73: {  	[sflag:s0] =	ssyncadd.s32 @!p0 s1  }
0x74: {  	[bflag:$0x3] =	sbarrier.arrive $0xFFFF  }
0x75: {  	_ =	shalt  }

// kernel: kernel.19.cloned.1.call-start
scs
__scs_entry_jumppad:
0x0: {  	(pc) =	sbr.rel $0x88, $3  }
0x1: {  	(tag) =	ssettag $0x0;
	lr =	simm.s32 $0x1  }
0x2: {  	[smem:$0x3F99] =	sst lr;
	_ =	strace $0xD0000000  }
0x3: {  	_ = 	snop  }
0x4: {  	_ = 	snop  }
0x5: {  	_ = 	snop  }
0x6: {  	_ = 	snop  }
0x7: {  	_ = 	snop  }
__scs_overlays_trampoline_lowered:
0x8: {  	[smem:$0x3FA8] =	sst s0  }
0x9: {  	[smem:$0x3FA9] =	sst s1  }
0xa: {  	[smem:$0x3FAA] =	sst s2  }
0xb: {  	[smem:$0x3FAB] =	sst s3  }
0xc: {  	[smem:$0x3FAC] =	sst s4  }
0xd: {  	[smem:$0x3FAD] =	sst s5  }
0xe: {  	[smem:$0x3FAE] =	sst s6  }
0xf: {  	[smem:$0x3FAF] =	sst s7  }
0x10: {  	[smem:$0x3FB0] =	sst s8  }
0x11: {  	[smem:$0x3FB1] =	sst s9;
	s0 =	simm.s32 @!p0 $0x0  }
0x12: {  	s1 =	sld [smem:$0x3F97];
	s0 =	simm.s32 @p0 $0x1  }
0x13: {  	[smem:$0x3FB2] =	sst s0;
	s0 =	simm.s32 @!p1 $0x0  }
0x14: {  	s2 =	sld [smem:$0x3F96];
	s0 =	simm.s32 @p1 $0x1  }
0x15: {  	[smem:$0x3FB3] =	sst s0;
	s0 =	simm.s32 @!p2 $0x0  }
0x16: {  	s3 =	sld [smem:$0x3FDB];
	s0 =	simm.s32 @p2 $0x1  }
0x17: {  	s4 =	simm.s32 $0x1BF5;
	[smem:$0x3FB5] =	sst s0  }
0x18: {  	s0 =	sld [smem:$0x3F98];
	_ =	swait.ge [sflag:s4], $0x0  }
0x19: {  	s7 =	sld [smem:$0x3F99]  }
0x1a: {  	s8 =	sadd.s32 $0xFFFFE003, lr  }
0x1b: {  	s9 =	sadd.s32 $0xFFFFFEF7, lr;
	s5 =	simm.s32 $0xFFFFFFFF;
	p2 =	slt.u32 s8, $0xFFFFF086  }
0x1c: {  	p1 =	slt.u32 s9, $0xF7A;
	s5 =	simm.s32 @!p2 $0x0  }
0x1d: {  	s5 =	simm.s32 @p1 $0x1;
	p0 =	seq.s32 s7, s2  }
0x1e: {  	s7 =	smul.u32 @!p0 $0xF7A, s2;
	p2 =	seq.s32 @!p0 s5, $0x0  }
0x1f: {  	s9 =	smul.u32 $0xF7A, s1;
	s8 =	simm.s32 @!p0 $0x1BF5;
	p2 =	por !p2, p0  }
0x20: {  	[sflag:s8] =	ssyncset.s32 @!p0 $0xFFFFF086;
	s6 =	sadd.s32 @!p0 s3, s7;
	s7 =	simm.s32 @!p0 $0x108  }
0x21: {  	s3 =	sadd.s32 s3, s9;
	s6 =	sadd.s32 @!p0 $0x88, s6;
	s7 =	simm.s32 @p2 $0x1082  }
0x22: {  	[simem:s7], [sflag:s8] =	dma.local @!p0 [hbm:s6], $0xF7A  }
0x23: {  	s9 =	sor.u32 $0xD0000000, s2;
	s6 =	simm.s32 $0x108;
	_ =	swait.ge @!p0 [sflag:s8], $0x0  }
0x24: {  	s3 =	sadd.s32 $0x88, s3;
	s6 =	simm.s32 @!p1 $0x1082;
	[sflag:s4] =	ssyncset.s32 $0xFFFFF086  }
0x25: {  	[simem:s6], [sflag:s4] =	dma.local [hbm:s3], $0xF7A  }
0x26: {  	[smem:$0x3F99] =	sst s1;
	(tag) =	ssettag s2;
	_ =	strace s9  }
0x27: {  	s1 =	sld [smem:$0x3FA9]  }
0x28: {  	s2 =	sld [smem:$0x3FAA]  }
0x29: {  	s4 =	sld [smem:$0x3FAC]  }
0x2a: {  	p0 =	seq.s32 s5, $0x0;
	s5 =	sld [smem:$0x3FAD]  }
0x2b: {  	s6 =	sld [smem:$0x3FAE]  }
0x2c: {  	s7 =	sld [smem:$0x3FAF]  }
0x2d: {  	s3 =	simm.s32 $0x108;
	s8 =	sld [smem:$0x3FB0]  }
0x2e: {  	s3 =	simm.s32 @!p0 $0x1082;
	s9 =	sld [smem:$0x3FB1]  }
0x2f: {  	lr =	sadd.s32 s0, s3;
	s0 =	sld [smem:$0x3FA8]  }
0x30: {  	s3 =	sld [smem:$0x3FAB]  }
0x31: {  	[smem:$0x3FB4] =	sst s10  }
0x32: {  	s10 =	sld [smem:$0x3FB2];
	_ =	sdelay $0x3  }
0x33: {  	p0 =	seq.s32 s10, $0x1;
	s10 =	sld [smem:$0x3FB4];
	_ =	sdelay $0x3  }
0x34: {  	[smem:$0x3FB4] =	sst s10  }
0x35: {  	s10 =	sld [smem:$0x3FB3];
	_ =	sdelay $0x3  }
0x36: {  	p1 =	seq.s32 s10, $0x1;
	s10 =	sld [smem:$0x3FB4];
	_ =	sdelay $0x3  }
0x37: {  	[smem:$0x3FB4] =	sst s10  }
0x38: {  	s10 =	sld [smem:$0x3FB5]  }
0x39: {  	_ = 	snop;
	(pc) =	sbr.ind lr, $3  }
0x3a: {  	_ = 	snop  }
0x3b: {  	_ = 	snop  }
0x3c: {  	p2 =	seq.s32 s10, $0x1;
	s10 =	sld [smem:$0x3FB4]  }
0x3d: {  	_ =	shalt  }
0x3e: {  	_ =	shalt  }
0x3f: {  	_ =	shalt  }
0x40: {  	_ =	shalt  }
0x41: {  	_ =	shalt  }
0x42: {  	_ =	shalt  }
0x43: {  	_ =	shalt  }
0x44: {  	_ =	shalt  }
0x45: {  	_ =	shalt  }
0x46: {  	_ =	shalt  }
0x47: {  	_ =	shalt  }
0x48: {  	_ =	shalt  }
0x49: {  	_ =	shalt  }
0x4a: {  	_ =	shalt  }
0x4b: {  	_ =	shalt  }
0x4c: {  	_ =	shalt  }
0x4d: {  	_ =	shalt  }
0x4e: {  	_ =	shalt  }
0x4f: {  	_ =	shalt  }
0x50: {  	_ =	shalt  }
0x51: {  	_ =	shalt  }
0x52: {  	_ =	shalt  }
0x53: {  	_ =	shalt  }
0x54: {  	_ =	shalt  }
0x55: {  	_ =	shalt  }
0x56: {  	_ =	shalt  }
0x57: {  	_ =	shalt  }
0x58: {  	_ =	shalt  }
0x59: {  	_ =	shalt  }
0x5a: {  	_ =	shalt  }
0x5b: {  	_ =	shalt  }
0x5c: {  	_ =	shalt  }
0x5d: {  	_ =	shalt  }
0x5e: {  	_ =	shalt  }
0x5f: {  	_ =	shalt  }
0x60: {  	_ =	shalt  }
0x61: {  	_ =	shalt  }
0x62: {  	_ =	shalt  }
0x63: {  	_ =	shalt  }
0x64: {  	_ =	shalt  }
0x65: {  	_ =	shalt  }
0x66: {  	_ =	shalt  }
0x67: {  	_ =	shalt  }
0x68: {  	_ =	shalt  }
0x69: {  	_ =	shalt  }
0x6a: {  	_ =	shalt  }
0x6b: {  	_ =	shalt  }
0x6c: {  	_ =	shalt  }
0x6d: {  	_ =	shalt  }
0x6e: {  	_ =	shalt  }
0x6f: {  	_ =	shalt  }
0x70: {  	_ =	shalt  }
0x71: {  	_ =	shalt  }
0x72: {  	_ =	shalt  }
0x73: {  	_ =	shalt  }
0x74: {  	_ =	shalt  }
0x75: {  	_ =	shalt  }
0x76: {  	_ =	shalt  }
0x77: {  	_ =	shalt  }
0x78: {  	_ =	shalt  }
0x79: {  	_ =	shalt  }
0x7a: {  	_ =	shalt  }
0x7b: {  	_ =	shalt  }
0x7c: {  	_ =	shalt  }
0x7d: {  	_ =	shalt  }
0x7e: {  	_ =	shalt  }
0x7f: {  	_ =	shalt  }
0x80: {  	_ =	shalt  }
0x81: {  	_ =	shalt  }
0x82: {  	_ =	shalt  }
0x83: {  	_ =	shalt  }
0x84: {  	_ =	shalt  }
0x85: {  	_ =	shalt  }
0x86: {  	_ =	shalt  }
0x87: {  	_ =	shalt  }
.Lfunc_end0:
.L_simem_size_0:
called_computation.3_lowered:
.L_overlay_start_0:
0x88: {  	s2 =	sld [smem:$0x3FD9]  }
0x89: {  	s3 =	sld [smem:$0x3FFE];
	_ =	sdelay $0x1  }
0x8a: {  	s1 =	srdreg.scid  }
0x8b: {  	s0 =	sand.u32 $0x1, s1  }
0x8c: {  	s14 =	sshll.u32 s0, $0xA;
	s2 =	sadd.s32 s3, s2  }
0x8d: {  	s2 =	sadd.s32 s2, s14  }
0x8e: {  	[smem:$0x3FC0] =	sst s2  }
0x8f: {  	_ = 	snop  }
0x90: {  	s2 =	sld [smem:$0x3FD0];
	_ =	sdelay $0x2  }
0x91: {  	s15 =	simm.s32 $0xA;
	s4 =	simm.s32 $0x10  }
0x92: {  	[smem:s4], [sflag:s15] =	dma.local [hbm:s2], $0x1  }
0x93: {  	_ =	swait.eq [sflag:s15], $0x1  }
0x94: {  	s5 =	sld [smem:$0x10];
	[sflag:s15] =	ssyncset.done $0x0  }
0x95: {  	s6 =	sld [smem:$0x11];
	[sflag:s15] =	ssyncadd.s32 $0xFFFFFFFF  }
0x96: {  	s2 =	sadd.s32 $0x1, s2;
	s7 =	sld [smem:$0x15]  }
0x97: {  	[smem:s4], [sflag:s15] =	dma.local [hbm:s2], $0x1  }
0x98: {  	_ =	swait.eq [sflag:s15], $0x1  }
0x99: {  	[sflag:s15] =	ssyncset.done $0x0  }
0x9a: {  	[sflag:s15] =	ssyncadd.s32 $0xFFFFFFFF  }
0x9b: {  	s16 =	sld [smem:$0x10];
	(tm) =	ssettm $0x1  }
0x9c: {  	s17 =	sld [smem:$0x3FFB];
	_ =	sdelay $0x3  }
0x9d: {  	_ =	strace s17  }
0x9e: {  	s3 =	sld [smem:$0x3FFC];
	_ =	sdelay $0x3  }
0x9f: {  	_ =	strace s3  }
0xa0: {  	s3 =	sld [smem:$0x3FFD];
	_ =	sdelay $0x3  }
0xa1: {  	_ =	strace s3  }
0xa2: {  	_ =	strace $0x8FFFFFFF  }
0xa3: {  	s18 =	sld [smem:$0x3FDB];
	_ =	sdelay $0x1  }
0xa4: {  	s19 =	simm.s32 $_scs_section_size  }
0xa5: {  	s8 =	simm.s32 $_size__tile_overlayer_lowered;
	s9 =	simm.s32 $_tile_overlayer_lowered  }
0xa6: {  	s22 =	simm.s32 $0x1BFF;
	s21 =	sshll.u32 s9, $0x1;
	s3 =	sadd.s32 s19, s18  }
0xa7: {  	s10 =	simm.s32 $0x0;
	s20 =	sshll.u32 s8, $0x1;
	s8 =	sadd.s32 s21, s3  }
0xa8: {  	[timem:s10], [sflag:s22] =	dma.local [hbm:s8], s20  }
0xa9: {  	_ =	swait.ge [sflag:s22], s20  }
0xaa: {  	s4 =	ssub.s32 $0x0, s20;
	[sflag:s22] =	ssyncset.done $0x0  }
0xab: {  	[sflag:s22] =	ssyncadd.s32 s4;
	_ =	sdelay $0x1  }
0xac: {  	s23 =	simm.s32 $0x1B8B  }
0xad: {  	_ =	swait.ge [sflag:s23], $0x1  }
0xae: {  	[sflag:s23] =	ssyncset.done $0x0  }
0xaf: {  	s25 =	simm.s32 $0x1B8E;
	s24 =	sld [smem:$0x3FFE];
	[sflag:s23] =	ssyncadd.s32 $0xFFFFFFFF  }
0xb0: {  	s26 =	simm.s32 $execute0_lowered;
	[smem:$0x3FD2] =	sst s25  }
0xb1: {  	s8 =	sshll.u32 s26, $0x1;
	_ =	strace $0x8000004F;
	[dreg:$0x1] =	wrdreg $0xFFFFFFFF  }
0xb2: {  	s28 =	simm.s32 $_size_execute0_lowered;
	s3 =	sadd.s32 s3, s8;
	[dreg:$0x0] =	wrdreg $0x0  }
0xb3: {  	s8 =	sshll.u32 s28, $0x1;
	[dreg:$0x2] =	wrdreg s3  }
0xb4: {  	[dreg:$0x3] =	wrdreg s8  }
0xb5: {  	[dreg:$0x4] =	wrdreg $0xC0  }
0xb6: {  	_ =	task [dreg:s10], $0x5FFFF  }
0xb7: {  	[dreg:$0x1] =	wrdreg $0xFFFFFFFF  }
0xb8: {  	[dreg:$0x0] =	wrdreg $0x60  }
0xb9: {  	[dreg:$0x2] =	wrdreg s16  }
0xba: {  	[dreg:$0x3] =	wrdreg s6  }
0xbb: {  	[dreg:$0x4] =	wrdreg s7  }
0xbc: {  	[dreg:$0x5] =	wrdreg s5  }
0xbd: {  	[dreg:$0x6] =	wrdreg s24  }
0xbe: {  	[dreg:$0x7] =	wrdreg $0xB7800  }
0xbf: {  	[dreg:$0x8] =	wrdreg $0x9  }
0xc0: {  	_ =	task.clear_ibuf [dreg:s10], $0x9FFFF;
	_ =	strace $0x9000004F  }
0xc1: {  	s29 =	simm.s32 $0x9;
	_ =	strace $0x80000051  }
0xc2: {  	_ =	swait.ge [sflag:s29], $0x1  }
0xc3: {  	[sflag:s29] =	ssyncadd.s32 $0xFFFFFFFF  }
0xc4: {  	_ =	strace $0x90000051  }
0xc5: {  	_ =	sfence  }
0xc6: {  	s30 =	sld [smem:$0x0];
	_ =	sdelay $0x2  }
0xc7: {  	s31 =	sshll.u32 s1, $0xD;
	s1 =	sshrl.u32 s1, $0x2  }
0xc8: {  	s3 =	sand.u32 $0x4000, s31;
	s1 =	sadd.s32 s1, s30  }
0xc9: {  	s0 =	sor.u32 s3, s0;
	s1 =	sshll.u32 s1, $0x11  }
0xca: {  	s0 =	sor.u32 s1, s0  }
0xcb: {  	s0 =	sadd.s32 $0x8F2B, s0  }
0xcc: {  	[sflag:s0] =	ssyncadd.remote.s32 $0x1  }
0xcd: {  	_ =	sfence.sel $0xFFFF  }
0xce: {  	[dreg:$0x0] =	wrdreg $0xFFFFFFFF;
	(pc) =	sbr.abs _section_cstart, $3  }
0xcf: {  	[dreg:$0x1] =	wrdreg $0xFFFFFFFF  }
0xd0: {  	_ =	task.clear_ibuf [dreg:s10], $0x2FFFF;
	_ =	strace $0x9FFFFFFF  }
0xd1: {  	(tm) =	ssettm $0x7FFFFFFF  }
tec
execute0_lowered:
.L_overlay_start_1:
0x0: {  	(tag) =	ssettag $0x1  }
0x1: {  	s0 =	rddreg [dreg:$0x0]  }
0x2: {  	s7 =	rddreg [dreg:$0x1]  }
0x3: {  	s8 =	rddreg [dreg:$0x2]  }
0x4: {  	s1 =	rddreg [dreg:$0x3]  }
0x5: {  	s6 =	rddreg [dreg:$0x4];
	s2 =	srdreg.scid  }
0x6: {  	s4 =	rddreg [dreg:$0x5];
	s3 =	stileid.u32;
	s5 =	simm.s32 $0x0  }
0x7: {  	s16 =	simm.s32 $0x50;
	s17 =	simm.s32 $0x6780;
	s18 =	simm.s32 $0x1  }
0x8: {  	s19 =	simm.s32 $0x8F80;
	s20 =	simm.s32 $0x2;
	s21 =	simm.s32 $0x6580  }
0x9: {  	s9 =	sand.u32 $0x1, s2;
	s2 =	rddreg [dreg:$0x6];
	s11 =	smul.u32 $0x14000, s3  }
0xa: {  	s22 =	simm.s32 $0x0;
	[smem:$0x7FF] =	sst s5;
	s25 =	smul.u32 $0x50000, s3  }
0xb: {  	s14 =	sshll.u32 s3, $0x7;
	s30 =	sshll.u32 s3, $0x6;
	s10 =	smul.u32 $0x140000, s9  }
0xc: {  	s12 =	sshll.u32 s9, $0x4;
	_ =	strace $0x80000050;
	s9 =	ssub.s32 $0x2, s9  }
0xd: {  	s14 =	sand.u32 $0x380, s14;
	s24 =	sor.u32 s3, s12;
	s26 =	sshrl.u32 s9, $0x1  }
0xe: {  	s28 =	sshrl.u32 s25, $0x2;
	s10 =	sadd.s32 s11, s10;
	s13 =	sshrl.u32 s24, $0x3  }
0xf: {  	s15 =	ssub.s32 s9, s26;
	s31 =	sshll.u32 s24, $0xB;
	s13 =	smul.u32 $0x13C00, s13  }
0x10: {  	s12 =	sadd.s32 s28, s4;
	s10 =	sshrl.u32 s10, $0x3;
	s8 =	sadd.s32 s8, s31  }
0x11: {  	s11 =	sshrl.u32 s12, $0x3;
	s12 =	simm.s32 $0x3;
	s29 =	sor.u32 s14, s13  }
0x12: {  	s10 =	sadd.s32 s10, s6;
	s6 =	sor.u32 $0x1C03, s30;
	s9 =	sshrl.u32 s29, $0x3  }
0x13: {  	s13 =	simm.s32 $0x80;
	s14 =	simm.s32 $0x400;
	s7 =	sadd.s32 s7, s9  }
0x14: {  	s9 =	sadd.s32 $0x3600, s10;
	s10 =	smax.u32 s15, $0x1;
	s15 =	simm.s32 $0x2780  }
.LBB2_1:
0x15: {  	[spmem:s11], [sflag:s6] =	dma.local [hbm:s1], $0x2800  }
0x16: {  	_ =	swait.ge [sflag:s12], $0x2800  }
0x17: {  	[sflag:s12] =	ssyncset.done $0x0  }
0x18: {  	[sflag:s12] =	ssyncadd.s32 $0xFFFFD800  }
0x19: {  	[tilespmem:s5], [sflag:$0x3] =	stream.strided.gather [hbm4b:s7+s13], $0x2780, s14, s13, $0x38;
	[tilespmem:$0x1F780] =	vst v63  }
0x1a: {  	_ =	swait.ge [sflag:s12], $0x2780  }
0x1b: {  	[sflag:s12] =	ssyncset.done $0x0  }
0x1c: {  	[sflag:s12] =	ssyncadd.s32 $0xFFFFD880  }
0x1d: {  	[tilespmem:s15], [sflag:$0x3] =	stream.linear.gather [hbm4b:s8+s5], $0x3E80, $0x38;
	[tilespmem:$0x1F780] =	vst v63  }
0x1e: {  	_ =	swait.ge [sflag:s12], $0x3E80  }
0x1f: {  	[sflag:s12] =	ssyncset.done $0x0  }
0x20: {  	[sflag:s12] =	ssyncadd.s32 $0xFFFFC180  }
0x21: {  	[bflag:$0x0] =	sbarrier.arrive $0xFFFF  }
0x22: {  	[tilespmem:s17], [sflag:$0x1] =	stream.indirect.gather [hbm4b:s0+s16], $0x80, s5, s16, $0xb8;
	[tilespmem:$0x1F780] =	vst v63  }
0x23: {  	_ =	swait.ge [sflag:s18], $0x2800  }
0x24: {  	[sflag:s18] =	ssyncset.done $0x0  }
0x25: {  	s23 =	simm.s32 $0x50;
	[sflag:s18] =	ssyncadd.s32 $0xFFFFD800  }
0x26: {  	[tilespmem:s19], [sflag:$0x2] =	stream.indirect.gather [hbm4b:s0+s16], $0x80, s23, s16, $0xb8;
	[tilespmem:$0x1F780] =	vst v63  }
0x27: {  	s29 =	simm.s32 $0x2780  }
0x28: {  	[spmem:s4] =	stream.indirect.scatter.add.f32 [tilespmem:s17], [sflag:$0x3], $0x80, s29, s16, $0xb8;
	[tilespmem:$0x1F780] =	vst v63  }
0x29: {  	_ =	swait.ge [sflag:s12], $0x2800  }
0x2a: {  	[sflag:s12] =	ssyncset.done $0x0  }
0x2b: {  	[sflag:s12] =	ssyncadd.s32 $0xFFFFD800  }
0x2c: {  	_ =	swait.ge [sflag:s20], $0x2800  }
0x2d: {  	[sflag:s20] =	ssyncset.done $0x0  }
0x2e: {  	s30 =	simm.s32 $0xA0;
	[sflag:s20] =	ssyncadd.s32 $0xFFFFD800  }
0x2f: {  	[tilespmem:s17], [sflag:$0x1] =	stream.indirect.gather [hbm4b:s0+s16], $0x80, s30, s16, $0xb8;
	[tilespmem:$0x1F780] =	vst v63  }
0x30: {  	s31 =	simm.s32 $0x2800  }
0x31: {  	[spmem:s4] =	stream.indirect.scatter.add.f32 [tilespmem:s19], [sflag:$0x3], $0x80, s31, s16, $0xb8;
	[tilespmem:$0x1F780] =	vst v63  }
0x32: {  	_ =	swait.ge [sflag:s12], $0x2800  }
0x33: {  	[sflag:s12] =	ssyncset.done $0x0  }
0x34: {  	[sflag:s12] =	ssyncadd.s32 $0xFFFFD800  }
0x35: {  	s24 =	simm.s32 $0x400;
	_ =	swait.ge [sflag:s18], $0x2800  }
0x36: {  	s25 =	simm.s32 $0x800;
	s23 =	simm.s32 $0x140;
	[sflag:s18] =	ssyncset.done $0x0  }
.LBB2_2:
0x37: {  	s26 =	sadd.s32 $0xFFFFFFB0, s23  }
0x38: {  	s28 =	sshra.s32 s24, $0x2;
	[sflag:s18] =	ssyncadd.s32 $0xFFFFD800;
	s24 =	smov.u32 s25  }
0x39: {  	[tilespmem:s19], [sflag:$0x2] =	stream.indirect.gather [hbm4b:s0+s16], $0x80, s26, s16, $0xb8;
	[tilespmem:$0x1F780] =	vst v63  }
0x3a: {  	p0 =	sne.s32 s25, $0xF400;
	s25 =	sadd.s32 $0x400, s25;
	s26 =	sadd.s32 $0x2780, s28  }
0x3b: {  	[spmem:s4] =	stream.indirect.scatter.add.f32 [tilespmem:s17], [sflag:$0x3], $0x80, s26, s16, $0xb8;
	[tilespmem:$0x1F780] =	vst v63  }
0x3c: {  	_ =	swait.ge [sflag:s12], $0x2800  }
0x3d: {  	[sflag:s12] =	ssyncset.done $0x0  }
0x3e: {  	[sflag:s12] =	ssyncadd.s32 $0xFFFFD800  }
0x3f: {  	_ =	swait.ge [sflag:s20], $0x2800  }
0x40: {  	[sflag:s20] =	ssyncset.done $0x0  }
0x41: {  	[sflag:s20] =	ssyncadd.s32 $0xFFFFD800  }
0x42: {  	[tilespmem:s17], [sflag:$0x1] =	stream.indirect.gather [hbm4b:s0+s16], $0x80, s23, s16, $0xb8;
	[tilespmem:$0x1F780] =	vst v63  }
0x43: {  	s26 =	sadd.s32 $0x2800, s28  }
0x44: {  	[spmem:s4] =	stream.indirect.scatter.add.f32 [tilespmem:s19], [sflag:$0x3], $0x80, s26, s16, $0xb8;
	[tilespmem:$0x1F780] =	vst v63  }
.Ltmp0:
0x45: {  	_ =	swait.ge [sflag:s12], $0x2800;
	(pc) =	sbr.rel @p0 .LBB2_2-.Ltmp0, $4  }
0x46: {  	[sflag:s12] =	ssyncset.done $0x0  }
0x47: {  	[sflag:s12] =	ssyncadd.s32 $0xFFFFD800  }
0x48: {  	_ =	swait.ge [sflag:s18], $0x2800  }
0x49: {  	s23 =	sadd.s32 $0xA0, s23;
	[sflag:s18] =	ssyncset.done $0x0  }
0x4a: {  	s25 =	sadd.s32 $0xFFFFFFB0, s23;
	s24 =	sshra.s32 s24, $0x2;
	[sflag:s18] =	ssyncadd.s32 $0xFFFFD800  }
0x4b: {  	[tilespmem:s19], [sflag:$0x2] =	stream.indirect.gather [hbm4b:s0+s16], $0x80, s25, s16, $0xb8;
	[tilespmem:$0x1F780] =	vst v63  }
0x4c: {  	s30 =	sadd.s32 $0x2780, s24  }
0x4d: {  	[spmem:s4] =	stream.indirect.scatter.add.f32 [tilespmem:s17], [sflag:$0x3], $0x80, s30, s16, $0xb8;
	[tilespmem:$0x1F780] =	vst v63  }
0x4e: {  	_ =	swait.ge [sflag:s12], $0x2800  }
0x4f: {  	[sflag:s12] =	ssyncset.done $0x0  }
0x50: {  	[sflag:s12] =	ssyncadd.s32 $0xFFFFD800  }
0x51: {  	_ =	swait.ge [sflag:s20], $0x2800  }
0x52: {  	[sflag:s20] =	ssyncset.done $0x0  }
0x53: {  	[sflag:s20] =	ssyncadd.s32 $0xFFFFD800  }
0x54: {  	[tilespmem:s17], [sflag:$0x1] =	stream.indirect.gather [hbm4b:s0+s16], $0x80, s23, s16, $0xb8;
	[tilespmem:$0x1F780] =	vst v63  }
0x55: {  	s31 =	sadd.s32 $0x2800, s24  }
0x56: {  	[spmem:s4] =	stream.indirect.scatter.add.f32 [tilespmem:s19], [sflag:$0x3], $0x80, s31, s16, $0xb8;
	[tilespmem:$0x1F780] =	vst v63  }
0x57: {  	_ =	swait.ge [sflag:s12], $0x2800  }
0x58: {  	[sflag:s12] =	ssyncset.done $0x0  }
0x59: {  	[sflag:s12] =	ssyncadd.s32 $0xFFFFD800  }
0x5a: {  	_ =	swait.ge [sflag:s18], $0x2800  }
0x5b: {  	[sflag:s18] =	ssyncset.done $0x0  }
0x5c: {  	[sflag:s18] =	ssyncadd.s32 $0xFFFFD800  }
0x5d: {  	[spmem:s4] =	stream.indirect.scatter.add.f32 [tilespmem:s17], [sflag:$0x3], $0x80, s21, s16, $0xb8;
	[tilespmem:$0x1F780] =	vst v63  }
0x5e: {  	_ =	swait.ge [sflag:s12], $0x2800  }
0x5f: {  	s22 =	sadd.s32 $0x1, s22;
	[sflag:s12] =	ssyncset.done $0x0  }
0x60: {  	p0 =	sne.s32 s22, s10;
	[sflag:s12] =	ssyncadd.s32 $0xFFFFD800  }
.Ltmp1:
0x61: {  	[bflag:$0x0] =	sbarrier.arrive $0xFFFF;
	(pc) =	sbr.rel @p0 .LBB2_1-.Ltmp1, $4  }
0x62: {  	[hbm:s9], [sflag:s6] =	dma.local [spmem:s11], $0x2800  }
0x63: {  	_ =	swait.ge [sflag:s12], $0x2800  }
0x64: {  	[sflag:s12] =	ssyncset.done $0x0  }
0x65: {  	[sflag:s12] =	ssyncadd.s32 $0xFFFFD800  }
0x66: {  	_ =	sfence.sel $0x180000  }
0x67: {  	[bflag:$0x0] =	sbarrier.arrive $0xFFFF  }
0x68: {  	p0 =	sne.s32 s3, $0x0;
	_ =	strace $0x90000050  }
0x69: {  	s0 =	sadd.s32 @!p0 $0x100000, s2;
	[bflag:$0x2] =	sbarrier.arrive $0xFFFF  }
0x6a: {  	[sflag:s0] =	ssyncadd.tile.s32 @!p0 $0x1;
	_ =	shalt  }
.Lfunc_end2:
_tile_overlayer_lowered:
.L_overlay_start_2:
0x6b: {  	(tag) =	ssettag $0x2  }
0x6c: {  	s0 =	rddreg [dreg:$0x0];
	s2 =	stileid.u32  }
0x6d: {  	s1 =	rddreg [dreg:$0x1];
	p0 =	sne.s32 s2, $0x0  }
0x6e: {  	s3 =	rddreg [dreg:$0x2];
	[bflag:$0x3] =	sbarrier.arrive $0xFFFF;
	s2 =	simm.s32 @!p0 $0x1C03  }
0x6f: {  	[timem:s3], [sflag:s2] =	dma.local @!p0 [hbm:s0], s1  }
0x70: {  	s0 =	simm.s32 @!p0 $0x3  }
0x71: {  	_ =	swait.ge @!p0 [sflag:s0], s1  }
0x72: {  	s1 =	ssub.s32 @!p0 $0x0, s1;
	[sflag:s0] =	ssyncset.done @!p0 $0x0  }
0x73: {  	[sflag:s0] =	ssyncadd.s32 @!p0 s1  }
0x74: {  	[bflag:$0x3] =	sbarrier.arrive $0xFFFF  }
0x75: {  	_ =	shalt  }

</sc_bundles>
